<compile_context>
chip_gen: v7x
topology: tpu7x:2x2x1
jax: 0.10.2.dev20260603
libtpu: 0.0.44.dev20260713+nightly
codegen_flags: <defaults>
</compile_context>

<pallas_src>
import functools

import jax
import jax.numpy as jnp
from jax import lax
from jax.experimental import pallas as pl
from jax.experimental.pallas import tpu as pltpu
from jax.experimental.pallas import tpu_sc as plsc

_B = 1024
_N = 20
_D = 64
_BB = 16
_BN = _BB * _N
_NB = _B // _BB
_RATE = 0.5
_ALPHA = 0.2

_NC = 2
_NS = 16
_NW = _NC * _NS
_PER_W = _B * _N // _NW
_G = _PER_W // 128
_SPW = _B // _NW


def _sc_gather(table, idxa3, idxb3):
    mesh = plsc.VectorSubcoreMesh(core_axis_name="c", subcore_axis_name="s")

    @functools.partial(
        pl.kernel,
        out_type=(
            jax.ShapeDtypeStruct((_B * _N, 128), jnp.float32),
            jax.ShapeDtypeStruct((_B, 128), jnp.float32),
        ),
        mesh=mesh,
        scratch_types=[
            pltpu.VMEM((_G, 128), jnp.int32),
            pltpu.VMEM((_G, 128), jnp.int32),
            pltpu.VMEM((_PER_W, _D), jnp.float32),
            pltpu.VMEM((_PER_W, _D), jnp.float32),
            pltpu.VMEM((_SPW, _D), jnp.float32),
            pltpu.SemaphoreType.DMA,
        ],
        compiler_params=pltpu.CompilerParams(use_tc_tiling_on_sc=False),
    )
    def gk(table_hbm, idxa_hbm, idxb_hbm,
           outh_hbm, outs_hbm, ia_v, ib_v, ra_v, rb_v, acc_v, sem):
        wid = lax.axis_index("s") * _NC + lax.axis_index("c")
        pltpu.sync_copy(idxa_hbm.at[wid], ia_v)
        pltpu.sync_copy(idxb_hbm.at[wid], ib_v)
        cps = []
        for j in range(_G):
            cps.append(pltpu.async_copy(
                table_hbm.at[ia_v.at[j]],
                ra_v.at[pl.ds(j * 128, 128)], sem))
            cps.append(pltpu.async_copy(
                table_hbm.at[ib_v.at[j]],
                rb_v.at[pl.ds(j * 128, 128)], sem))
        for cp in cps:
            cp.wait()
        outcp = pltpu.async_copy(
            ra_v, outh_hbm.at[pl.ds(wid * _PER_W, _PER_W), pl.ds(0, _D)],
            sem)

        def reduce_one(s, carry):
            base = s * _N
            for c in range(_D // 16):
                acc = rb_v[base, pl.ds(c * 16, 16)]
                for t in range(1, _N):
                    acc = acc + rb_v[base + t, pl.ds(c * 16, 16)]
                acc_v[s, pl.ds(c * 16, 16)] = acc
            return carry

        lax.fori_loop(0, _SPW, reduce_one, 0)
        outcp.wait()
        pltpu.sync_copy(
            acc_v, outs_hbm.at[pl.ds(wid * _SPW, _SPW), pl.ds(0, _D)])

    return gk(table, idxa3, idxb3)


def _sigmoid(x):
    return 0.5 * (jnp.tanh(0.5 * x) + 1.0)


def _dense_body(h_ref, sm_ref, adj_ref, hg_ref, ab_ref,
                w1_ref, w2_ref, gb_ref, wih_ref, whh_ref, bg_ref,
                out_ref, lout_ref, gout_ref):
    f32 = jnp.float32
    H = h_ref[...][:, 0:_D]
    SM = sm_ref[...][:, 0:_D]
    ab = ab_ref[...]
    W1 = w1_ref[...]
    W2 = w2_ref[...]
    GB = gb_ref[...]
    WIH = wih_ref[...]
    WHH = whh_ref[...]
    BG = bg_ref[...]
    A3 = adj_ref[...]
    G3 = hg_ref[...]

    ADJ = jnp.concatenate([A3[b] for b in range(_BB)], axis=0).astype(f32)
    HG = jnp.concatenate([G3[b] for b in range(_BB)], axis=0)

    dot = lambda a, b: lax.dot_general(
        a, b, (((1,), (0,)), ((), ())), preferred_element_type=f32)
    dott = lambda a, b: lax.dot_general(
        a, b, (((1,), (1,)), ((), ())), preferred_element_type=f32)

    rb = lax.broadcasted_iota(jnp.int32, (_BN, _BN), 0) // _N
    cb = lax.broadcasted_iota(jnp.int32, (_BN, _BN), 1) // _N
    blk = rb == cb
    blkf = blk.astype(f32)
    tj = lax.broadcasted_iota(jnp.int32, (_N, _BN), 0)
    tcc = lax.broadcasted_iota(jnp.int32, (_N, _BN), 1)
    T = (tcc % _N == tj).astype(f32)
    ADJB = blkf * dot(ADJ, T)
    HGB = blkf * dot(HG, T)

    r160 = lax.broadcasted_iota(jnp.int32, (_BN, _BB), 0) // _N
    b160 = lax.broadcasted_iota(jnp.int32, (_BN, _BB), 1)
    R8 = (r160 == b160).astype(f32)
    SESS = dot(R8, SM * f32(1.0 / _N))

    NEG = f32(-9e15)
    VNEG = f32(-3e38)
    adjm = [ADJB == f32(k + 1) for k in range(4)]

    def local_weights(src, hop):
        rows = []
        for k in range(4):
            a = ab[(hop * 4 + k) * 8:(hop * 4 + k) * 8 + 1, :]
            rows.append(src * a)
        A = jnp.concatenate(rows, axis=0)
        E = dott(A, src)
        al = jnp.full((_BN, _BN), NEG, dtype=f32)
        for k in range(4):
            ek = E[k * _BN:(k + 1) * _BN, :]
            al = jnp.where(adjm[k], ek, al)
        al = jnp.maximum(al, f32(_ALPHA) * al)
        al = jnp.where(blk, al, VNEG)
        m = jnp.max(al, axis=1, keepdims=True)
        ex = jnp.exp(al - m)
        return ex * (1.0 / jnp.sum(ex, axis=1, keepdims=True))

    def global_rest(src, neigh, hop):
        cat = jnp.concatenate([neigh, SESS], axis=1)
        gate = _sigmoid(dot(cat, W1[hop]))
        mix = gate * neigh + (1.0 - gate) * src
        pre = dot(mix, W2[hop]) + GB[hop * 8:hop * 8 + 1, :]
        return jnp.maximum(pre, 0.0)

    al0 = local_weights(H, 0)
    P0 = dot(jnp.concatenate([al0, HGB], axis=0), H)
    hl0 = P0[0:_BN]
    hg0 = global_rest(H, P0[_BN:2 * _BN], 0)
    al1 = local_weights(hl0, 1)
    hl1 = dot(al1, hl0)
    hg1 = global_rest(hg0, dot(HGB, hg0), 1)

    b_r = BG[0:1, :]
    b_z = BG[8:9, :]
    b_in = BG[16:17, :]
    b_hn = BG[24:25, :]

    bf = jnp.bfloat16
    WIHb = WIH.astype(bf)
    WHHb = WHH.astype(bf)

    def gru2(x2, hx2):
        gi = dot(x2.astype(bf), WIHb)
        gh = dot(hx2.astype(bf), WHHb)
        g = gi + gh
        r = _sigmoid(g[:, 0:_D] + b_r)
        z = _sigmoid(g[:, _D:2 * _D] + b_z)
        n = jnp.tanh(gi[:, 2 * _D:3 * _D] + b_in +
                     r * (gh[:, 2 * _D:3 * _D] + b_hn))
        return (1.0 - z) * n + z * hx2

    y = gru2(jnp.concatenate([hg0, hl0], axis=0),
             jnp.concatenate([hl0, hg0], axis=0))
    gres, lres = y[0:_BN], y[_BN:2 * _BN]
    y = gru2(jnp.concatenate([gres, lres], axis=0),
             jnp.concatenate([hl1, hg1], axis=0))
    gres, lres = y[0:_BN], y[_BN:2 * _BN]

    lout = f32(_RATE) * lres + hl0
    gout = f32(_RATE) * gres + hg1
    out = lout + gout
    for b in range(_BB):
        sl = slice(b * _N, (b + 1) * _N)
        out_ref[b] = out[sl, :]
        lout_ref[b] = lout[sl, :]
        gout_ref[b] = gout[sl, :]


def _dense_in_specs():
    return [
        pl.BlockSpec((_BN, 128), lambda i: (i, 0)),
        pl.BlockSpec((_BB, 128), lambda i: (i, 0)),
        pl.BlockSpec((_BB, _N, _N), lambda i: (i, 0, 0)),
        pl.BlockSpec((_BB, _N, _N), lambda i: (i, 0, 0)),
        pl.BlockSpec((64, _D), lambda i: (0, 0)),
        pl.BlockSpec((2, 2 * _D, _D), lambda i: (0, 0, 0)),
        pl.BlockSpec((2, _D, _D), lambda i: (0, 0, 0)),
        pl.BlockSpec((16, _D), lambda i: (0, 0)),
        pl.BlockSpec((_D, 3 * _D), lambda i: (0, 0)),
        pl.BlockSpec((_D, 3 * _D), lambda i: (0, 0)),
        pl.BlockSpec((32, _D), lambda i: (0, 0)),
    ]


def kernel(inputs, adj, mask_item, item, data, hg_adj, embedding,
           la_a0, la_a1, la_a2, la_a3, ga_w1, ga_w2, ga_b,
           gru_w_ih, gru_w_hh, gru_b_ih, gru_b_hh, adj_all, num):
    B, N = inputs.shape
    V, D = embedding.shape
    assert (B, N, D) == (_B, _N, _D)

    idxa3 = inputs.reshape(_NW, _G, 128).astype(jnp.int32)
    idxb3 = item.reshape(_NW, _G, 128).astype(jnp.int32)
    gath, sums = _sc_gather(embedding, idxa3, idxb3)

    a_all = jnp.stack([la_a0, la_a1, la_a2, la_a3])
    ab = jnp.repeat(a_all.transpose(1, 0, 2).reshape(8, D), 8, axis=0)
    gbpad = jnp.repeat(ga_b, 8, axis=0)
    wihT = gru_w_ih.T
    whhT = gru_w_hh.T
    bg = jnp.repeat(jnp.stack([
        gru_b_ih[0:D] + gru_b_hh[0:D],
        gru_b_ih[D:2 * D] + gru_b_hh[D:2 * D],
        gru_b_ih[2 * D:3 * D],
        gru_b_hh[2 * D:3 * D],
    ]), 8, axis=0)

    out_sds = jax.ShapeDtypeStruct((B, N, D), jnp.float32)
    outs = pl.pallas_call(
        _dense_body,
        grid=(_NB,),
        in_specs=_dense_in_specs(),
        out_specs=[pl.BlockSpec((_BB, _N, _D), lambda i: (i, 0, 0))] * 3,
        out_shape=[out_sds] * 3,
        compiler_params=pltpu.CompilerParams(
            dimension_semantics=("parallel",)),
    )(gath, sums, adj, hg_adj, ab, ga_w1, ga_w2, gbpad,
      wihT, whhT, bg)

    return (outs[0], outs[1], outs[2])

# --- scband reference (transcript-rebuilt; emitter-appended) ---
"""Pipeline reference for scband-combine-graph-56238301774297 (READ-ONLY COPY).

The authoritative reference and input builder live on the scoring server;
editing this copy changes nothing except your own understanding.
"""

import jax, jax.numpy as jnp
import numpy as np

V = 100000
D = 64
B = 1024
N = 20
HOP = 2
NS = 5
RATE = 0.5
ALPHA = 0.2


def setup_inputs(seed: int = 0):
    key = jax.random.key(seed)
    ks = jax.random.split(key, 24)
    s = 1.0 / np.sqrt(D)
    def u(k, shape):
        return jax.random.uniform(k, shape, minval=-s, maxval=s, dtype=jnp.float32)
    inp = {}
    inp['inputs'] = jax.random.randint(ks[0], (B, N), 0, V)
    inp['adj'] = jax.random.randint(ks[1], (B, N, N), 0, 5)
    inp['mask_item'] = jnp.ones((B, N), dtype=jnp.float32)
    inp['item'] = jax.random.randint(ks[2], (B, N), 0, V)
    inp['data'] = jnp.zeros((1,), dtype=jnp.float32)
    inp['hg_adj'] = jax.random.uniform(ks[3], (B, N, N), dtype=jnp.float32)
    inp['embedding'] = u(ks[4], (V, D))
    inp['la_a0'] = u(ks[5], (HOP, D))
    inp['la_a1'] = u(ks[6], (HOP, D))
    inp['la_a2'] = u(ks[7], (HOP, D))
    inp['la_a3'] = u(ks[8], (HOP, D))
    inp['ga_w1'] = u(ks[9], (HOP, 2 * D, D))
    inp['ga_w2'] = u(ks[10], (HOP, D, D))
    inp['ga_b'] = u(ks[11], (HOP, D))
    inp['gru_w_ih'] = u(ks[12], (3 * D, D))
    inp['gru_w_hh'] = u(ks[13], (3 * D, D))
    inp['gru_b_ih'] = u(ks[14], (3 * D,))
    inp['gru_b_hh'] = u(ks[15], (3 * D,))
    inp['adj_all'] = jax.random.randint(ks[16], (V, NS), 0, V)
    inp['num'] = jax.random.uniform(ks[17], (V, NS), dtype=jnp.float32)
    return inp


def _local_agg(h, adj, a0, a1, a2, a3):
    a_input = h[:, :, None, :] * h[:, None, :, :]
    def e(a):
        return jax.nn.leaky_relu(jnp.einsum('bijd,d->bij', a_input, a), ALPHA)
    e0, e1, e2, e3 = e(a0), e(a1), e(a2), e(a3)
    neg = -9e15 * jnp.ones_like(e0)
    al = jnp.where(adj == 1, e0, neg)
    al = jnp.where(adj == 2, e1, al)
    al = jnp.where(adj == 3, e2, al)
    al = jnp.where(adj == 4, e3, al)
    al = jax.nn.softmax(al, axis=-1)
    return jnp.matmul(al, h)


def _global_agg(h, hg_adj, mask, session, w1, w2, b):
    neigh = jnp.matmul(hg_adj, h)
    gate = jax.nn.sigmoid(jnp.matmul(jnp.concatenate([neigh, session], axis=-1), w1))
    return jax.nn.relu(jnp.matmul(gate * neigh + (1.0 - gate) * h, w2) + b)


def _gru_cell(x, hx, w_ih, w_hh, b_ih, b_hh):
    gi = jnp.matmul(x, w_ih.T) + b_ih
    gh = jnp.matmul(hx, w_hh.T) + b_hh
    i_r, i_z, i_n = jnp.split(gi, 3, axis=-1)
    h_r, h_z, h_n = jnp.split(gh, 3, axis=-1)
    r = jax.nn.sigmoid(i_r + h_r)
    z = jax.nn.sigmoid(i_z + h_z)
    n = jnp.tanh(i_n + r * h_n)
    return (1.0 - z) * n + z * hx


def reference(inputs, adj, mask_item, item, data, hg_adj, embedding, la_a0, la_a1, la_a2, la_a3, ga_w1, ga_w2, ga_b, gru_w_ih, gru_w_hh, gru_b_ih, gru_b_hh, adj_all, num):
    batch_size, seqs_len = inputs.shape
    h = embedding[inputs]
    h_local_all = []
    for i in range(HOP):
        src = h if i == 0 else h_local_all[i - 1]
        h_local_all.append(_local_agg(src, adj, la_a0[i], la_a1[i], la_a2[i], la_a3[i]))
    item_neighbors = [inputs]
    support_size = seqs_len
    for i in range(1, HOP + 1):
        flat = item_neighbors[-1].reshape(-1)
        item_sample_i = adj_all[flat]
        weight_sample_i = num[flat]
        support_size *= NS
        item_neighbors.append(item_sample_i.reshape(batch_size, support_size))
    entity_vectors = [embedding[t] for t in item_neighbors]
    m = mask_item.astype(jnp.float32)[:, :, None]
    item_emb = embedding[item] * m
    sum_item_emb = jnp.sum(item_emb, axis=1) / jnp.sum(mask_item.astype(jnp.float32), axis=-1)[:, None]
    sum_item_emb = sum_item_emb[:, None, :]
    session_info = [jnp.tile(sum_item_emb, (1, entity_vectors[i].shape[1], 1)) for i in range(HOP)]
    h_global_all = []
    for n_hop in range(HOP):
        src = h if n_hop == 0 else h_global_all[n_hop - 1]
        sess = session_info[n_hop] if n_hop == 0 else session_info[0]
        h_global_all.append(_global_agg(src, hg_adj, mask_item, sess, ga_w1[n_hop], ga_w2[n_hop], ga_b[n_hop]))
    h_local0 = h_local_all[0]
    h_global0 = h_global_all[0]
    h_global_res = None
    h_local_res = None
    for j in range(HOP):
        gin = h_global0 if j == 0 else h_global_res
        h_global_res = jax.lax.stop_gradient(_gru_cell(gin, h_local_all[j], gru_w_ih, gru_w_hh, gru_b_ih, gru_b_hh))
        lin = h_local0 if j == 0 else h_local_res
        h_local_res = jax.lax.stop_gradient(_gru_cell(lin, h_global_all[j], gru_w_ih, gru_w_hh, gru_b_ih, gru_b_hh))
    h_local_res = RATE * h_local_res + h_local_all[0]
    h_global_res = RATE * h_global_res + h_global_all[HOP - 1]
    output = h_local_res + h_global_res
    return (output, h_local_res, h_global_res)

if __name__ == "__main__":
    import jax
    _d = setup_inputs()
    print(jax.jit(kernel)(*tuple(_d.values())))

</pallas_src>

<mosaic_0001>
#map = affine_map<(d0, d1) -> (0, 0)>
#map1 = affine_map<(d0, d1) -> (0, 0, 0)>
module attributes {stable_mosaic.version = 14 : i64} {
  func.func @gk(%arg0: i32, %arg1: i32, %arg2: memref<100000x64xf32, #tpu.memory_space<hbm>>, %arg3: memref<32x5x128xi32, #tpu.memory_space<hbm>>, %arg4: memref<32x5x128xi32, #tpu.memory_space<hbm>>, %arg5: memref<20480x128xf32, #tpu.memory_space<hbm>>, %arg6: memref<1024x128xf32, #tpu.memory_space<hbm>>, %arg7: memref<5x128xi32, #tpu.memory_space<vmem>>, %arg8: memref<5x128xi32, #tpu.memory_space<vmem>>, %arg9: memref<640x64xf32, #tpu.memory_space<vmem>>, %arg10: memref<640x64xf32, #tpu.memory_space<vmem>>, %arg11: memref<32x64xf32, #tpu.memory_space<vmem>>, %arg12: memref<!tpu.dma_semaphore, #tpu.memory_space<semaphore_mem>>) attributes {dimension_semantics = [#tpu.dimension_semantics<core_parallel>, #tpu.dimension_semantics<subcore_parallel>], iteration_bounds = array<i64: 2, 16>, scalar_prefetch = 0 : i64, scratch_operands = 6 : i64, tpu.core_type = #tpu.core_type<sc_vector_subcore>, window_params = [{transform_indices = #map}, {transform_indices = #map1}, {transform_indices = #map1}, {transform_indices = #map}, {transform_indices = #map}]} {
    %mul3A = arith.constant 2 : i32
    %mul3A_0 = arith.muli %arg1, %mul3A : i32
    %add3A = arith.addi %mul3A_0, %arg0 : i32
    "tpu.region"() ({
      %run_scoped3A = tpu.sem_alloc : memref<!tpu.dma_semaphore, #tpu.memory_space<semaphore_mem>>
      %dma_start3A_216 = arith.constant 0 : i32
      %dma_start3A_217 = arith.constant 0 : i32
      %dma_start3A_218 = tpu.memref_slice %arg3[%add3A, %dma_start3A_216, %dma_start3A_217] : memref<32x5x128xi32, #tpu.memory_space<hbm>> -> memref<1x5x128xi32, #tpu.memory_space<hbm>>
      %dma_start3A_219 = tpu.memref_squeeze %dma_start3A_218 : memref<1x5x128xi32, #tpu.memory_space<hbm>> -> memref<5x128xi32, #tpu.memory_space<hbm>>
      %dma_start3A_220 = arith.constant 0 : i32
      %dma_start3A_221 = arith.constant 0 : i32
      %dma_start3A_222 = tpu.memref_slice %arg3[%add3A, %dma_start3A_220, %dma_start3A_221] : memref<32x5x128xi32, #tpu.memory_space<hbm>> -> memref<1x5x128xi32, #tpu.memory_space<hbm>>
      %dma_start3A_223 = tpu.memref_squeeze %dma_start3A_222 : memref<1x5x128xi32, #tpu.memory_space<hbm>> -> memref<5x128xi32, #tpu.memory_space<hbm>>
      tpu.enqueue_dma source(%dma_start3A_223 : memref<5x128xi32, #tpu.memory_space<hbm>>) target(%arg7 : memref<5x128xi32, #tpu.memory_space<vmem>>) target_semaphore(%run_scoped3A : memref<!tpu.dma_semaphore, #tpu.memory_space<semaphore_mem>>)
      %dma_wait3A_224 = arith.constant 0 : i32
      %dma_wait3A_225 = arith.constant 0 : i32
      %dma_wait3A_226 = tpu.memref_slice %arg3[%add3A, %dma_wait3A_224, %dma_wait3A_225] : memref<32x5x128xi32, #tpu.memory_space<hbm>> -> memref<1x5x128xi32, #tpu.memory_space<hbm>>
      %dma_wait3A_227 = tpu.memref_squeeze %dma_wait3A_226 : memref<1x5x128xi32, #tpu.memory_space<hbm>> -> memref<5x128xi32, #tpu.memory_space<hbm>>
      %dma_wait3A_228 = arith.constant 0 : i32
      %dma_wait3A_229 = arith.constant 0 : i32
      %dma_wait3A_230 = tpu.memref_slice %arg3[%add3A, %dma_wait3A_228, %dma_wait3A_229] : memref<32x5x128xi32, #tpu.memory_space<hbm>> -> memref<1x5x128xi32, #tpu.memory_space<hbm>>
      %dma_wait3A_231 = tpu.memref_squeeze %dma_wait3A_230 : memref<1x5x128xi32, #tpu.memory_space<hbm>> -> memref<5x128xi32, #tpu.memory_space<hbm>>
      tpu.wait_dma2 semaphore(%run_scoped3A : memref<!tpu.dma_semaphore, #tpu.memory_space<semaphore_mem>>) src(%dma_wait3A_231 : memref<5x128xi32, #tpu.memory_space<hbm>>) dst(%arg7 : memref<5x128xi32, #tpu.memory_space<vmem>>)
      tpu.yield
    }) : () -> ()
    "tpu.region"() ({
      %run_scoped3A = tpu.sem_alloc : memref<!tpu.dma_semaphore, #tpu.memory_space<semaphore_mem>>
      %dma_start3A_216 = arith.constant 0 : i32
      %dma_start3A_217 = arith.constant 0 : i32
      %dma_start3A_218 = tpu.memref_slice %arg4[%add3A, %dma_start3A_216, %dma_start3A_217] : memref<32x5x128xi32, #tpu.memory_space<hbm>> -> memref<1x5x128xi32, #tpu.memory_space<hbm>>
      %dma_start3A_219 = tpu.memref_squeeze %dma_start3A_218 : memref<1x5x128xi32, #tpu.memory_space<hbm>> -> memref<5x128xi32, #tpu.memory_space<hbm>>
      %dma_start3A_220 = arith.constant 0 : i32
      %dma_start3A_221 = arith.constant 0 : i32
      %dma_start3A_222 = tpu.memref_slice %arg4[%add3A, %dma_start3A_220, %dma_start3A_221] : memref<32x5x128xi32, #tpu.memory_space<hbm>> -> memref<1x5x128xi32, #tpu.memory_space<hbm>>
      %dma_start3A_223 = tpu.memref_squeeze %dma_start3A_222 : memref<1x5x128xi32, #tpu.memory_space<hbm>> -> memref<5x128xi32, #tpu.memory_space<hbm>>
      tpu.enqueue_dma source(%dma_start3A_223 : memref<5x128xi32, #tpu.memory_space<hbm>>) target(%arg8 : memref<5x128xi32, #tpu.memory_space<vmem>>) target_semaphore(%run_scoped3A : memref<!tpu.dma_semaphore, #tpu.memory_space<semaphore_mem>>)
      %dma_wait3A_224 = arith.constant 0 : i32
      %dma_wait3A_225 = arith.constant 0 : i32
      %dma_wait3A_226 = tpu.memref_slice %arg4[%add3A, %dma_wait3A_224, %dma_wait3A_225] : memref<32x5x128xi32, #tpu.memory_space<hbm>> -> memref<1x5x128xi32, #tpu.memory_space<hbm>>
      %dma_wait3A_227 = tpu.memref_squeeze %dma_wait3A_226 : memref<1x5x128xi32, #tpu.memory_space<hbm>> -> memref<5x128xi32, #tpu.memory_space<hbm>>
      %dma_wait3A_228 = arith.constant 0 : i32
      %dma_wait3A_229 = arith.constant 0 : i32
      %dma_wait3A_230 = tpu.memref_slice %arg4[%add3A, %dma_wait3A_228, %dma_wait3A_229] : memref<32x5x128xi32, #tpu.memory_space<hbm>> -> memref<1x5x128xi32, #tpu.memory_space<hbm>>
      %dma_wait3A_231 = tpu.memref_squeeze %dma_wait3A_230 : memref<1x5x128xi32, #tpu.memory_space<hbm>> -> memref<5x128xi32, #tpu.memory_space<hbm>>
      tpu.wait_dma2 semaphore(%run_scoped3A : memref<!tpu.dma_semaphore, #tpu.memory_space<semaphore_mem>>) src(%dma_wait3A_231 : memref<5x128xi32, #tpu.memory_space<hbm>>) dst(%arg8 : memref<5x128xi32, #tpu.memory_space<vmem>>)
      tpu.yield
    }) : () -> ()
    %dma_start3A = arith.constant 0 : i32
    %dma_start3A_1 = arith.constant 0 : i32
    %dma_start3A_2 = arith.constant 0 : i32
    %dma_start3A_3 = tpu.memref_slice %arg9[%dma_start3A_1, %dma_start3A_2] : memref<640x64xf32, #tpu.memory_space<vmem>> -> memref<128x64xf32, #tpu.memory_space<vmem>>
    %dma_start3A_4 = arith.constant 0 : i32
    %dma_start3A_5 = tpu.memref_slice %arg7[%dma_start3A, %dma_start3A_4] : memref<5x128xi32, #tpu.memory_space<vmem>> -> memref<1x128xi32, #tpu.memory_space<vmem>>
    %dma_start3A_6 = tpu.memref_squeeze %dma_start3A_5 : memref<1x128xi32, #tpu.memory_space<vmem>> -> memref<128xi32, #tpu.memory_space<vmem>>
    %dma_start3A_7 = arith.constant 0 : i32
    %dma_start3A_8 = arith.constant 0 : i32
    %dma_start3A_9 = tpu.memref_slice %arg2[%dma_start3A_7, %dma_start3A_8] : memref<100000x64xf32, #tpu.memory_space<hbm>> -> memref<100000x64xf32, #tpu.memory_space<hbm>>
    tpu.enqueue_indirect_dma source(%dma_start3A_9 : memref<100000x64xf32, #tpu.memory_space<hbm>>) target(%dma_start3A_3 : memref<128x64xf32, #tpu.memory_space<vmem>>) offsets(%dma_start3A_6 : memref<128xi32, #tpu.memory_space<vmem>>) semaphore(%arg12 : memref<!tpu.dma_semaphore, #tpu.memory_space<semaphore_mem>>)
    %dma_start3A_10 = arith.constant 0 : i32
    %dma_start3A_11 = arith.constant 0 : i32
    %dma_start3A_12 = arith.constant 0 : i32
    %dma_start3A_13 = tpu.memref_slice %arg10[%dma_start3A_11, %dma_start3A_12] : memref<640x64xf32, #tpu.memory_space<vmem>> -> memref<128x64xf32, #tpu.memory_space<vmem>>
    %dma_start3A_14 = arith.constant 0 : i32
    %dma_start3A_15 = tpu.memref_slice %arg8[%dma_start3A_10, %dma_start3A_14] : memref<5x128xi32, #tpu.memory_space<vmem>> -> memref<1x128xi32, #tpu.memory_space<vmem>>
    %dma_start3A_16 = tpu.memref_squeeze %dma_start3A_15 : memref<1x128xi32, #tpu.memory_space<vmem>> -> memref<128xi32, #tpu.memory_space<vmem>>
    %dma_start3A_17 = arith.constant 0 : i32
    %dma_start3A_18 = arith.constant 0 : i32
    %dma_start3A_19 = tpu.memref_slice %arg2[%dma_start3A_17, %dma_start3A_18] : memref<100000x64xf32, #tpu.memory_space<hbm>> -> memref<100000x64xf32, #tpu.memory_space<hbm>>
    tpu.enqueue_indirect_dma source(%dma_start3A_19 : memref<100000x64xf32, #tpu.memory_space<hbm>>) target(%dma_start3A_13 : memref<128x64xf32, #tpu.memory_space<vmem>>) offsets(%dma_start3A_16 : memref<128xi32, #tpu.memory_space<vmem>>) semaphore(%arg12 : memref<!tpu.dma_semaphore, #tpu.memory_space<semaphore_mem>>)
    %dma_start3A_20 = arith.constant 1 : i32
    %dma_start3A_21 = arith.constant 128 : i32
    %dma_start3A_22 = arith.constant 0 : i32
    %dma_start3A_23 = tpu.memref_slice %arg9[%dma_start3A_21, %dma_start3A_22] : memref<640x64xf32, #tpu.memory_space<vmem>> -> memref<128x64xf32, #tpu.memory_space<vmem>>
    %dma_start3A_24 = arith.constant 0 : i32
    %dma_start3A_25 = tpu.memref_slice %arg7[%dma_start3A_20, %dma_start3A_24] : memref<5x128xi32, #tpu.memory_space<vmem>> -> memref<1x128xi32, #tpu.memory_space<vmem>>
    %dma_start3A_26 = tpu.memref_squeeze %dma_start3A_25 : memref<1x128xi32, #tpu.memory_space<vmem>> -> memref<128xi32, #tpu.memory_space<vmem>>
    %dma_start3A_27 = arith.constant 0 : i32
    %dma_start3A_28 = arith.constant 0 : i32
    %dma_start3A_29 = tpu.memref_slice %arg2[%dma_start3A_27, %dma_start3A_28] : memref<100000x64xf32, #tpu.memory_space<hbm>> -> memref<100000x64xf32, #tpu.memory_space<hbm>>
    tpu.enqueue_indirect_dma source(%dma_start3A_29 : memref<100000x64xf32, #tpu.memory_space<hbm>>) target(%dma_start3A_23 : memref<128x64xf32, #tpu.memory_space<vmem>>) offsets(%dma_start3A_26 : memref<128xi32, #tpu.memory_space<vmem>>) semaphore(%arg12 : memref<!tpu.dma_semaphore, #tpu.memory_space<semaphore_mem>>)
    %dma_start3A_30 = arith.constant 1 : i32
    %dma_start3A_31 = arith.constant 128 : i32
    %dma_start3A_32 = arith.constant 0 : i32
    %dma_start3A_33 = tpu.memref_slice %arg10[%dma_start3A_31, %dma_start3A_32] : memref<640x64xf32, #tpu.memory_space<vmem>> -> memref<128x64xf32, #tpu.memory_space<vmem>>
    %dma_start3A_34 = arith.constant 0 : i32
    %dma_start3A_35 = tpu.memref_slice %arg8[%dma_start3A_30, %dma_start3A_34] : memref<5x128xi32, #tpu.memory_space<vmem>> -> memref<1x128xi32, #tpu.memory_space<vmem>>
    %dma_start3A_36 = tpu.memref_squeeze %dma_start3A_35 : memref<1x128xi32, #tpu.memory_space<vmem>> -> memref<128xi32, #tpu.memory_space<vmem>>
    %dma_start3A_37 = arith.constant 0 : i32
    %dma_start3A_38 = arith.constant 0 : i32
    %dma_start3A_39 = tpu.memref_slice %arg2[%dma_start3A_37, %dma_start3A_38] : memref<100000x64xf32, #tpu.memory_space<hbm>> -> memref<100000x64xf32, #tpu.memory_space<hbm>>
    tpu.enqueue_indirect_dma source(%dma_start3A_39 : memref<100000x64xf32, #tpu.memory_space<hbm>>) target(%dma_start3A_33 : memref<128x64xf32, #tpu.memory_space<vmem>>) offsets(%dma_start3A_36 : memref<128xi32, #tpu.memory_space<vmem>>) semaphore(%arg12 : memref<!tpu.dma_semaphore, #tpu.memory_space<semaphore_mem>>)
    %dma_start3A_40 = arith.constant 2 : i32
    %dma_start3A_41 = arith.constant 256 : i32
    %dma_start3A_42 = arith.constant 0 : i32
    %dma_start3A_43 = tpu.memref_slice %arg9[%dma_start3A_41, %dma_start3A_42] : memref<640x64xf32, #tpu.memory_space<vmem>> -> memref<128x64xf32, #tpu.memory_space<vmem>>
    %dma_start3A_44 = arith.constant 0 : i32
    %dma_start3A_45 = tpu.memref_slice %arg7[%dma_start3A_40, %dma_start3A_44] : memref<5x128xi32, #tpu.memory_space<vmem>> -> memref<1x128xi32, #tpu.memory_space<vmem>>
    %dma_start3A_46 = tpu.memref_squeeze %dma_start3A_45 : memref<1x128xi32, #tpu.memory_space<vmem>> -> memref<128xi32, #tpu.memory_space<vmem>>
    %dma_start3A_47 = arith.constant 0 : i32
    %dma_start3A_48 = arith.constant 0 : i32
    %dma_start3A_49 = tpu.memref_slice %arg2[%dma_start3A_47, %dma_start3A_48] : memref<100000x64xf32, #tpu.memory_space<hbm>> -> memref<100000x64xf32, #tpu.memory_space<hbm>>
    tpu.enqueue_indirect_dma source(%dma_start3A_49 : memref<100000x64xf32, #tpu.memory_space<hbm>>) target(%dma_start3A_43 : memref<128x64xf32, #tpu.memory_space<vmem>>) offsets(%dma_start3A_46 : memref<128xi32, #tpu.memory_space<vmem>>) semaphore(%arg12 : memref<!tpu.dma_semaphore, #tpu.memory_space<semaphore_mem>>)
    %dma_start3A_50 = arith.constant 2 : i32
    %dma_start3A_51 = arith.constant 256 : i32
    %dma_start3A_52 = arith.constant 0 : i32
    %dma_start3A_53 = tpu.memref_slice %arg10[%dma_start3A_51, %dma_start3A_52] : memref<640x64xf32, #tpu.memory_space<vmem>> -> memref<128x64xf32, #tpu.memory_space<vmem>>
    %dma_start3A_54 = arith.constant 0 : i32
    %dma_start3A_55 = tpu.memref_slice %arg8[%dma_start3A_50, %dma_start3A_54] : memref<5x128xi32, #tpu.memory_space<vmem>> -> memref<1x128xi32, #tpu.memory_space<vmem>>
    %dma_start3A_56 = tpu.memref_squeeze %dma_start3A_55 : memref<1x128xi32, #tpu.memory_space<vmem>> -> memref<128xi32, #tpu.memory_space<vmem>>
    %dma_start3A_57 = arith.constant 0 : i32
    %dma_start3A_58 = arith.constant 0 : i32
    %dma_start3A_59 = tpu.memref_slice %arg2[%dma_start3A_57, %dma_start3A_58] : memref<100000x64xf32, #tpu.memory_space<hbm>> -> memref<100000x64xf32, #tpu.memory_space<hbm>>
    tpu.enqueue_indirect_dma source(%dma_start3A_59 : memref<100000x64xf32, #tpu.memory_space<hbm>>) target(%dma_start3A_53 : memref<128x64xf32, #tpu.memory_space<vmem>>) offsets(%dma_start3A_56 : memref<128xi32, #tpu.memory_space<vmem>>) semaphore(%arg12 : memref<!tpu.dma_semaphore, #tpu.memory_space<semaphore_mem>>)
    %dma_start3A_60 = arith.constant 3 : i32
    %dma_start3A_61 = arith.constant 384 : i32
    %dma_start3A_62 = arith.constant 0 : i32
    %dma_start3A_63 = tpu.memref_slice %arg9[%dma_start3A_61, %dma_start3A_62] : memref<640x64xf32, #tpu.memory_space<vmem>> -> memref<128x64xf32, #tpu.memory_space<vmem>>
    %dma_start3A_64 = arith.constant 0 : i32
    %dma_start3A_65 = tpu.memref_slice %arg7[%dma_start3A_60, %dma_start3A_64] : memref<5x128xi32, #tpu.memory_space<vmem>> -> memref<1x128xi32, #tpu.memory_space<vmem>>
    %dma_start3A_66 = tpu.memref_squeeze %dma_start3A_65 : memref<1x128xi32, #tpu.memory_space<vmem>> -> memref<128xi32, #tpu.memory_space<vmem>>
    %dma_start3A_67 = arith.constant 0 : i32
    %dma_start3A_68 = arith.constant 0 : i32
    %dma_start3A_69 = tpu.memref_slice %arg2[%dma_start3A_67, %dma_start3A_68] : memref<100000x64xf32, #tpu.memory_space<hbm>> -> memref<100000x64xf32, #tpu.memory_space<hbm>>
    tpu.enqueue_indirect_dma source(%dma_start3A_69 : memref<100000x64xf32, #tpu.memory_space<hbm>>) target(%dma_start3A_63 : memref<128x64xf32, #tpu.memory_space<vmem>>) offsets(%dma_start3A_66 : memref<128xi32, #tpu.memory_space<vmem>>) semaphore(%arg12 : memref<!tpu.dma_semaphore, #tpu.memory_space<semaphore_mem>>)
    %dma_start3A_70 = arith.constant 3 : i32
    %dma_start3A_71 = arith.constant 384 : i32
    %dma_start3A_72 = arith.constant 0 : i32
    %dma_start3A_73 = tpu.memref_slice %arg10[%dma_start3A_71, %dma_start3A_72] : memref<640x64xf32, #tpu.memory_space<vmem>> -> memref<128x64xf32, #tpu.memory_space<vmem>>
    %dma_start3A_74 = arith.constant 0 : i32
    %dma_start3A_75 = tpu.memref_slice %arg8[%dma_start3A_70, %dma_start3A_74] : memref<5x128xi32, #tpu.memory_space<vmem>> -> memref<1x128xi32, #tpu.memory_space<vmem>>
    %dma_start3A_76 = tpu.memref_squeeze %dma_start3A_75 : memref<1x128xi32, #tpu.memory_space<vmem>> -> memref<128xi32, #tpu.memory_space<vmem>>
    %dma_start3A_77 = arith.constant 0 : i32
    %dma_start3A_78 = arith.constant 0 : i32
    %dma_start3A_79 = tpu.memref_slice %arg2[%dma_start3A_77, %dma_start3A_78] : memref<100000x64xf32, #tpu.memory_space<hbm>> -> memref<100000x64xf32, #tpu.memory_space<hbm>>
    tpu.enqueue_indirect_dma source(%dma_start3A_79 : memref<100000x64xf32, #tpu.memory_space<hbm>>) target(%dma_start3A_73 : memref<128x64xf32, #tpu.memory_space<vmem>>) offsets(%dma_start3A_76 : memref<128xi32, #tpu.memory_space<vmem>>) semaphore(%arg12 : memref<!tpu.dma_semaphore, #tpu.memory_space<semaphore_mem>>)
    %dma_start3A_80 = arith.constant 4 : i32
    %dma_start3A_81 = arith.constant 512 : i32
    %dma_start3A_82 = arith.constant 0 : i32
    %dma_start3A_83 = tpu.memref_slice %arg9[%dma_start3A_81, %dma_start3A_82] : memref<640x64xf32, #tpu.memory_space<vmem>> -> memref<128x64xf32, #tpu.memory_space<vmem>>
    %dma_start3A_84 = arith.constant 0 : i32
    %dma_start3A_85 = tpu.memref_slice %arg7[%dma_start3A_80, %dma_start3A_84] : memref<5x128xi32, #tpu.memory_space<vmem>> -> memref<1x128xi32, #tpu.memory_space<vmem>>
    %dma_start3A_86 = tpu.memref_squeeze %dma_start3A_85 : memref<1x128xi32, #tpu.memory_space<vmem>> -> memref<128xi32, #tpu.memory_space<vmem>>
    %dma_start3A_87 = arith.constant 0 : i32
    %dma_start3A_88 = arith.constant 0 : i32
    %dma_start3A_89 = tpu.memref_slice %arg2[%dma_start3A_87, %dma_start3A_88] : memref<100000x64xf32, #tpu.memory_space<hbm>> -> memref<100000x64xf32, #tpu.memory_space<hbm>>
    tpu.enqueue_indirect_dma source(%dma_start3A_89 : memref<100000x64xf32, #tpu.memory_space<hbm>>) target(%dma_start3A_83 : memref<128x64xf32, #tpu.memory_space<vmem>>) offsets(%dma_start3A_86 : memref<128xi32, #tpu.memory_space<vmem>>) semaphore(%arg12 : memref<!tpu.dma_semaphore, #tpu.memory_space<semaphore_mem>>)
    %dma_start3A_90 = arith.constant 4 : i32
    %dma_start3A_91 = arith.constant 512 : i32
    %dma_start3A_92 = arith.constant 0 : i32
    %dma_start3A_93 = tpu.memref_slice %arg10[%dma_start3A_91, %dma_start3A_92] : memref<640x64xf32, #tpu.memory_space<vmem>> -> memref<128x64xf32, #tpu.memory_space<vmem>>
    %dma_start3A_94 = arith.constant 0 : i32
    %dma_start3A_95 = tpu.memref_slice %arg8[%dma_start3A_90, %dma_start3A_94] : memref<5x128xi32, #tpu.memory_space<vmem>> -> memref<1x128xi32, #tpu.memory_space<vmem>>
    %dma_start3A_96 = tpu.memref_squeeze %dma_start3A_95 : memref<1x128xi32, #tpu.memory_space<vmem>> -> memref<128xi32, #tpu.memory_space<vmem>>
    %dma_start3A_97 = arith.constant 0 : i32
    %dma_start3A_98 = arith.constant 0 : i32
    %dma_start3A_99 = tpu.memref_slice %arg2[%dma_start3A_97, %dma_start3A_98] : memref<100000x64xf32, #tpu.memory_space<hbm>> -> memref<100000x64xf32, #tpu.memory_space<hbm>>
    tpu.enqueue_indirect_dma source(%dma_start3A_99 : memref<100000x64xf32, #tpu.memory_space<hbm>>) target(%dma_start3A_93 : memref<128x64xf32, #tpu.memory_space<vmem>>) offsets(%dma_start3A_96 : memref<128xi32, #tpu.memory_space<vmem>>) semaphore(%arg12 : memref<!tpu.dma_semaphore, #tpu.memory_space<semaphore_mem>>)
    %dma_wait3A = arith.constant 0 : i32
    %dma_wait3A_100 = arith.constant 0 : i32
    %dma_wait3A_101 = arith.constant 0 : i32
    %dma_wait3A_102 = tpu.memref_slice %arg9[%dma_wait3A_100, %dma_wait3A_101] : memref<640x64xf32, #tpu.memory_space<vmem>> -> memref<128x64xf32, #tpu.memory_space<vmem>>
    %dma_wait3A_103 = arith.constant 0 : i32
    %dma_wait3A_104 = tpu.memref_slice %arg7[%dma_wait3A, %dma_wait3A_103] : memref<5x128xi32, #tpu.memory_space<vmem>> -> memref<1x128xi32, #tpu.memory_space<vmem>>
    %dma_wait3A_105 = tpu.memref_squeeze %dma_wait3A_104 : memref<1x128xi32, #tpu.memory_space<vmem>> -> memref<128xi32, #tpu.memory_space<vmem>>
    %dma_wait3A_106 = arith.constant 0 : i32
    %dma_wait3A_107 = arith.constant 0 : i32
    %dma_wait3A_108 = tpu.memref_slice %arg2[%dma_wait3A_106, %dma_wait3A_107] : memref<100000x64xf32, #tpu.memory_space<hbm>> -> memref<100000x64xf32, #tpu.memory_space<hbm>>
    tpu.wait_indirect_dma semaphore(%arg12 : memref<!tpu.dma_semaphore, #tpu.memory_space<semaphore_mem>>) src(%dma_wait3A_108 : memref<100000x64xf32, #tpu.memory_space<hbm>>) dst(%dma_wait3A_102 : memref<128x64xf32, #tpu.memory_space<vmem>>)
    %dma_wait3A_109 = arith.constant 0 : i32
    %dma_wait3A_110 = arith.constant 0 : i32
    %dma_wait3A_111 = arith.constant 0 : i32
    %dma_wait3A_112 = tpu.memref_slice %arg10[%dma_wait3A_110, %dma_wait3A_111] : memref<640x64xf32, #tpu.memory_space<vmem>> -> memref<128x64xf32, #tpu.memory_space<vmem>>
    %dma_wait3A_113 = arith.constant 0 : i32
    %dma_wait3A_114 = tpu.memref_slice %arg8[%dma_wait3A_109, %dma_wait3A_113] : memref<5x128xi32, #tpu.memory_space<vmem>> -> memref<1x128xi32, #tpu.memory_space<vmem>>
    %dma_wait3A_115 = tpu.memref_squeeze %dma_wait3A_114 : memref<1x128xi32, #tpu.memory_space<vmem>> -> memref<128xi32, #tpu.memory_space<vmem>>
    %dma_wait3A_116 = arith.constant 0 : i32
    %dma_wait3A_117 = arith.constant 0 : i32
    %dma_wait3A_118 = tpu.memref_slice %arg2[%dma_wait3A_116, %dma_wait3A_117] : memref<100000x64xf32, #tpu.memory_space<hbm>> -> memref<100000x64xf32, #tpu.memory_space<hbm>>
    tpu.wait_indirect_dma semaphore(%arg12 : memref<!tpu.dma_semaphore, #tpu.memory_space<semaphore_mem>>) src(%dma_wait3A_118 : memref<100000x64xf32, #tpu.memory_space<hbm>>) dst(%dma_wait3A_112 : memref<128x64xf32, #tpu.memory_space<vmem>>)
    %dma_wait3A_119 = arith.constant 1 : i32
    %dma_wait3A_120 = arith.constant 128 : i32
    %dma_wait3A_121 = arith.constant 0 : i32
    %dma_wait3A_122 = tpu.memref_slice %arg9[%dma_wait3A_120, %dma_wait3A_121] : memref<640x64xf32, #tpu.memory_space<vmem>> -> memref<128x64xf32, #tpu.memory_space<vmem>>
    %dma_wait3A_123 = arith.constant 0 : i32
    %dma_wait3A_124 = tpu.memref_slice %arg7[%dma_wait3A_119, %dma_wait3A_123] : memref<5x128xi32, #tpu.memory_space<vmem>> -> memref<1x128xi32, #tpu.memory_space<vmem>>
    %dma_wait3A_125 = tpu.memref_squeeze %dma_wait3A_124 : memref<1x128xi32, #tpu.memory_space<vmem>> -> memref<128xi32, #tpu.memory_space<vmem>>
    %dma_wait3A_126 = arith.constant 0 : i32
    %dma_wait3A_127 = arith.constant 0 : i32
    %dma_wait3A_128 = tpu.memref_slice %arg2[%dma_wait3A_126, %dma_wait3A_127] : memref<100000x64xf32, #tpu.memory_space<hbm>> -> memref<100000x64xf32, #tpu.memory_space<hbm>>
    tpu.wait_indirect_dma semaphore(%arg12 : memref<!tpu.dma_semaphore, #tpu.memory_space<semaphore_mem>>) src(%dma_wait3A_128 : memref<100000x64xf32, #tpu.memory_space<hbm>>) dst(%dma_wait3A_122 : memref<128x64xf32, #tpu.memory_space<vmem>>)
    %dma_wait3A_129 = arith.constant 1 : i32
    %dma_wait3A_130 = arith.constant 128 : i32
    %dma_wait3A_131 = arith.constant 0 : i32
    %dma_wait3A_132 = tpu.memref_slice %arg10[%dma_wait3A_130, %dma_wait3A_131] : memref<640x64xf32, #tpu.memory_space<vmem>> -> memref<128x64xf32, #tpu.memory_space<vmem>>
    %dma_wait3A_133 = arith.constant 0 : i32
    %dma_wait3A_134 = tpu.memref_slice %arg8[%dma_wait3A_129, %dma_wait3A_133] : memref<5x128xi32, #tpu.memory_space<vmem>> -> memref<1x128xi32, #tpu.memory_space<vmem>>
    %dma_wait3A_135 = tpu.memref_squeeze %dma_wait3A_134 : memref<1x128xi32, #tpu.memory_space<vmem>> -> memref<128xi32, #tpu.memory_space<vmem>>
    %dma_wait3A_136 = arith.constant 0 : i32
    %dma_wait3A_137 = arith.constant 0 : i32
    %dma_wait3A_138 = tpu.memref_slice %arg2[%dma_wait3A_136, %dma_wait3A_137] : memref<100000x64xf32, #tpu.memory_space<hbm>> -> memref<100000x64xf32, #tpu.memory_space<hbm>>
    tpu.wait_indirect_dma semaphore(%arg12 : memref<!tpu.dma_semaphore, #tpu.memory_space<semaphore_mem>>) src(%dma_wait3A_138 : memref<100000x64xf32, #tpu.memory_space<hbm>>) dst(%dma_wait3A_132 : memref<128x64xf32, #tpu.memory_space<vmem>>)
    %dma_wait3A_139 = arith.constant 2 : i32
    %dma_wait3A_140 = arith.constant 256 : i32
    %dma_wait3A_141 = arith.constant 0 : i32
    %dma_wait3A_142 = tpu.memref_slice %arg9[%dma_wait3A_140, %dma_wait3A_141] : memref<640x64xf32, #tpu.memory_space<vmem>> -> memref<128x64xf32, #tpu.memory_space<vmem>>
    %dma_wait3A_143 = arith.constant 0 : i32
    %dma_wait3A_144 = tpu.memref_slice %arg7[%dma_wait3A_139, %dma_wait3A_143] : memref<5x128xi32, #tpu.memory_space<vmem>> -> memref<1x128xi32, #tpu.memory_space<vmem>>
    %dma_wait3A_145 = tpu.memref_squeeze %dma_wait3A_144 : memref<1x128xi32, #tpu.memory_space<vmem>> -> memref<128xi32, #tpu.memory_space<vmem>>
    %dma_wait3A_146 = arith.constant 0 : i32
    %dma_wait3A_147 = arith.constant 0 : i32
    %dma_wait3A_148 = tpu.memref_slice %arg2[%dma_wait3A_146, %dma_wait3A_147] : memref<100000x64xf32, #tpu.memory_space<hbm>> -> memref<100000x64xf32, #tpu.memory_space<hbm>>
    tpu.wait_indirect_dma semaphore(%arg12 : memref<!tpu.dma_semaphore, #tpu.memory_space<semaphore_mem>>) src(%dma_wait3A_148 : memref<100000x64xf32, #tpu.memory_space<hbm>>) dst(%dma_wait3A_142 : memref<128x64xf32, #tpu.memory_space<vmem>>)
    %dma_wait3A_149 = arith.constant 2 : i32
    %dma_wait3A_150 = arith.constant 256 : i32
    %dma_wait3A_151 = arith.constant 0 : i32
    %dma_wait3A_152 = tpu.memref_slice %arg10[%dma_wait3A_150, %dma_wait3A_151] : memref<640x64xf32, #tpu.memory_space<vmem>> -> memref<128x64xf32, #tpu.memory_space<vmem>>
    %dma_wait3A_153 = arith.constant 0 : i32
    %dma_wait3A_154 = tpu.memref_slice %arg8[%dma_wait3A_149, %dma_wait3A_153] : memref<5x128xi32, #tpu.memory_space<vmem>> -> memref<1x128xi32, #tpu.memory_space<vmem>>
    %dma_wait3A_155 = tpu.memref_squeeze %dma_wait3A_154 : memref<1x128xi32, #tpu.memory_space<vmem>> -> memref<128xi32, #tpu.memory_space<vmem>>
    %dma_wait3A_156 = arith.constant 0 : i32
    %dma_wait3A_157 = arith.constant 0 : i32
    %dma_wait3A_158 = tpu.memref_slice %arg2[%dma_wait3A_156, %dma_wait3A_157] : memref<100000x64xf32, #tpu.memory_space<hbm>> -> memref<100000x64xf32, #tpu.memory_space<hbm>>
    tpu.wait_indirect_dma semaphore(%arg12 : memref<!tpu.dma_semaphore, #tpu.memory_space<semaphore_mem>>) src(%dma_wait3A_158 : memref<100000x64xf32, #tpu.memory_space<hbm>>) dst(%dma_wait3A_152 : memref<128x64xf32, #tpu.memory_space<vmem>>)
    %dma_wait3A_159 = arith.constant 3 : i32
    %dma_wait3A_160 = arith.constant 384 : i32
    %dma_wait3A_161 = arith.constant 0 : i32
    %dma_wait3A_162 = tpu.memref_slice %arg9[%dma_wait3A_160, %dma_wait3A_161] : memref<640x64xf32, #tpu.memory_space<vmem>> -> memref<128x64xf32, #tpu.memory_space<vmem>>
    %dma_wait3A_163 = arith.constant 0 : i32
    %dma_wait3A_164 = tpu.memref_slice %arg7[%dma_wait3A_159, %dma_wait3A_163] : memref<5x128xi32, #tpu.memory_space<vmem>> -> memref<1x128xi32, #tpu.memory_space<vmem>>
    %dma_wait3A_165 = tpu.memref_squeeze %dma_wait3A_164 : memref<1x128xi32, #tpu.memory_space<vmem>> -> memref<128xi32, #tpu.memory_space<vmem>>
    %dma_wait3A_166 = arith.constant 0 : i32
    %dma_wait3A_167 = arith.constant 0 : i32
    %dma_wait3A_168 = tpu.memref_slice %arg2[%dma_wait3A_166, %dma_wait3A_167] : memref<100000x64xf32, #tpu.memory_space<hbm>> -> memref<100000x64xf32, #tpu.memory_space<hbm>>
    tpu.wait_indirect_dma semaphore(%arg12 : memref<!tpu.dma_semaphore, #tpu.memory_space<semaphore_mem>>) src(%dma_wait3A_168 : memref<100000x64xf32, #tpu.memory_space<hbm>>) dst(%dma_wait3A_162 : memref<128x64xf32, #tpu.memory_space<vmem>>)
    %dma_wait3A_169 = arith.constant 3 : i32
    %dma_wait3A_170 = arith.constant 384 : i32
    %dma_wait3A_171 = arith.constant 0 : i32
    %dma_wait3A_172 = tpu.memref_slice %arg10[%dma_wait3A_170, %dma_wait3A_171] : memref<640x64xf32, #tpu.memory_space<vmem>> -> memref<128x64xf32, #tpu.memory_space<vmem>>
    %dma_wait3A_173 = arith.constant 0 : i32
    %dma_wait3A_174 = tpu.memref_slice %arg8[%dma_wait3A_169, %dma_wait3A_173] : memref<5x128xi32, #tpu.memory_space<vmem>> -> memref<1x128xi32, #tpu.memory_space<vmem>>
    %dma_wait3A_175 = tpu.memref_squeeze %dma_wait3A_174 : memref<1x128xi32, #tpu.memory_space<vmem>> -> memref<128xi32, #tpu.memory_space<vmem>>
    %dma_wait3A_176 = arith.constant 0 : i32
    %dma_wait3A_177 = arith.constant 0 : i32
    %dma_wait3A_178 = tpu.memref_slice %arg2[%dma_wait3A_176, %dma_wait3A_177] : memref<100000x64xf32, #tpu.memory_space<hbm>> -> memref<100000x64xf32, #tpu.memory_space<hbm>>
    tpu.wait_indirect_dma semaphore(%arg12 : memref<!tpu.dma_semaphore, #tpu.memory_space<semaphore_mem>>) src(%dma_wait3A_178 : memref<100000x64xf32, #tpu.memory_space<hbm>>) dst(%dma_wait3A_172 : memref<128x64xf32, #tpu.memory_space<vmem>>)
    %dma_wait3A_179 = arith.constant 4 : i32
    %dma_wait3A_180 = arith.constant 512 : i32
    %dma_wait3A_181 = arith.constant 0 : i32
    %dma_wait3A_182 = tpu.memref_slice %arg9[%dma_wait3A_180, %dma_wait3A_181] : memref<640x64xf32, #tpu.memory_space<vmem>> -> memref<128x64xf32, #tpu.memory_space<vmem>>
    %dma_wait3A_183 = arith.constant 0 : i32
    %dma_wait3A_184 = tpu.memref_slice %arg7[%dma_wait3A_179, %dma_wait3A_183] : memref<5x128xi32, #tpu.memory_space<vmem>> -> memref<1x128xi32, #tpu.memory_space<vmem>>
    %dma_wait3A_185 = tpu.memref_squeeze %dma_wait3A_184 : memref<1x128xi32, #tpu.memory_space<vmem>> -> memref<128xi32, #tpu.memory_space<vmem>>
    %dma_wait3A_186 = arith.constant 0 : i32
    %dma_wait3A_187 = arith.constant 0 : i32
    %dma_wait3A_188 = tpu.memref_slice %arg2[%dma_wait3A_186, %dma_wait3A_187] : memref<100000x64xf32, #tpu.memory_space<hbm>> -> memref<100000x64xf32, #tpu.memory_space<hbm>>
    tpu.wait_indirect_dma semaphore(%arg12 : memref<!tpu.dma_semaphore, #tpu.memory_space<semaphore_mem>>) src(%dma_wait3A_188 : memref<100000x64xf32, #tpu.memory_space<hbm>>) dst(%dma_wait3A_182 : memref<128x64xf32, #tpu.memory_space<vmem>>)
    %dma_wait3A_189 = arith.constant 4 : i32
    %dma_wait3A_190 = arith.constant 512 : i32
    %dma_wait3A_191 = arith.constant 0 : i32
    %dma_wait3A_192 = tpu.memref_slice %arg10[%dma_wait3A_190, %dma_wait3A_191] : memref<640x64xf32, #tpu.memory_space<vmem>> -> memref<128x64xf32, #tpu.memory_space<vmem>>
    %dma_wait3A_193 = arith.constant 0 : i32
    %dma_wait3A_194 = tpu.memref_slice %arg8[%dma_wait3A_189, %dma_wait3A_193] : memref<5x128xi32, #tpu.memory_space<vmem>> -> memref<1x128xi32, #tpu.memory_space<vmem>>
    %dma_wait3A_195 = tpu.memref_squeeze %dma_wait3A_194 : memref<1x128xi32, #tpu.memory_space<vmem>> -> memref<128xi32, #tpu.memory_space<vmem>>
    %dma_wait3A_196 = arith.constant 0 : i32
    %dma_wait3A_197 = arith.constant 0 : i32
    %dma_wait3A_198 = tpu.memref_slice %arg2[%dma_wait3A_196, %dma_wait3A_197] : memref<100000x64xf32, #tpu.memory_space<hbm>> -> memref<100000x64xf32, #tpu.memory_space<hbm>>
    tpu.wait_indirect_dma semaphore(%arg12 : memref<!tpu.dma_semaphore, #tpu.memory_space<semaphore_mem>>) src(%dma_wait3A_198 : memref<100000x64xf32, #tpu.memory_space<hbm>>) dst(%dma_wait3A_192 : memref<128x64xf32, #tpu.memory_space<vmem>>)
    %mul3A_199 = arith.constant 640 : i32
    %mul3A_200 = arith.muli %add3A, %mul3A_199 : i32
    %dma_start3A_201 = arith.constant 0 : i32
    %dma_start3A_202 = tpu.memref_slice %arg5[%mul3A_200, %dma_start3A_201] : memref<20480x128xf32, #tpu.memory_space<hbm>> -> memref<640x64xf32, #tpu.memory_space<hbm>>
    %dma_start3A_203 = arith.constant 0 : i32
    %dma_start3A_204 = tpu.memref_slice %arg5[%mul3A_200, %dma_start3A_203] : memref<20480x128xf32, #tpu.memory_space<hbm>> -> memref<640x64xf32, #tpu.memory_space<hbm>>
    tpu.enqueue_dma source(%arg9 : memref<640x64xf32, #tpu.memory_space<vmem>>) target(%dma_start3A_204 : memref<640x64xf32, #tpu.memory_space<hbm>>) target_semaphore(%arg12 : memref<!tpu.dma_semaphore, #tpu.memory_space<semaphore_mem>>)
    %scan3A = arith.constant 0 : i32
    %scan3A_205 = arith.constant 0 : i32
    %scan3A_206 = arith.constant 32 : i32
    %scan3A_207 = arith.addi %scan3A_205, %scan3A_206 : i32
    %scan3A_208 = arith.constant 1 : i32
    scf.for %scan3A_216 = %scan3A_205 to %scan3A_207 step %scan3A_208  : i32 {
      %mul3A_217 = arith.constant 20 : i32
      %mul3A_218 = arith.muli %scan3A_216, %mul3A_217 : i32
      %get3A = arith.index_cast %mul3A_218 : i32 to index
      %get3A_219 = arith.constant 0 : index
      %get3A_220 = tpu.vector_load %arg10[%get3A, %get3A_219] {strides = array<i32>} : memref<640x64xf32, #tpu.memory_space<vmem>>, vector<1x16xf32>,
      %get3A_221 = vector.shape_cast %get3A_220 : vector<1x16xf32> to vector<16xf32>
      %add3A_222 = arith.constant 1 : i32
      %add3A_223 = arith.addi %mul3A_218, %add3A_222 : i32
      %get3A_224 = arith.index_cast %add3A_223 : i32 to index
      %get3A_225 = arith.constant 0 : index
      %get3A_226 = tpu.vector_load %arg10[%get3A_224, %get3A_225] {strides = array<i32>} : memref<640x64xf32, #tpu.memory_space<vmem>>, vector<1x16xf32>,
      %get3A_227 = vector.shape_cast %get3A_226 : vector<1x16xf32> to vector<16xf32>
      %add3A_228 = arith.addf %get3A_221, %get3A_227 : vector<16xf32>
      %add3A_229 = arith.constant 2 : i32
      %add3A_230 = arith.addi %mul3A_218, %add3A_229 : i32
      %get3A_231 = arith.index_cast %add3A_230 : i32 to index
      %get3A_232 = arith.constant 0 : index
      %get3A_233 = tpu.vector_load %arg10[%get3A_231, %get3A_232] {strides = array<i32>} : memref<640x64xf32, #tpu.memory_space<vmem>>, vector<1x16xf32>,
      %get3A_234 = vector.shape_cast %get3A_233 : vector<1x16xf32> to vector<16xf32>
      %add3A_235 = arith.addf %add3A_228, %get3A_234 : vector<16xf32>
      %add3A_236 = arith.constant 3 : i32
      %add3A_237 = arith.addi %mul3A_218, %add3A_236 : i32
      %get3A_238 = arith.index_cast %add3A_237 : i32 to index
      %get3A_239 = arith.constant 0 : index
      %get3A_240 = tpu.vector_load %arg10[%get3A_238, %get3A_239] {strides = array<i32>} : memref<640x64xf32, #tpu.memory_space<vmem>>, vector<1x16xf32>,
      %get3A_241 = vector.shape_cast %get3A_240 : vector<1x16xf32> to vector<16xf32>
      %add3A_242 = arith.addf %add3A_235, %get3A_241 : vector<16xf32>
      %add3A_243 = arith.constant 4 : i32
      %add3A_244 = arith.addi %mul3A_218, %add3A_243 : i32
      %get3A_245 = arith.index_cast %add3A_244 : i32 to index
      %get3A_246 = arith.constant 0 : index
      %get3A_247 = tpu.vector_load %arg10[%get3A_245, %get3A_246] {strides = array<i32>} : memref<640x64xf32, #tpu.memory_space<vmem>>, vector<1x16xf32>,
      %get3A_248 = vector.shape_cast %get3A_247 : vector<1x16xf32> to vector<16xf32>
      %add3A_249 = arith.addf %add3A_242, %get3A_248 : vector<16xf32>
      %add3A_250 = arith.constant 5 : i32
      %add3A_251 = arith.addi %mul3A_218, %add3A_250 : i32
      %get3A_252 = arith.index_cast %add3A_251 : i32 to index
      %get3A_253 = arith.constant 0 : index
      %get3A_254 = tpu.vector_load %arg10[%get3A_252, %get3A_253] {strides = array<i32>} : memref<640x64xf32, #tpu.memory_space<vmem>>, vector<1x16xf32>,
      %get3A_255 = vector.shape_cast %get3A_254 : vector<1x16xf32> to vector<16xf32>
      %add3A_256 = arith.addf %add3A_249, %get3A_255 : vector<16xf32>
      %add3A_257 = arith.constant 6 : i32
      %add3A_258 = arith.addi %mul3A_218, %add3A_257 : i32
      %get3A_259 = arith.index_cast %add3A_258 : i32 to index
      %get3A_260 = arith.constant 0 : index
      %get3A_261 = tpu.vector_load %arg10[%get3A_259, %get3A_260] {strides = array<i32>} : memref<640x64xf32, #tpu.memory_space<vmem>>, vector<1x16xf32>,
      %get3A_262 = vector.shape_cast %get3A_261 : vector<1x16xf32> to vector<16xf32>
      %add3A_263 = arith.addf %add3A_256, %get3A_262 : vector<16xf32>
      %add3A_264 = arith.constant 7 : i32
      %add3A_265 = arith.addi %mul3A_218, %add3A_264 : i32
      %get3A_266 = arith.index_cast %add3A_265 : i32 to index
      %get3A_267 = arith.constant 0 : index
      %get3A_268 = tpu.vector_load %arg10[%get3A_266, %get3A_267] {strides = array<i32>} : memref<640x64xf32, #tpu.memory_space<vmem>>, vector<1x16xf32>,
      %get3A_269 = vector.shape_cast %get3A_268 : vector<1x16xf32> to vector<16xf32>
      %add3A_270 = arith.addf %add3A_263, %get3A_269 : vector<16xf32>
      %add3A_271 = arith.constant 8 : i32
      %add3A_272 = arith.addi %mul3A_218, %add3A_271 : i32
      %get3A_273 = arith.index_cast %add3A_272 : i32 to index
      %get3A_274 = arith.constant 0 : index
      %get3A_275 = tpu.vector_load %arg10[%get3A_273, %get3A_274] {strides = array<i32>} : memref<640x64xf32, #tpu.memory_space<vmem>>, vector<1x16xf32>,
      %get3A_276 = vector.shape_cast %get3A_275 : vector<1x16xf32> to vector<16xf32>
      %add3A_277 = arith.addf %add3A_270, %get3A_276 : vector<16xf32>
      %add3A_278 = arith.constant 9 : i32
      %add3A_279 = arith.addi %mul3A_218, %add3A_278 : i32
      %get3A_280 = arith.index_cast %add3A_279 : i32 to index
      %get3A_281 = arith.constant 0 : index
      %get3A_282 = tpu.vector_load %arg10[%get3A_280, %get3A_281] {strides = array<i32>} : memref<640x64xf32, #tpu.memory_space<vmem>>, vector<1x16xf32>,
      %get3A_283 = vector.shape_cast %get3A_282 : vector<1x16xf32> to vector<16xf32>
      %add3A_284 = arith.addf %add3A_277, %get3A_283 : vector<16xf32>
      %add3A_285 = arith.constant 10 : i32
      %add3A_286 = arith.addi %mul3A_218, %add3A_285 : i32
      %get3A_287 = arith.index_cast %add3A_286 : i32 to index
      %get3A_288 = arith.constant 0 : index
      %get3A_289 = tpu.vector_load %arg10[%get3A_287, %get3A_288] {strides = array<i32>} : memref<640x64xf32, #tpu.memory_space<vmem>>, vector<1x16xf32>,
      %get3A_290 = vector.shape_cast %get3A_289 : vector<1x16xf32> to vector<16xf32>
      %add3A_291 = arith.addf %add3A_284, %get3A_290 : vector<16xf32>
      %add3A_292 = arith.constant 11 : i32
      %add3A_293 = arith.addi %mul3A_218, %add3A_292 : i32
      %get3A_294 = arith.index_cast %add3A_293 : i32 to index
      %get3A_295 = arith.constant 0 : index
      %get3A_296 = tpu.vector_load %arg10[%get3A_294, %get3A_295] {strides = array<i32>} : memref<640x64xf32, #tpu.memory_space<vmem>>, vector<1x16xf32>,
      %get3A_297 = vector.shape_cast %get3A_296 : vector<1x16xf32> to vector<16xf32>
      %add3A_298 = arith.addf %add3A_291, %get3A_297 : vector<16xf32>
      %add3A_299 = arith.constant 12 : i32
      %add3A_300 = arith.addi %mul3A_218, %add3A_299 : i32
      %get3A_301 = arith.index_cast %add3A_300 : i32 to index
      %get3A_302 = arith.constant 0 : index
      %get3A_303 = tpu.vector_load %arg10[%get3A_301, %get3A_302] {strides = array<i32>} : memref<640x64xf32, #tpu.memory_space<vmem>>, vector<1x16xf32>,
      %get3A_304 = vector.shape_cast %get3A_303 : vector<1x16xf32> to vector<16xf32>
      %add3A_305 = arith.addf %add3A_298, %get3A_304 : vector<16xf32>
      %add3A_306 = arith.constant 13 : i32
      %add3A_307 = arith.addi %mul3A_218, %add3A_306 : i32
      %get3A_308 = arith.index_cast %add3A_307 : i32 to index
      %get3A_309 = arith.constant 0 : index
      %get3A_310 = tpu.vector_load %arg10[%get3A_308, %get3A_309] {strides = array<i32>} : memref<640x64xf32, #tpu.memory_space<vmem>>, vector<1x16xf32>,
      %get3A_311 = vector.shape_cast %get3A_310 : vector<1x16xf32> to vector<16xf32>
      %add3A_312 = arith.addf %add3A_305, %get3A_311 : vector<16xf32>
      %add3A_313 = arith.constant 14 : i32
      %add3A_314 = arith.addi %mul3A_218, %add3A_313 : i32
      %get3A_315 = arith.index_cast %add3A_314 : i32 to index
      %get3A_316 = arith.constant 0 : index
      %get3A_317 = tpu.vector_load %arg10[%get3A_315, %get3A_316] {strides = array<i32>} : memref<640x64xf32, #tpu.memory_space<vmem>>, vector<1x16xf32>,
      %get3A_318 = vector.shape_cast %get3A_317 : vector<1x16xf32> to vector<16xf32>
      %add3A_319 = arith.addf %add3A_312, %get3A_318 : vector<16xf32>
      %add3A_320 = arith.constant 15 : i32
      %add3A_321 = arith.addi %mul3A_218, %add3A_320 : i32
      %get3A_322 = arith.index_cast %add3A_321 : i32 to index
      %get3A_323 = arith.constant 0 : index
      %get3A_324 = tpu.vector_load %arg10[%get3A_322, %get3A_323] {strides = array<i32>} : memref<640x64xf32, #tpu.memory_space<vmem>>, vector<1x16xf32>,
      %get3A_325 = vector.shape_cast %get3A_324 : vector<1x16xf32> to vector<16xf32>
      %add3A_326 = arith.addf %add3A_319, %get3A_325 : vector<16xf32>
      %add3A_327 = arith.constant 16 : i32
      %add3A_328 = arith.addi %mul3A_218, %add3A_327 : i32
      %get3A_329 = arith.index_cast %add3A_328 : i32 to index
      %get3A_330 = arith.constant 0 : index
      %get3A_331 = tpu.vector_load %arg10[%get3A_329, %get3A_330] {strides = array<i32>} : memref<640x64xf32, #tpu.memory_space<vmem>>, vector<1x16xf32>,
      %get3A_332 = vector.shape_cast %get3A_331 : vector<1x16xf32> to vector<16xf32>
      %add3A_333 = arith.addf %add3A_326, %get3A_332 : vector<16xf32>
      %add3A_334 = arith.constant 17 : i32
      %add3A_335 = arith.addi %mul3A_218, %add3A_334 : i32
      %get3A_336 = arith.index_cast %add3A_335 : i32 to index
      %get3A_337 = arith.constant 0 : index
      %get3A_338 = tpu.vector_load %arg10[%get3A_336, %get3A_337] {strides = array<i32>} : memref<640x64xf32, #tpu.memory_space<vmem>>, vector<1x16xf32>,
      %get3A_339 = vector.shape_cast %get3A_338 : vector<1x16xf32> to vector<16xf32>
      %add3A_340 = arith.addf %add3A_333, %get3A_339 : vector<16xf32>
      %add3A_341 = arith.constant 18 : i32
      %add3A_342 = arith.addi %mul3A_218, %add3A_341 : i32
      %get3A_343 = arith.index_cast %add3A_342 : i32 to index
      %get3A_344 = arith.constant 0 : index
      %get3A_345 = tpu.vector_load %arg10[%get3A_343, %get3A_344] {strides = array<i32>} : memref<640x64xf32, #tpu.memory_space<vmem>>, vector<1x16xf32>,
      %get3A_346 = vector.shape_cast %get3A_345 : vector<1x16xf32> to vector<16xf32>
      %add3A_347 = arith.addf %add3A_340, %get3A_346 : vector<16xf32>
      %add3A_348 = arith.constant 19 : i32
      %add3A_349 = arith.addi %mul3A_218, %add3A_348 : i32
      %get3A_350 = arith.index_cast %add3A_349 : i32 to index
      %get3A_351 = arith.constant 0 : index
      %get3A_352 = tpu.vector_load %arg10[%get3A_350, %get3A_351] {strides = array<i32>} : memref<640x64xf32, #tpu.memory_space<vmem>>, vector<1x16xf32>,
      %get3A_353 = vector.shape_cast %get3A_352 : vector<1x16xf32> to vector<16xf32>
      %add3A_354 = arith.addf %add3A_347, %get3A_353 : vector<16xf32>
      %swap3A = arith.index_cast %scan3A_216 : i32 to index
      %swap3A_355 = arith.constant 0 : index
      %swap3A_356 = tpu.vector_load %arg11[%swap3A, %swap3A_355] {strides = array<i32>} : memref<32x64xf32, #tpu.memory_space<vmem>>, vector<1x16xf32>,
      %swap3A_357 = vector.shape_cast %swap3A_356 : vector<1x16xf32> to vector<16xf32>
      %swap3A_358 = vector.shape_cast %add3A_354 : vector<16xf32> to vector<1x16xf32>
      tpu.vector_store %arg11[%swap3A, %swap3A_355], %swap3A_358 {strides = array<i32>} : memref<32x64xf32, #tpu.memory_space<vmem>>, vector<1x16xf32>,
      %get3A_359 = arith.index_cast %mul3A_218 : i32 to index
      %get3A_360 = arith.constant 16 : index
      %get3A_361 = tpu.vector_load %arg10[%get3A_359, %get3A_360] {strides = array<i32>} : memref<640x64xf32, #tpu.memory_space<vmem>>, vector<1x16xf32>,
      %get3A_362 = vector.shape_cast %get3A_361 : vector<1x16xf32> to vector<16xf32>
      %add3A_363 = arith.constant 1 : i32
      %add3A_364 = arith.addi %mul3A_218, %add3A_363 : i32
      %get3A_365 = arith.index_cast %add3A_364 : i32 to index
      %get3A_366 = arith.constant 16 : index
      %get3A_367 = tpu.vector_load %arg10[%get3A_365, %get3A_366] {strides = array<i32>} : memref<640x64xf32, #tpu.memory_space<vmem>>, vector<1x16xf32>,
      %get3A_368 = vector.shape_cast %get3A_367 : vector<1x16xf32> to vector<16xf32>
      %add3A_369 = arith.addf %get3A_362, %get3A_368 : vector<16xf32>
      %add3A_370 = arith.constant 2 : i32
      %add3A_371 = arith.addi %mul3A_218, %add3A_370 : i32
      %get3A_372 = arith.index_cast %add3A_371 : i32 to index
      %get3A_373 = arith.constant 16 : index
      %get3A_374 = tpu.vector_load %arg10[%get3A_372, %get3A_373] {strides = array<i32>} : memref<640x64xf32, #tpu.memory_space<vmem>>, vector<1x16xf32>,
      %get3A_375 = vector.shape_cast %get3A_374 : vector<1x16xf32> to vector<16xf32>
      %add3A_376 = arith.addf %add3A_369, %get3A_375 : vector<16xf32>
      %add3A_377 = arith.constant 3 : i32
      %add3A_378 = arith.addi %mul3A_218, %add3A_377 : i32
      %get3A_379 = arith.index_cast %add3A_378 : i32 to index
      %get3A_380 = arith.constant 16 : index
      %get3A_381 = tpu.vector_load %arg10[%get3A_379, %get3A_380] {strides = array<i32>} : memref<640x64xf32, #tpu.memory_space<vmem>>, vector<1x16xf32>,
      %get3A_382 = vector.shape_cast %get3A_381 : vector<1x16xf32> to vector<16xf32>
      %add3A_383 = arith.addf %add3A_376, %get3A_382 : vector<16xf32>
      %add3A_384 = arith.constant 4 : i32
      %add3A_385 = arith.addi %mul3A_218, %add3A_384 : i32
      %get3A_386 = arith.index_cast %add3A_385 : i32 to index
      %get3A_387 = arith.constant 16 : index
      %get3A_388 = tpu.vector_load %arg10[%get3A_386, %get3A_387] {strides = array<i32>} : memref<640x64xf32, #tpu.memory_space<vmem>>, vector<1x16xf32>,
      %get3A_389 = vector.shape_cast %get3A_388 : vector<1x16xf32> to vector<16xf32>
      %add3A_390 = arith.addf %add3A_383, %get3A_389 : vector<16xf32>
      %add3A_391 = arith.constant 5 : i32
      %add3A_392 = arith.addi %mul3A_218, %add3A_391 : i32
      %get3A_393 = arith.index_cast %add3A_392 : i32 to index
      %get3A_394 = arith.constant 16 : index
      %get3A_395 = tpu.vector_load %arg10[%get3A_393, %get3A_394] {strides = array<i32>} : memref<640x64xf32, #tpu.memory_space<vmem>>, vector<1x16xf32>,
      %get3A_396 = vector.shape_cast %get3A_395 : vector<1x16xf32> to vector<16xf32>
      %add3A_397 = arith.addf %add3A_390, %get3A_396 : vector<16xf32>
      %add3A_398 = arith.constant 6 : i32
      %add3A_399 = arith.addi %mul3A_218, %add3A_398 : i32
      %get3A_400 = arith.index_cast %add3A_399 : i32 to index
      %get3A_401 = arith.constant 16 : index
      %get3A_402 = tpu.vector_load %arg10[%get3A_400, %get3A_401] {strides = array<i32>} : memref<640x64xf32, #tpu.memory_space<vmem>>, vector<1x16xf32>,
      %get3A_403 = vector.shape_cast %get3A_402 : vector<1x16xf32> to vector<16xf32>
      %add3A_404 = arith.addf %add3A_397, %get3A_403 : vector<16xf32>
      %add3A_405 = arith.constant 7 : i32
      %add3A_406 = arith.addi %mul3A_218, %add3A_405 : i32
      %get3A_407 = arith.index_cast %add3A_406 : i32 to index
      %get3A_408 = arith.constant 16 : index
      %get3A_409 = tpu.vector_load %arg10[%get3A_407, %get3A_408] {strides = array<i32>} : memref<640x64xf32, #tpu.memory_space<vmem>>, vector<1x16xf32>,
      %get3A_410 = vector.shape_cast %get3A_409 : vector<1x16xf32> to vector<16xf32>
      %add3A_411 = arith.addf %add3A_404, %get3A_410 : vector<16xf32>
      %add3A_412 = arith.constant 8 : i32
      %add3A_413 = arith.addi %mul3A_218, %add3A_412 : i32
      %get3A_414 = arith.index_cast %add3A_413 : i32 to index
      %get3A_415 = arith.constant 16 : index
      %get3A_416 = tpu.vector_load %arg10[%get3A_414, %get3A_415] {strides = array<i32>} : memref<640x64xf32, #tpu.memory_space<vmem>>, vector<1x16xf32>,
      %get3A_417 = vector.shape_cast %get3A_416 : vector<1x16xf32> to vector<16xf32>
      %add3A_418 = arith.addf %add3A_411, %get3A_417 : vector<16xf32>
      %add3A_419 = arith.constant 9 : i32
      %add3A_420 = arith.addi %mul3A_218, %add3A_419 : i32
      %get3A_421 = arith.index_cast %add3A_420 : i32 to index
      %get3A_422 = arith.constant 16 : index
      %get3A_423 = tpu.vector_load %arg10[%get3A_421, %get3A_422] {strides = array<i32>} : memref<640x64xf32, #tpu.memory_space<vmem>>, vector<1x16xf32>,
      %get3A_424 = vector.shape_cast %get3A_423 : vector<1x16xf32> to vector<16xf32>
      %add3A_425 = arith.addf %add3A_418, %get3A_424 : vector<16xf32>
      %add3A_426 = arith.constant 10 : i32
      %add3A_427 = arith.addi %mul3A_218, %add3A_426 : i32
      %get3A_428 = arith.index_cast %add3A_427 : i32 to index
      %get3A_429 = arith.constant 16 : index
      %get3A_430 = tpu.vector_load %arg10[%get3A_428, %get3A_429] {strides = array<i32>} : memref<640x64xf32, #tpu.memory_space<vmem>>, vector<1x16xf32>,
      %get3A_431 = vector.shape_cast %get3A_430 : vector<1x16xf32> to vector<16xf32>
      %add3A_432 = arith.addf %add3A_425, %get3A_431 : vector<16xf32>
      %add3A_433 = arith.constant 11 : i32
      %add3A_434 = arith.addi %mul3A_218, %add3A_433 : i32
      %get3A_435 = arith.index_cast %add3A_434 : i32 to index
      %get3A_436 = arith.constant 16 : index
      %get3A_437 = tpu.vector_load %arg10[%get3A_435, %get3A_436] {strides = array<i32>} : memref<640x64xf32, #tpu.memory_space<vmem>>, vector<1x16xf32>,
      %get3A_438 = vector.shape_cast %get3A_437 : vector<1x16xf32> to vector<16xf32>
      %add3A_439 = arith.addf %add3A_432, %get3A_438 : vector<16xf32>
      %add3A_440 = arith.constant 12 : i32
      %add3A_441 = arith.addi %mul3A_218, %add3A_440 : i32
      %get3A_442 = arith.index_cast %add3A_441 : i32 to index
      %get3A_443 = arith.constant 16 : index
      %get3A_444 = tpu.vector_load %arg10[%get3A_442, %get3A_443] {strides = array<i32>} : memref<640x64xf32, #tpu.memory_space<vmem>>, vector<1x16xf32>,
      %get3A_445 = vector.shape_cast %get3A_444 : vector<1x16xf32> to vector<16xf32>
      %add3A_446 = arith.addf %add3A_439, %get3A_445 : vector<16xf32>
      %add3A_447 = arith.constant 13 : i32
      %add3A_448 = arith.addi %mul3A_218, %add3A_447 : i32
      %get3A_449 = arith.index_cast %add3A_448 : i32 to index
      %get3A_450 = arith.constant 16 : index
      %get3A_451 = tpu.vector_load %arg10[%get3A_449, %get3A_450] {strides = array<i32>} : memref<640x64xf32, #tpu.memory_space<vmem>>, vector<1x16xf32>,
      %get3A_452 = vector.shape_cast %get3A_451 : vector<1x16xf32> to vector<16xf32>
      %add3A_453 = arith.addf %add3A_446, %get3A_452 : vector<16xf32>
      %add3A_454 = arith.constant 14 : i32
      %add3A_455 = arith.addi %mul3A_218, %add3A_454 : i32
      %get3A_456 = arith.index_cast %add3A_455 : i32 to index
      %get3A_457 = arith.constant 16 : index
      %get3A_458 = tpu.vector_load %arg10[%get3A_456, %get3A_457] {strides = array<i32>} : memref<640x64xf32, #tpu.memory_space<vmem>>, vector<1x16xf32>,
      %get3A_459 = vector.shape_cast %get3A_458 : vector<1x16xf32> to vector<16xf32>
      %add3A_460 = arith.addf %add3A_453, %get3A_459 : vector<16xf32>
      %add3A_461 = arith.constant 15 : i32
      %add3A_462 = arith.addi %mul3A_218, %add3A_461 : i32
      %get3A_463 = arith.index_cast %add3A_462 : i32 to index
      %get3A_464 = arith.constant 16 : index
      %get3A_465 = tpu.vector_load %arg10[%get3A_463, %get3A_464] {strides = array<i32>} : memref<640x64xf32, #tpu.memory_space<vmem>>, vector<1x16xf32>,
      %get3A_466 = vector.shape_cast %get3A_465 : vector<1x16xf32> to vector<16xf32>
      %add3A_467 = arith.addf %add3A_460, %get3A_466 : vector<16xf32>
      %add3A_468 = arith.constant 16 : i32
      %add3A_469 = arith.addi %mul3A_218, %add3A_468 : i32
      %get3A_470 = arith.index_cast %add3A_469 : i32 to index
      %get3A_471 = arith.constant 16 : index
      %get3A_472 = tpu.vector_load %arg10[%get3A_470, %get3A_471] {strides = array<i32>} : memref<640x64xf32, #tpu.memory_space<vmem>>, vector<1x16xf32>,
      %get3A_473 = vector.shape_cast %get3A_472 : vector<1x16xf32> to vector<16xf32>
      %add3A_474 = arith.addf %add3A_467, %get3A_473 : vector<16xf32>
      %add3A_475 = arith.constant 17 : i32
      %add3A_476 = arith.addi %mul3A_218, %add3A_475 : i32
      %get3A_477 = arith.index_cast %add3A_476 : i32 to index
      %get3A_478 = arith.constant 16 : index
      %get3A_479 = tpu.vector_load %arg10[%get3A_477, %get3A_478] {strides = array<i32>} : memref<640x64xf32, #tpu.memory_space<vmem>>, vector<1x16xf32>,
      %get3A_480 = vector.shape_cast %get3A_479 : vector<1x16xf32> to vector<16xf32>
      %add3A_481 = arith.addf %add3A_474, %get3A_480 : vector<16xf32>
      %add3A_482 = arith.constant 18 : i32
      %add3A_483 = arith.addi %mul3A_218, %add3A_482 : i32
      %get3A_484 = arith.index_cast %add3A_483 : i32 to index
      %get3A_485 = arith.constant 16 : index
      %get3A_486 = tpu.vector_load %arg10[%get3A_484, %get3A_485] {strides = array<i32>} : memref<640x64xf32, #tpu.memory_space<vmem>>, vector<1x16xf32>,
      %get3A_487 = vector.shape_cast %get3A_486 : vector<1x16xf32> to vector<16xf32>
      %add3A_488 = arith.addf %add3A_481, %get3A_487 : vector<16xf32>
      %add3A_489 = arith.constant 19 : i32
      %add3A_490 = arith.addi %mul3A_218, %add3A_489 : i32
      %get3A_491 = arith.index_cast %add3A_490 : i32 to index
      %get3A_492 = arith.constant 16 : index
      %get3A_493 = tpu.vector_load %arg10[%get3A_491, %get3A_492] {strides = array<i32>} : memref<640x64xf32, #tpu.memory_space<vmem>>, vector<1x16xf32>,
      %get3A_494 = vector.shape_cast %get3A_493 : vector<1x16xf32> to vector<16xf32>
      %add3A_495 = arith.addf %add3A_488, %get3A_494 : vector<16xf32>
      %swap3A_496 = arith.index_cast %scan3A_216 : i32 to index
      %swap3A_497 = arith.constant 16 : index
      %swap3A_498 = tpu.vector_load %arg11[%swap3A_496, %swap3A_497] {strides = array<i32>} : memref<32x64xf32, #tpu.memory_space<vmem>>, vector<1x16xf32>,
      %swap3A_499 = vector.shape_cast %swap3A_498 : vector<1x16xf32> to vector<16xf32>
      %swap3A_500 = vector.shape_cast %add3A_495 : vector<16xf32> to vector<1x16xf32>
      tpu.vector_store %arg11[%swap3A_496, %swap3A_497], %swap3A_500 {strides = array<i32>} : memref<32x64xf32, #tpu.memory_space<vmem>>, vector<1x16xf32>,
      %get3A_501 = arith.index_cast %mul3A_218 : i32 to index
      %get3A_502 = arith.constant 32 : index
      %get3A_503 = tpu.vector_load %arg10[%get3A_501, %get3A_502] {strides = array<i32>} : memref<640x64xf32, #tpu.memory_space<vmem>>, vector<1x16xf32>,
      %get3A_504 = vector.shape_cast %get3A_503 : vector<1x16xf32> to vector<16xf32>
      %add3A_505 = arith.constant 1 : i32
      %add3A_506 = arith.addi %mul3A_218, %add3A_505 : i32
      %get3A_507 = arith.index_cast %add3A_506 : i32 to index
      %get3A_508 = arith.constant 32 : index
      %get3A_509 = tpu.vector_load %arg10[%get3A_507, %get3A_508] {strides = array<i32>} : memref<640x64xf32, #tpu.memory_space<vmem>>, vector<1x16xf32>,
      %get3A_510 = vector.shape_cast %get3A_509 : vector<1x16xf32> to vector<16xf32>
      %add3A_511 = arith.addf %get3A_504, %get3A_510 : vector<16xf32>
      %add3A_512 = arith.constant 2 : i32
      %add3A_513 = arith.addi %mul3A_218, %add3A_512 : i32
      %get3A_514 = arith.index_cast %add3A_513 : i32 to index
      %get3A_515 = arith.constant 32 : index
      %get3A_516 = tpu.vector_load %arg10[%get3A_514, %get3A_515] {strides = array<i32>} : memref<640x64xf32, #tpu.memory_space<vmem>>, vector<1x16xf32>,
      %get3A_517 = vector.shape_cast %get3A_516 : vector<1x16xf32> to vector<16xf32>
      %add3A_518 = arith.addf %add3A_511, %get3A_517 : vector<16xf32>
      %add3A_519 = arith.constant 3 : i32
      %add3A_520 = arith.addi %mul3A_218, %add3A_519 : i32
      %get3A_521 = arith.index_cast %add3A_520 : i32 to index
      %get3A_522 = arith.constant 32 : index
      %get3A_523 = tpu.vector_load %arg10[%get3A_521, %get3A_522] {strides = array<i32>} : memref<640x64xf32, #tpu.memory_space<vmem>>, vector<1x16xf32>,
      %get3A_524 = vector.shape_cast %get3A_523 : vector<1x16xf32> to vector<16xf32>
      %add3A_525 = arith.addf %add3A_518, %get3A_524 : vector<16xf32>
      %add3A_526 = arith.constant 4 : i32
      %add3A_527 = arith.addi %mul3A_218, %add3A_526 : i32
      %get3A_528 = arith.index_cast %add3A_527 : i32 to index
      %get3A_529 = arith.constant 32 : index
      %get3A_530 = tpu.vector_load %arg10[%get3A_528, %get3A_529] {strides = array<i32>} : memref<640x64xf32, #tpu.memory_space<vmem>>, vector<1x16xf32>,
      %get3A_531 = vector.shape_cast %get3A_530 : vector<1x16xf32> to vector<16xf32>
      %add3A_532 = arith.addf %add3A_525, %get3A_531 : vector<16xf32>
      %add3A_533 = arith.constant 5 : i32
      %add3A_534 = arith.addi %mul3A_218, %add3A_533 : i32
      %get3A_535 = arith.index_cast %add3A_534 : i32 to index
      %get3A_536 = arith.constant 32 : index
      %get3A_537 = tpu.vector_load %arg10[%get3A_535, %get3A_536] {strides = array<i32>} : memref<640x64xf32, #tpu.memory_space<vmem>>, vector<1x16xf32>,
      %get3A_538 = vector.shape_cast %get3A_537 : vector<1x16xf32> to vector<16xf32>
      %add3A_539 = arith.addf %add3A_532, %get3A_538 : vector<16xf32>
      %add3A_540 = arith.constant 6 : i32
      %add3A_541 = arith.addi %mul3A_218, %add3A_540 : i32
      %get3A_542 = arith.index_cast %add3A_541 : i32 to index
      %get3A_543 = arith.constant 32 : index
      %get3A_544 = tpu.vector_load %arg10[%get3A_542, %get3A_543] {strides = array<i32>} : memref<640x64xf32, #tpu.memory_space<vmem>>, vector<1x16xf32>,
      %get3A_545 = vector.shape_cast %get3A_544 : vector<1x16xf32> to vector<16xf32>
      %add3A_546 = arith.addf %add3A_539, %get3A_545 : vector<16xf32>
      %add3A_547 = arith.constant 7 : i32
      %add3A_548 = arith.addi %mul3A_218, %add3A_547 : i32
      %get3A_549 = arith.index_cast %add3A_548 : i32 to index
      %get3A_550 = arith.constant 32 : index
      %get3A_551 = tpu.vector_load %arg10[%get3A_549, %get3A_550] {strides = array<i32>} : memref<640x64xf32, #tpu.memory_space<vmem>>, vector<1x16xf32>,
      %get3A_552 = vector.shape_cast %get3A_551 : vector<1x16xf32> to vector<16xf32>
      %add3A_553 = arith.addf %add3A_546, %get3A_552 : vector<16xf32>
      %add3A_554 = arith.constant 8 : i32
      %add3A_555 = arith.addi %mul3A_218, %add3A_554 : i32
      %get3A_556 = arith.index_cast %add3A_555 : i32 to index
      %get3A_557 = arith.constant 32 : index
      %get3A_558 = tpu.vector_load %arg10[%get3A_556, %get3A_557] {strides = array<i32>} : memref<640x64xf32, #tpu.memory_space<vmem>>, vector<1x16xf32>,
      %get3A_559 = vector.shape_cast %get3A_558 : vector<1x16xf32> to vector<16xf32>
      %add3A_560 = arith.addf %add3A_553, %get3A_559 : vector<16xf32>
      %add3A_561 = arith.constant 9 : i32
      %add3A_562 = arith.addi %mul3A_218, %add3A_561 : i32
      %get3A_563 = arith.index_cast %add3A_562 : i32 to index
      %get3A_564 = arith.constant 32 : index
      %get3A_565 = tpu.vector_load %arg10[%get3A_563, %get3A_564] {strides = array<i32>} : memref<640x64xf32, #tpu.memory_space<vmem>>, vector<1x16xf32>,
      %get3A_566 = vector.shape_cast %get3A_565 : vector<1x16xf32> to vector<16xf32>
      %add3A_567 = arith.addf %add3A_560, %get3A_566 : vector<16xf32>
      %add3A_568 = arith.constant 10 : i32
      %add3A_569 = arith.addi %mul3A_218, %add3A_568 : i32
      %get3A_570 = arith.index_cast %add3A_569 : i32 to index
      %get3A_571 = arith.constant 32 : index
      %get3A_572 = tpu.vector_load %arg10[%get3A_570, %get3A_571] {strides = array<i32>} : memref<640x64xf32, #tpu.memory_space<vmem>>, vector<1x16xf32>,
      %get3A_573 = vector.shape_cast %get3A_572 : vector<1x16xf32> to vector<16xf32>
      %add3A_574 = arith.addf %add3A_567, %get3A_573 : vector<16xf32>
      %add3A_575 = arith.constant 11 : i32
      %add3A_576 = arith.addi %mul3A_218, %add3A_575 : i32
      %get3A_577 = arith.index_cast %add3A_576 : i32 to index
      %get3A_578 = arith.constant 32 : index
      %get3A_579 = tpu.vector_load %arg10[%get3A_577, %get3A_578] {strides = array<i32>} : memref<640x64xf32, #tpu.memory_space<vmem>>, vector<1x16xf32>,
      %get3A_580 = vector.shape_cast %get3A_579 : vector<1x16xf32> to vector<16xf32>
      %add3A_581 = arith.addf %add3A_574, %get3A_580 : vector<16xf32>
      %add3A_582 = arith.constant 12 : i32
      %add3A_583 = arith.addi %mul3A_218, %add3A_582 : i32
      %get3A_584 = arith.index_cast %add3A_583 : i32 to index
      %get3A_585 = arith.constant 32 : index
      %get3A_586 = tpu.vector_load %arg10[%get3A_584, %get3A_585] {strides = array<i32>} : memref<640x64xf32, #tpu.memory_space<vmem>>, vector<1x16xf32>,
      %get3A_587 = vector.shape_cast %get3A_586 : vector<1x16xf32> to vector<16xf32>
      %add3A_588 = arith.addf %add3A_581, %get3A_587 : vector<16xf32>
      %add3A_589 = arith.constant 13 : i32
      %add3A_590 = arith.addi %mul3A_218, %add3A_589 : i32
      %get3A_591 = arith.index_cast %add3A_590 : i32 to index
      %get3A_592 = arith.constant 32 : index
      %get3A_593 = tpu.vector_load %arg10[%get3A_591, %get3A_592] {strides = array<i32>} : memref<640x64xf32, #tpu.memory_space<vmem>>, vector<1x16xf32>,
      %get3A_594 = vector.shape_cast %get3A_593 : vector<1x16xf32> to vector<16xf32>
      %add3A_595 = arith.addf %add3A_588, %get3A_594 : vector<16xf32>
      %add3A_596 = arith.constant 14 : i32
      %add3A_597 = arith.addi %mul3A_218, %add3A_596 : i32
      %get3A_598 = arith.index_cast %add3A_597 : i32 to index
      %get3A_599 = arith.constant 32 : index
      %get3A_600 = tpu.vector_load %arg10[%get3A_598, %get3A_599] {strides = array<i32>} : memref<640x64xf32, #tpu.memory_space<vmem>>, vector<1x16xf32>,
      %get3A_601 = vector.shape_cast %get3A_600 : vector<1x16xf32> to vector<16xf32>
      %add3A_602 = arith.addf %add3A_595, %get3A_601 : vector<16xf32>
      %add3A_603 = arith.constant 15 : i32
      %add3A_604 = arith.addi %mul3A_218, %add3A_603 : i32
      %get3A_605 = arith.index_cast %add3A_604 : i32 to index
      %get3A_606 = arith.constant 32 : index
      %get3A_607 = tpu.vector_load %arg10[%get3A_605, %get3A_606] {strides = array<i32>} : memref<640x64xf32, #tpu.memory_space<vmem>>, vector<1x16xf32>,
      %get3A_608 = vector.shape_cast %get3A_607 : vector<1x16xf32> to vector<16xf32>
      %add3A_609 = arith.addf %add3A_602, %get3A_608 : vector<16xf32>
      %add3A_610 = arith.constant 16 : i32
      %add3A_611 = arith.addi %mul3A_218, %add3A_610 : i32
      %get3A_612 = arith.index_cast %add3A_611 : i32 to index
      %get3A_613 = arith.constant 32 : index
      %get3A_614 = tpu.vector_load %arg10[%get3A_612, %get3A_613] {strides = array<i32>} : memref<640x64xf32, #tpu.memory_space<vmem>>, vector<1x16xf32>,
      %get3A_615 = vector.shape_cast %get3A_614 : vector<1x16xf32> to vector<16xf32>
      %add3A_616 = arith.addf %add3A_609, %get3A_615 : vector<16xf32>
      %add3A_617 = arith.constant 17 : i32
      %add3A_618 = arith.addi %mul3A_218, %add3A_617 : i32
      %get3A_619 = arith.index_cast %add3A_618 : i32 to index
      %get3A_620 = arith.constant 32 : index
      %get3A_621 = tpu.vector_load %arg10[%get3A_619, %get3A_620] {strides = array<i32>} : memref<640x64xf32, #tpu.memory_space<vmem>>, vector<1x16xf32>,
      %get3A_622 = vector.shape_cast %get3A_621 : vector<1x16xf32> to vector<16xf32>
      %add3A_623 = arith.addf %add3A_616, %get3A_622 : vector<16xf32>
      %add3A_624 = arith.constant 18 : i32
      %add3A_625 = arith.addi %mul3A_218, %add3A_624 : i32
      %get3A_626 = arith.index_cast %add3A_625 : i32 to index
      %get3A_627 = arith.constant 32 : index
      %get3A_628 = tpu.vector_load %arg10[%get3A_626, %get3A_627] {strides = array<i32>} : memref<640x64xf32, #tpu.memory_space<vmem>>, vector<1x16xf32>,
      %get3A_629 = vector.shape_cast %get3A_628 : vector<1x16xf32> to vector<16xf32>
      %add3A_630 = arith.addf %add3A_623, %get3A_629 : vector<16xf32>
      %add3A_631 = arith.constant 19 : i32
      %add3A_632 = arith.addi %mul3A_218, %add3A_631 : i32
      %get3A_633 = arith.index_cast %add3A_632 : i32 to index
      %get3A_634 = arith.constant 32 : index
      %get3A_635 = tpu.vector_load %arg10[%get3A_633, %get3A_634] {strides = array<i32>} : memref<640x64xf32, #tpu.memory_space<vmem>>, vector<1x16xf32>,
      %get3A_636 = vector.shape_cast %get3A_635 : vector<1x16xf32> to vector<16xf32>
      %add3A_637 = arith.addf %add3A_630, %get3A_636 : vector<16xf32>
      %swap3A_638 = arith.index_cast %scan3A_216 : i32 to index
      %swap3A_639 = arith.constant 32 : index
      %swap3A_640 = tpu.vector_load %arg11[%swap3A_638, %swap3A_639] {strides = array<i32>} : memref<32x64xf32, #tpu.memory_space<vmem>>, vector<1x16xf32>,
      %swap3A_641 = vector.shape_cast %swap3A_640 : vector<1x16xf32> to vector<16xf32>
      %swap3A_642 = vector.shape_cast %add3A_637 : vector<16xf32> to vector<1x16xf32>
      tpu.vector_store %arg11[%swap3A_638, %swap3A_639], %swap3A_642 {strides = array<i32>} : memref<32x64xf32, #tpu.memory_space<vmem>>, vector<1x16xf32>,
      %get3A_643 = arith.index_cast %mul3A_218 : i32 to index
      %get3A_644 = arith.constant 48 : index
      %get3A_645 = tpu.vector_load %arg10[%get3A_643, %get3A_644] {strides = array<i32>} : memref<640x64xf32, #tpu.memory_space<vmem>>, vector<1x16xf32>,
      %get3A_646 = vector.shape_cast %get3A_645 : vector<1x16xf32> to vector<16xf32>
      %add3A_647 = arith.constant 1 : i32
      %add3A_648 = arith.addi %mul3A_218, %add3A_647 : i32
      %get3A_649 = arith.index_cast %add3A_648 : i32 to index
      %get3A_650 = arith.constant 48 : index
      %get3A_651 = tpu.vector_load %arg10[%get3A_649, %get3A_650] {strides = array<i32>} : memref<640x64xf32, #tpu.memory_space<vmem>>, vector<1x16xf32>,
      %get3A_652 = vector.shape_cast %get3A_651 : vector<1x16xf32> to vector<16xf32>
      %add3A_653 = arith.addf %get3A_646, %get3A_652 : vector<16xf32>
      %add3A_654 = arith.constant 2 : i32
      %add3A_655 = arith.addi %mul3A_218, %add3A_654 : i32
      %get3A_656 = arith.index_cast %add3A_655 : i32 to index
      %get3A_657 = arith.constant 48 : index
      %get3A_658 = tpu.vector_load %arg10[%get3A_656, %get3A_657] {strides = array<i32>} : memref<640x64xf32, #tpu.memory_space<vmem>>, vector<1x16xf32>,
      %get3A_659 = vector.shape_cast %get3A_658 : vector<1x16xf32> to vector<16xf32>
      %add3A_660 = arith.addf %add3A_653, %get3A_659 : vector<16xf32>
      %add3A_661 = arith.constant 3 : i32
      %add3A_662 = arith.addi %mul3A_218, %add3A_661 : i32
      %get3A_663 = arith.index_cast %add3A_662 : i32 to index
      %get3A_664 = arith.constant 48 : index
      %get3A_665 = tpu.vector_load %arg10[%get3A_663, %get3A_664] {strides = array<i32>} : memref<640x64xf32, #tpu.memory_space<vmem>>, vector<1x16xf32>,
      %get3A_666 = vector.shape_cast %get3A_665 : vector<1x16xf32> to vector<16xf32>
      %add3A_667 = arith.addf %add3A_660, %get3A_666 : vector<16xf32>
      %add3A_668 = arith.constant 4 : i32
      %add3A_669 = arith.addi %mul3A_218, %add3A_668 : i32
      %get3A_670 = arith.index_cast %add3A_669 : i32 to index
      %get3A_671 = arith.constant 48 : index
      %get3A_672 = tpu.vector_load %arg10[%get3A_670, %get3A_671] {strides = array<i32>} : memref<640x64xf32, #tpu.memory_space<vmem>>, vector<1x16xf32>,
      %get3A_673 = vector.shape_cast %get3A_672 : vector<1x16xf32> to vector<16xf32>
      %add3A_674 = arith.addf %add3A_667, %get3A_673 : vector<16xf32>
      %add3A_675 = arith.constant 5 : i32
      %add3A_676 = arith.addi %mul3A_218, %add3A_675 : i32
      %get3A_677 = arith.index_cast %add3A_676 : i32 to index
      %get3A_678 = arith.constant 48 : index
      %get3A_679 = tpu.vector_load %arg10[%get3A_677, %get3A_678] {strides = array<i32>} : memref<640x64xf32, #tpu.memory_space<vmem>>, vector<1x16xf32>,
      %get3A_680 = vector.shape_cast %get3A_679 : vector<1x16xf32> to vector<16xf32>
      %add3A_681 = arith.addf %add3A_674, %get3A_680 : vector<16xf32>
      %add3A_682 = arith.constant 6 : i32
      %add3A_683 = arith.addi %mul3A_218, %add3A_682 : i32
      %get3A_684 = arith.index_cast %add3A_683 : i32 to index
      %get3A_685 = arith.constant 48 : index
      %get3A_686 = tpu.vector_load %arg10[%get3A_684, %get3A_685] {strides = array<i32>} : memref<640x64xf32, #tpu.memory_space<vmem>>, vector<1x16xf32>,
      %get3A_687 = vector.shape_cast %get3A_686 : vector<1x16xf32> to vector<16xf32>
      %add3A_688 = arith.addf %add3A_681, %get3A_687 : vector<16xf32>
      %add3A_689 = arith.constant 7 : i32
      %add3A_690 = arith.addi %mul3A_218, %add3A_689 : i32
      %get3A_691 = arith.index_cast %add3A_690 : i32 to index
      %get3A_692 = arith.constant 48 : index
      %get3A_693 = tpu.vector_load %arg10[%get3A_691, %get3A_692] {strides = array<i32>} : memref<640x64xf32, #tpu.memory_space<vmem>>, vector<1x16xf32>,
      %get3A_694 = vector.shape_cast %get3A_693 : vector<1x16xf32> to vector<16xf32>
      %add3A_695 = arith.addf %add3A_688, %get3A_694 : vector<16xf32>
      %add3A_696 = arith.constant 8 : i32
      %add3A_697 = arith.addi %mul3A_218, %add3A_696 : i32
      %get3A_698 = arith.index_cast %add3A_697 : i32 to index
      %get3A_699 = arith.constant 48 : index
      %get3A_700 = tpu.vector_load %arg10[%get3A_698, %get3A_699] {strides = array<i32>} : memref<640x64xf32, #tpu.memory_space<vmem>>, vector<1x16xf32>,
      %get3A_701 = vector.shape_cast %get3A_700 : vector<1x16xf32> to vector<16xf32>
      %add3A_702 = arith.addf %add3A_695, %get3A_701 : vector<16xf32>
      %add3A_703 = arith.constant 9 : i32
      %add3A_704 = arith.addi %mul3A_218, %add3A_703 : i32
      %get3A_705 = arith.index_cast %add3A_704 : i32 to index
      %get3A_706 = arith.constant 48 : index
      %get3A_707 = tpu.vector_load %arg10[%get3A_705, %get3A_706] {strides = array<i32>} : memref<640x64xf32, #tpu.memory_space<vmem>>, vector<1x16xf32>,
      %get3A_708 = vector.shape_cast %get3A_707 : vector<1x16xf32> to vector<16xf32>
      %add3A_709 = arith.addf %add3A_702, %get3A_708 : vector<16xf32>
      %add3A_710 = arith.constant 10 : i32
      %add3A_711 = arith.addi %mul3A_218, %add3A_710 : i32
      %get3A_712 = arith.index_cast %add3A_711 : i32 to index
      %get3A_713 = arith.constant 48 : index
      %get3A_714 = tpu.vector_load %arg10[%get3A_712, %get3A_713] {strides = array<i32>} : memref<640x64xf32, #tpu.memory_space<vmem>>, vector<1x16xf32>,
      %get3A_715 = vector.shape_cast %get3A_714 : vector<1x16xf32> to vector<16xf32>
      %add3A_716 = arith.addf %add3A_709, %get3A_715 : vector<16xf32>
      %add3A_717 = arith.constant 11 : i32
      %add3A_718 = arith.addi %mul3A_218, %add3A_717 : i32
      %get3A_719 = arith.index_cast %add3A_718 : i32 to index
      %get3A_720 = arith.constant 48 : index
      %get3A_721 = tpu.vector_load %arg10[%get3A_719, %get3A_720] {strides = array<i32>} : memref<640x64xf32, #tpu.memory_space<vmem>>, vector<1x16xf32>,
      %get3A_722 = vector.shape_cast %get3A_721 : vector<1x16xf32> to vector<16xf32>
      %add3A_723 = arith.addf %add3A_716, %get3A_722 : vector<16xf32>
      %add3A_724 = arith.constant 12 : i32
      %add3A_725 = arith.addi %mul3A_218, %add3A_724 : i32
      %get3A_726 = arith.index_cast %add3A_725 : i32 to index
      %get3A_727 = arith.constant 48 : index
      %get3A_728 = tpu.vector_load %arg10[%get3A_726, %get3A_727] {strides = array<i32>} : memref<640x64xf32, #tpu.memory_space<vmem>>, vector<1x16xf32>,
      %get3A_729 = vector.shape_cast %get3A_728 : vector<1x16xf32> to vector<16xf32>
      %add3A_730 = arith.addf %add3A_723, %get3A_729 : vector<16xf32>
      %add3A_731 = arith.constant 13 : i32
      %add3A_732 = arith.addi %mul3A_218, %add3A_731 : i32
      %get3A_733 = arith.index_cast %add3A_732 : i32 to index
      %get3A_734 = arith.constant 48 : index
      %get3A_735 = tpu.vector_load %arg10[%get3A_733, %get3A_734] {strides = array<i32>} : memref<640x64xf32, #tpu.memory_space<vmem>>, vector<1x16xf32>,
      %get3A_736 = vector.shape_cast %get3A_735 : vector<1x16xf32> to vector<16xf32>
      %add3A_737 = arith.addf %add3A_730, %get3A_736 : vector<16xf32>
      %add3A_738 = arith.constant 14 : i32
      %add3A_739 = arith.addi %mul3A_218, %add3A_738 : i32
      %get3A_740 = arith.index_cast %add3A_739 : i32 to index
      %get3A_741 = arith.constant 48 : index
      %get3A_742 = tpu.vector_load %arg10[%get3A_740, %get3A_741] {strides = array<i32>} : memref<640x64xf32, #tpu.memory_space<vmem>>, vector<1x16xf32>,
      %get3A_743 = vector.shape_cast %get3A_742 : vector<1x16xf32> to vector<16xf32>
      %add3A_744 = arith.addf %add3A_737, %get3A_743 : vector<16xf32>
      %add3A_745 = arith.constant 15 : i32
      %add3A_746 = arith.addi %mul3A_218, %add3A_745 : i32
      %get3A_747 = arith.index_cast %add3A_746 : i32 to index
      %get3A_748 = arith.constant 48 : index
      %get3A_749 = tpu.vector_load %arg10[%get3A_747, %get3A_748] {strides = array<i32>} : memref<640x64xf32, #tpu.memory_space<vmem>>, vector<1x16xf32>,
      %get3A_750 = vector.shape_cast %get3A_749 : vector<1x16xf32> to vector<16xf32>
      %add3A_751 = arith.addf %add3A_744, %get3A_750 : vector<16xf32>
      %add3A_752 = arith.constant 16 : i32
      %add3A_753 = arith.addi %mul3A_218, %add3A_752 : i32
      %get3A_754 = arith.index_cast %add3A_753 : i32 to index
      %get3A_755 = arith.constant 48 : index
      %get3A_756 = tpu.vector_load %arg10[%get3A_754, %get3A_755] {strides = array<i32>} : memref<640x64xf32, #tpu.memory_space<vmem>>, vector<1x16xf32>,
      %get3A_757 = vector.shape_cast %get3A_756 : vector<1x16xf32> to vector<16xf32>
      %add3A_758 = arith.addf %add3A_751, %get3A_757 : vector<16xf32>
      %add3A_759 = arith.constant 17 : i32
      %add3A_760 = arith.addi %mul3A_218, %add3A_759 : i32
      %get3A_761 = arith.index_cast %add3A_760 : i32 to index
      %get3A_762 = arith.constant 48 : index
      %get3A_763 = tpu.vector_load %arg10[%get3A_761, %get3A_762] {strides = array<i32>} : memref<640x64xf32, #tpu.memory_space<vmem>>, vector<1x16xf32>,
      %get3A_764 = vector.shape_cast %get3A_763 : vector<1x16xf32> to vector<16xf32>
      %add3A_765 = arith.addf %add3A_758, %get3A_764 : vector<16xf32>
      %add3A_766 = arith.constant 18 : i32
      %add3A_767 = arith.addi %mul3A_218, %add3A_766 : i32
      %get3A_768 = arith.index_cast %add3A_767 : i32 to index
      %get3A_769 = arith.constant 48 : index
      %get3A_770 = tpu.vector_load %arg10[%get3A_768, %get3A_769] {strides = array<i32>} : memref<640x64xf32, #tpu.memory_space<vmem>>, vector<1x16xf32>,
      %get3A_771 = vector.shape_cast %get3A_770 : vector<1x16xf32> to vector<16xf32>
      %add3A_772 = arith.addf %add3A_765, %get3A_771 : vector<16xf32>
      %add3A_773 = arith.constant 19 : i32
      %add3A_774 = arith.addi %mul3A_218, %add3A_773 : i32
      %get3A_775 = arith.index_cast %add3A_774 : i32 to index
      %get3A_776 = arith.constant 48 : index
      %get3A_777 = tpu.vector_load %arg10[%get3A_775, %get3A_776] {strides = array<i32>} : memref<640x64xf32, #tpu.memory_space<vmem>>, vector<1x16xf32>,
      %get3A_778 = vector.shape_cast %get3A_777 : vector<1x16xf32> to vector<16xf32>
      %add3A_779 = arith.addf %add3A_772, %get3A_778 : vector<16xf32>
      %swap3A_780 = arith.index_cast %scan3A_216 : i32 to index
      %swap3A_781 = arith.constant 48 : index
      %swap3A_782 = tpu.vector_load %arg11[%swap3A_780, %swap3A_781] {strides = array<i32>} : memref<32x64xf32, #tpu.memory_space<vmem>>, vector<1x16xf32>,
      %swap3A_783 = vector.shape_cast %swap3A_782 : vector<1x16xf32> to vector<16xf32>
      %swap3A_784 = vector.shape_cast %add3A_779 : vector<16xf32> to vector<1x16xf32>
      tpu.vector_store %arg11[%swap3A_780, %swap3A_781], %swap3A_784 {strides = array<i32>} : memref<32x64xf32, #tpu.memory_space<vmem>>, vector<1x16xf32>,
    }
    %scan3A_209 = arith.constant 32 : i32
    %dma_wait3A_210 = arith.constant 0 : i32
    %dma_wait3A_211 = tpu.memref_slice %arg5[%mul3A_200, %dma_wait3A_210] : memref<20480x128xf32, #tpu.memory_space<hbm>> -> memref<640x64xf32, #tpu.memory_space<hbm>>
    %dma_wait3A_212 = arith.constant 0 : i32
    %dma_wait3A_213 = tpu.memref_slice %arg5[%mul3A_200, %dma_wait3A_212] : memref<20480x128xf32, #tpu.memory_space<hbm>> -> memref<640x64xf32, #tpu.memory_space<hbm>>
    tpu.wait_dma2 semaphore(%arg12 : memref<!tpu.dma_semaphore, #tpu.memory_space<semaphore_mem>>) src(%arg9 : memref<640x64xf32, #tpu.memory_space<vmem>>) dst(%dma_wait3A_213 : memref<640x64xf32, #tpu.memory_space<hbm>>)
    %mul3A_214 = arith.constant 32 : i32
    %mul3A_215 = arith.muli %add3A, %mul3A_214 : i32
    "tpu.region"() ({
      %run_scoped3A = tpu.sem_alloc : memref<!tpu.dma_semaphore, #tpu.memory_space<semaphore_mem>>
      %dma_start3A_216 = arith.constant 0 : i32
      %dma_start3A_217 = tpu.memref_slice %arg6[%mul3A_215, %dma_start3A_216] : memref<1024x128xf32, #tpu.memory_space<hbm>> -> memref<32x64xf32, #tpu.memory_space<hbm>>
      %dma_start3A_218 = arith.constant 0 : i32
      %dma_start3A_219 = tpu.memref_slice %arg6[%mul3A_215, %dma_start3A_218] : memref<1024x128xf32, #tpu.memory_space<hbm>> -> memref<32x64xf32, #tpu.memory_space<hbm>>
      tpu.enqueue_dma source(%arg11 : memref<32x64xf32, #tpu.memory_space<vmem>>) target(%dma_start3A_219 : memref<32x64xf32, #tpu.memory_space<hbm>>) target_semaphore(%run_scoped3A : memref<!tpu.dma_semaphore, #tpu.memory_space<semaphore_mem>>)
      %dma_wait3A_220 = arith.constant 0 : i32
      %dma_wait3A_221 = tpu.memref_slice %arg6[%mul3A_215, %dma_wait3A_220] : memref<1024x128xf32, #tpu.memory_space<hbm>> -> memref<32x64xf32, #tpu.memory_space<hbm>>
      %dma_wait3A_222 = arith.constant 0 : i32
      %dma_wait3A_223 = tpu.memref_slice %arg6[%mul3A_215, %dma_wait3A_222] : memref<1024x128xf32, #tpu.memory_space<hbm>> -> memref<32x64xf32, #tpu.memory_space<hbm>>
      tpu.wait_dma2 semaphore(%run_scoped3A : memref<!tpu.dma_semaphore, #tpu.memory_space<semaphore_mem>>) src(%arg11 : memref<32x64xf32, #tpu.memory_space<vmem>>) dst(%dma_wait3A_223 : memref<32x64xf32, #tpu.memory_space<hbm>>)
      tpu.yield
    }) : () -> ()
    return
  }
}

module attributes {stable_mosaic.version = 14 : i64} {
  func.func @_dense_body(%arg0: i32, %arg1: memref<320x128xf32, #tpu.memory_space<vmem>>, %arg2: memref<16x128xf32, #tpu.memory_space<vmem>>, %arg3: memref<16x20x20xi32, #tpu.memory_space<vmem>>, %arg4: memref<16x20x20xf32, #tpu.memory_space<vmem>>, %arg5: memref<64x64xf32, #tpu.memory_space<vmem>>, %arg6: memref<2x128x64xf32, #tpu.memory_space<vmem>>, %arg7: memref<2x64x64xf32, #tpu.memory_space<vmem>>, %arg8: memref<16x64xf32, #tpu.memory_space<vmem>>, %arg9: memref<64x192xf32, #tpu.memory_space<vmem>>, %arg10: memref<64x192xf32, #tpu.memory_space<vmem>>, %arg11: memref<32x64xf32, #tpu.memory_space<vmem>>, %arg12: memref<16x20x64xf32, #tpu.memory_space<vmem>>, %arg13: memref<16x20x64xf32, #tpu.memory_space<vmem>>, %arg14: memref<16x20x64xf32, #tpu.memory_space<vmem>>) attributes {dimension_semantics = [#tpu.dimension_semantics<parallel>], iteration_bounds = array<i64: 64>, scalar_prefetch = 0 : i64, scratch_operands = 0 : i64, tpu.core_type = #tpu.core_type<tc>, window_params = [{transform_indices = @transform_0, window_bounds = array<i64: 320, 128>}, {transform_indices = @transform_1, window_bounds = array<i64: 16, 128>}, {transform_indices = @transform_2, window_bounds = array<i64: 16, 20, 20>}, {transform_indices = @transform_3, window_bounds = array<i64: 16, 20, 20>}, {pipeline_mode = #tpu.pipeline_mode<synchronous>, transform_indices = @transform_4, window_bounds = array<i64: 64, 64>}, {pipeline_mode = #tpu.pipeline_mode<synchronous>, transform_indices = @transform_5, window_bounds = array<i64: 2, 128, 64>}, {pipeline_mode = #tpu.pipeline_mode<synchronous>, transform_indices = @transform_6, window_bounds = array<i64: 2, 64, 64>}, {pipeline_mode = #tpu.pipeline_mode<synchronous>, transform_indices = @transform_7, window_bounds = array<i64: 16, 64>}, {pipeline_mode = #tpu.pipeline_mode<synchronous>, transform_indices = @transform_8, window_bounds = array<i64: 64, 192>}, {pipeline_mode = #tpu.pipeline_mode<synchronous>, transform_indices = @transform_9, window_bounds = array<i64: 64, 192>}, {pipeline_mode = #tpu.pipeline_mode<synchronous>, transform_indices = @transform_10, window_bounds = array<i64: 32, 64>}, {transform_indices = @transform_11, window_bounds = array<i64: 16, 20, 64>}, {transform_indices = @transform_12, window_bounds = array<i64: 16, 20, 64>}, {transform_indices = @transform_13, window_bounds = array<i64: 16, 20, 64>}]} {
    %get3A = arith.constant 0 : index
    %get3A_0 = arith.constant 0 : index
    %get3A_1 = vector.load %arg1[%get3A, %get3A_0] : memref<320x128xf32, #tpu.memory_space<vmem>>, vector<320x128xf32>
    %slice3A = vector.extract_strided_slice %get3A_1 {offsets = [0, 0], sizes = [320, 64], strides = [1, 1]} : vector<320x128xf32> to vector<320x64xf32>
    %get3A_2 = arith.constant 0 : index
    %get3A_3 = arith.constant 0 : index
    %get3A_4 = vector.load %arg2[%get3A_2, %get3A_3] : memref<16x128xf32, #tpu.memory_space<vmem>>, vector<16x128xf32>
    %slice3A_5 = vector.extract_strided_slice %get3A_4 {offsets = [0, 0], sizes = [16, 64], strides = [1, 1]} : vector<16x128xf32> to vector<16x64xf32>
    %get3A_6 = arith.constant 0 : index
    %get3A_7 = arith.constant 0 : index
    %get3A_8 = vector.load %arg5[%get3A_6, %get3A_7] : memref<64x64xf32, #tpu.memory_space<vmem>>, vector<64x64xf32>
    %get3A_9 = arith.constant 0 : index
    %get3A_10 = arith.constant 0 : index
    %get3A_11 = arith.constant 0 : index
    %get3A_12 = vector.load %arg6[%get3A_9, %get3A_10, %get3A_11] : memref<2x128x64xf32, #tpu.memory_space<vmem>>, vector<2x128x64xf32>
    %get3A_13 = arith.constant 0 : index
    %get3A_14 = arith.constant 0 : index
    %get3A_15 = arith.constant 0 : index
    %get3A_16 = vector.load %arg7[%get3A_13, %get3A_14, %get3A_15] : memref<2x64x64xf32, #tpu.memory_space<vmem>>, vector<2x64x64xf32>
    %get3A_17 = arith.constant 0 : index
    %get3A_18 = arith.constant 0 : index
    %get3A_19 = vector.load %arg8[%get3A_17, %get3A_18] : memref<16x64xf32, #tpu.memory_space<vmem>>, vector<16x64xf32>
    %get3A_20 = arith.constant 0 : index
    %get3A_21 = arith.constant 0 : index
    %get3A_22 = vector.load %arg9[%get3A_20, %get3A_21] : memref<64x192xf32, #tpu.memory_space<vmem>>, vector<64x192xf32>
    %get3A_23 = arith.constant 0 : index
    %get3A_24 = arith.constant 0 : index
    %get3A_25 = vector.load %arg10[%get3A_23, %get3A_24] : memref<64x192xf32, #tpu.memory_space<vmem>>, vector<64x192xf32>
    %get3A_26 = arith.constant 0 : index
    %get3A_27 = arith.constant 0 : index
    %get3A_28 = vector.load %arg11[%get3A_26, %get3A_27] : memref<32x64xf32, #tpu.memory_space<vmem>>, vector<32x64xf32>
    %get3A_29 = arith.constant 0 : index
    %get3A_30 = arith.constant 0 : index
    %get3A_31 = arith.constant 0 : index
    %get3A_32 = vector.load %arg3[%get3A_29, %get3A_30, %get3A_31] : memref<16x20x20xi32, #tpu.memory_space<vmem>>, vector<16x20x20xi32>
    %get3A_33 = arith.constant 0 : index
    %get3A_34 = arith.constant 0 : index
    %get3A_35 = arith.constant 0 : index
    %get3A_36 = vector.load %arg4[%get3A_33, %get3A_34, %get3A_35] : memref<16x20x20xf32, #tpu.memory_space<vmem>>, vector<16x20x20xf32>
    %slice3A_37 = vector.extract_strided_slice %get3A_32 {offsets = [0, 0, 0], sizes = [1, 20, 20], strides = [1, 1, 1]} : vector<16x20x20xi32> to vector<1x20x20xi32>
    %squeeze3A = vector.shape_cast %slice3A_37 : vector<1x20x20xi32> to vector<20x20xi32>
    %slice3A_38 = vector.extract_strided_slice %get3A_32 {offsets = [1, 0, 0], sizes = [1, 20, 20], strides = [1, 1, 1]} : vector<16x20x20xi32> to vector<1x20x20xi32>
    %squeeze3A_39 = vector.shape_cast %slice3A_38 : vector<1x20x20xi32> to vector<20x20xi32>
    %slice3A_40 = vector.extract_strided_slice %get3A_32 {offsets = [2, 0, 0], sizes = [1, 20, 20], strides = [1, 1, 1]} : vector<16x20x20xi32> to vector<1x20x20xi32>
    %squeeze3A_41 = vector.shape_cast %slice3A_40 : vector<1x20x20xi32> to vector<20x20xi32>
    %slice3A_42 = vector.extract_strided_slice %get3A_32 {offsets = [3, 0, 0], sizes = [1, 20, 20], strides = [1, 1, 1]} : vector<16x20x20xi32> to vector<1x20x20xi32>
    %squeeze3A_43 = vector.shape_cast %slice3A_42 : vector<1x20x20xi32> to vector<20x20xi32>
    %slice3A_44 = vector.extract_strided_slice %get3A_32 {offsets = [4, 0, 0], sizes = [1, 20, 20], strides = [1, 1, 1]} : vector<16x20x20xi32> to vector<1x20x20xi32>
    %squeeze3A_45 = vector.shape_cast %slice3A_44 : vector<1x20x20xi32> to vector<20x20xi32>
    %slice3A_46 = vector.extract_strided_slice %get3A_32 {offsets = [5, 0, 0], sizes = [1, 20, 20], strides = [1, 1, 1]} : vector<16x20x20xi32> to vector<1x20x20xi32>
    %squeeze3A_47 = vector.shape_cast %slice3A_46 : vector<1x20x20xi32> to vector<20x20xi32>
    %slice3A_48 = vector.extract_strided_slice %get3A_32 {offsets = [6, 0, 0], sizes = [1, 20, 20], strides = [1, 1, 1]} : vector<16x20x20xi32> to vector<1x20x20xi32>
    %squeeze3A_49 = vector.shape_cast %slice3A_48 : vector<1x20x20xi32> to vector<20x20xi32>
    %slice3A_50 = vector.extract_strided_slice %get3A_32 {offsets = [7, 0, 0], sizes = [1, 20, 20], strides = [1, 1, 1]} : vector<16x20x20xi32> to vector<1x20x20xi32>
    %squeeze3A_51 = vector.shape_cast %slice3A_50 : vector<1x20x20xi32> to vector<20x20xi32>
    %slice3A_52 = vector.extract_strided_slice %get3A_32 {offsets = [8, 0, 0], sizes = [1, 20, 20], strides = [1, 1, 1]} : vector<16x20x20xi32> to vector<1x20x20xi32>
    %squeeze3A_53 = vector.shape_cast %slice3A_52 : vector<1x20x20xi32> to vector<20x20xi32>
    %slice3A_54 = vector.extract_strided_slice %get3A_32 {offsets = [9, 0, 0], sizes = [1, 20, 20], strides = [1, 1, 1]} : vector<16x20x20xi32> to vector<1x20x20xi32>
    %squeeze3A_55 = vector.shape_cast %slice3A_54 : vector<1x20x20xi32> to vector<20x20xi32>
    %slice3A_56 = vector.extract_strided_slice %get3A_32 {offsets = [10, 0, 0], sizes = [1, 20, 20], strides = [1, 1, 1]} : vector<16x20x20xi32> to vector<1x20x20xi32>
    %squeeze3A_57 = vector.shape_cast %slice3A_56 : vector<1x20x20xi32> to vector<20x20xi32>
    %slice3A_58 = vector.extract_strided_slice %get3A_32 {offsets = [11, 0, 0], sizes = [1, 20, 20], strides = [1, 1, 1]} : vector<16x20x20xi32> to vector<1x20x20xi32>
    %squeeze3A_59 = vector.shape_cast %slice3A_58 : vector<1x20x20xi32> to vector<20x20xi32>
    %slice3A_60 = vector.extract_strided_slice %get3A_32 {offsets = [12, 0, 0], sizes = [1, 20, 20], strides = [1, 1, 1]} : vector<16x20x20xi32> to vector<1x20x20xi32>
    %squeeze3A_61 = vector.shape_cast %slice3A_60 : vector<1x20x20xi32> to vector<20x20xi32>
    %slice3A_62 = vector.extract_strided_slice %get3A_32 {offsets = [13, 0, 0], sizes = [1, 20, 20], strides = [1, 1, 1]} : vector<16x20x20xi32> to vector<1x20x20xi32>
    %squeeze3A_63 = vector.shape_cast %slice3A_62 : vector<1x20x20xi32> to vector<20x20xi32>
    %slice3A_64 = vector.extract_strided_slice %get3A_32 {offsets = [14, 0, 0], sizes = [1, 20, 20], strides = [1, 1, 1]} : vector<16x20x20xi32> to vector<1x20x20xi32>
    %squeeze3A_65 = vector.shape_cast %slice3A_64 : vector<1x20x20xi32> to vector<20x20xi32>
    %slice3A_66 = vector.extract_strided_slice %get3A_32 {offsets = [15, 0, 0], sizes = [1, 20, 20], strides = [1, 1, 1]} : vector<16x20x20xi32> to vector<1x20x20xi32>
    %squeeze3A_67 = vector.shape_cast %slice3A_66 : vector<1x20x20xi32> to vector<20x20xi32>
    %concatenate3A = tpu.concatenate %squeeze3A, %squeeze3A_39, %squeeze3A_41, %squeeze3A_43, %squeeze3A_45, %squeeze3A_47, %squeeze3A_49, %squeeze3A_51, %squeeze3A_53, %squeeze3A_55, %squeeze3A_57, %squeeze3A_59, %squeeze3A_61, %squeeze3A_63, %squeeze3A_65, %squeeze3A_67 in 0 : vector<20x20xi32>, vector<20x20xi32>, vector<20x20xi32>, vector<20x20xi32>, vector<20x20xi32>, vector<20x20xi32>, vector<20x20xi32>, vector<20x20xi32>, vector<20x20xi32>, vector<20x20xi32>, vector<20x20xi32>, vector<20x20xi32>, vector<20x20xi32>, vector<20x20xi32>, vector<20x20xi32>, vector<20x20xi32> -> vector<320x20xi32>
    %convert_element_type3A = arith.sitofp %concatenate3A : vector<320x20xi32> to vector<320x20xf32>
    %slice3A_68 = vector.extract_strided_slice %get3A_36 {offsets = [0, 0, 0], sizes = [1, 20, 20], strides = [1, 1, 1]} : vector<16x20x20xf32> to vector<1x20x20xf32>
    %squeeze3A_69 = vector.shape_cast %slice3A_68 : vector<1x20x20xf32> to vector<20x20xf32>
    %slice3A_70 = vector.extract_strided_slice %get3A_36 {offsets = [1, 0, 0], sizes = [1, 20, 20], strides = [1, 1, 1]} : vector<16x20x20xf32> to vector<1x20x20xf32>
    %squeeze3A_71 = vector.shape_cast %slice3A_70 : vector<1x20x20xf32> to vector<20x20xf32>
    %slice3A_72 = vector.extract_strided_slice %get3A_36 {offsets = [2, 0, 0], sizes = [1, 20, 20], strides = [1, 1, 1]} : vector<16x20x20xf32> to vector<1x20x20xf32>
    %squeeze3A_73 = vector.shape_cast %slice3A_72 : vector<1x20x20xf32> to vector<20x20xf32>
    %slice3A_74 = vector.extract_strided_slice %get3A_36 {offsets = [3, 0, 0], sizes = [1, 20, 20], strides = [1, 1, 1]} : vector<16x20x20xf32> to vector<1x20x20xf32>
    %squeeze3A_75 = vector.shape_cast %slice3A_74 : vector<1x20x20xf32> to vector<20x20xf32>
    %slice3A_76 = vector.extract_strided_slice %get3A_36 {offsets = [4, 0, 0], sizes = [1, 20, 20], strides = [1, 1, 1]} : vector<16x20x20xf32> to vector<1x20x20xf32>
    %squeeze3A_77 = vector.shape_cast %slice3A_76 : vector<1x20x20xf32> to vector<20x20xf32>
    %slice3A_78 = vector.extract_strided_slice %get3A_36 {offsets = [5, 0, 0], sizes = [1, 20, 20], strides = [1, 1, 1]} : vector<16x20x20xf32> to vector<1x20x20xf32>
    %squeeze3A_79 = vector.shape_cast %slice3A_78 : vector<1x20x20xf32> to vector<20x20xf32>
    %slice3A_80 = vector.extract_strided_slice %get3A_36 {offsets = [6, 0, 0], sizes = [1, 20, 20], strides = [1, 1, 1]} : vector<16x20x20xf32> to vector<1x20x20xf32>
    %squeeze3A_81 = vector.shape_cast %slice3A_80 : vector<1x20x20xf32> to vector<20x20xf32>
    %slice3A_82 = vector.extract_strided_slice %get3A_36 {offsets = [7, 0, 0], sizes = [1, 20, 20], strides = [1, 1, 1]} : vector<16x20x20xf32> to vector<1x20x20xf32>
    %squeeze3A_83 = vector.shape_cast %slice3A_82 : vector<1x20x20xf32> to vector<20x20xf32>
    %slice3A_84 = vector.extract_strided_slice %get3A_36 {offsets = [8, 0, 0], sizes = [1, 20, 20], strides = [1, 1, 1]} : vector<16x20x20xf32> to vector<1x20x20xf32>
    %squeeze3A_85 = vector.shape_cast %slice3A_84 : vector<1x20x20xf32> to vector<20x20xf32>
    %slice3A_86 = vector.extract_strided_slice %get3A_36 {offsets = [9, 0, 0], sizes = [1, 20, 20], strides = [1, 1, 1]} : vector<16x20x20xf32> to vector<1x20x20xf32>
    %squeeze3A_87 = vector.shape_cast %slice3A_86 : vector<1x20x20xf32> to vector<20x20xf32>
    %slice3A_88 = vector.extract_strided_slice %get3A_36 {offsets = [10, 0, 0], sizes = [1, 20, 20], strides = [1, 1, 1]} : vector<16x20x20xf32> to vector<1x20x20xf32>
    %squeeze3A_89 = vector.shape_cast %slice3A_88 : vector<1x20x20xf32> to vector<20x20xf32>
    %slice3A_90 = vector.extract_strided_slice %get3A_36 {offsets = [11, 0, 0], sizes = [1, 20, 20], strides = [1, 1, 1]} : vector<16x20x20xf32> to vector<1x20x20xf32>
    %squeeze3A_91 = vector.shape_cast %slice3A_90 : vector<1x20x20xf32> to vector<20x20xf32>
    %slice3A_92 = vector.extract_strided_slice %get3A_36 {offsets = [12, 0, 0], sizes = [1, 20, 20], strides = [1, 1, 1]} : vector<16x20x20xf32> to vector<1x20x20xf32>
    %squeeze3A_93 = vector.shape_cast %slice3A_92 : vector<1x20x20xf32> to vector<20x20xf32>
    %slice3A_94 = vector.extract_strided_slice %get3A_36 {offsets = [13, 0, 0], sizes = [1, 20, 20], strides = [1, 1, 1]} : vector<16x20x20xf32> to vector<1x20x20xf32>
    %squeeze3A_95 = vector.shape_cast %slice3A_94 : vector<1x20x20xf32> to vector<20x20xf32>
    %slice3A_96 = vector.extract_strided_slice %get3A_36 {offsets = [14, 0, 0], sizes = [1, 20, 20], strides = [1, 1, 1]} : vector<16x20x20xf32> to vector<1x20x20xf32>
    %squeeze3A_97 = vector.shape_cast %slice3A_96 : vector<1x20x20xf32> to vector<20x20xf32>
    %slice3A_98 = vector.extract_strided_slice %get3A_36 {offsets = [15, 0, 0], sizes = [1, 20, 20], strides = [1, 1, 1]} : vector<16x20x20xf32> to vector<1x20x20xf32>
    %squeeze3A_99 = vector.shape_cast %slice3A_98 : vector<1x20x20xf32> to vector<20x20xf32>
    %concatenate3A_100 = tpu.concatenate %squeeze3A_69, %squeeze3A_71, %squeeze3A_73, %squeeze3A_75, %squeeze3A_77, %squeeze3A_79, %squeeze3A_81, %squeeze3A_83, %squeeze3A_85, %squeeze3A_87, %squeeze3A_89, %squeeze3A_91, %squeeze3A_93, %squeeze3A_95, %squeeze3A_97, %squeeze3A_99 in 0 : vector<20x20xf32>, vector<20x20xf32>, vector<20x20xf32>, vector<20x20xf32>, vector<20x20xf32>, vector<20x20xf32>, vector<20x20xf32>, vector<20x20xf32>, vector<20x20xf32>, vector<20x20xf32>, vector<20x20xf32>, vector<20x20xf32>, vector<20x20xf32>, vector<20x20xf32>, vector<20x20xf32>, vector<20x20xf32> -> vector<320x20xf32>
    %iota3A = tpu.iota {dimensions = array<i32: 0>} : vector<320x320xi32>
    %jit3A = arith.constant 20 : i32
    %div3A = vector.broadcast %jit3A : i32 to vector<320x320xi32>
    %div3A_101 = arith.divsi %iota3A, %div3A : vector<320x320xi32>
    %sign3A = arith.constant 0 : i32
    %sign3A_102 = vector.broadcast %sign3A : i32 to vector<320x320xi32>
    %sign3A_103 = arith.cmpi sgt, %iota3A, %sign3A_102 : vector<320x320xi32>
    %sign3A_104 = arith.extui %sign3A_103 : vector<320x320xi1> to vector<320x320xi32>
    %sign3A_105 = arith.constant 0 : i32
    %sign3A_106 = vector.broadcast %sign3A_105 : i32 to vector<320x320xi32>
    %sign3A_107 = arith.cmpi slt, %iota3A, %sign3A_106 : vector<320x320xi32>
    %sign3A_108 = arith.extui %sign3A_107 : vector<320x320xi1> to vector<320x320xi32>
    %sign3A_109 = arith.subi %sign3A_104, %sign3A_108 : vector<320x320xi32>
    %sign3A_110 = arith.constant 0 : i32
    %sign3A_111 = arith.cmpi sgt, %jit3A, %sign3A_110 : i32
    %sign3A_112 = arith.extui %sign3A_111 : i1 to i32
    %sign3A_113 = arith.constant 0 : i32
    %sign3A_114 = arith.cmpi slt, %jit3A, %sign3A_113 : i32
    %sign3A_115 = arith.extui %sign3A_114 : i1 to i32
    %sign3A_116 = arith.subi %sign3A_112, %sign3A_115 : i32
    %ne3A = vector.broadcast %sign3A_116 : i32 to vector<320x320xi32>
    %ne3A_117 = arith.cmpi ne, %sign3A_109, %ne3A : vector<320x320xi32>
    %rem3A = vector.broadcast %jit3A : i32 to vector<320x320xi32>
    %rem3A_118 = arith.remsi %iota3A, %rem3A : vector<320x320xi32>
    %ne3A_119 = arith.constant 0 : i32
    %ne3A_120 = vector.broadcast %ne3A_119 : i32 to vector<320x320xi32>
    %ne3A_121 = arith.cmpi ne, %rem3A_118, %ne3A_120 : vector<320x320xi32>
    %and3A = arith.andi %ne3A_117, %ne3A_121 : vector<320x320xi1>
    %sub3A = arith.constant 1 : i32
    %sub3A_122 = vector.broadcast %sub3A : i32 to vector<320x320xi32>
    %sub3A_123 = arith.subi %div3A_101, %sub3A_122 : vector<320x320xi32>
    %select_n3A = arith.select %and3A, %sub3A_123, %div3A_101 : vector<320x320xi1>, vector<320x320xi32>
    %iota3A_124 = tpu.iota {dimensions = array<i32: 1>} : vector<320x320xi32>
    %jit3A_125 = arith.constant 20 : i32
    %div3A_126 = vector.broadcast %jit3A_125 : i32 to vector<320x320xi32>
    %div3A_127 = arith.divsi %iota3A_124, %div3A_126 : vector<320x320xi32>
    %sign3A_128 = arith.constant 0 : i32
    %sign3A_129 = vector.broadcast %sign3A_128 : i32 to vector<320x320xi32>
    %sign3A_130 = arith.cmpi sgt, %iota3A_124, %sign3A_129 : vector<320x320xi32>
    %sign3A_131 = arith.extui %sign3A_130 : vector<320x320xi1> to vector<320x320xi32>
    %sign3A_132 = arith.constant 0 : i32
    %sign3A_133 = vector.broadcast %sign3A_132 : i32 to vector<320x320xi32>
    %sign3A_134 = arith.cmpi slt, %iota3A_124, %sign3A_133 : vector<320x320xi32>
    %sign3A_135 = arith.extui %sign3A_134 : vector<320x320xi1> to vector<320x320xi32>
    %sign3A_136 = arith.subi %sign3A_131, %sign3A_135 : vector<320x320xi32>
    %sign3A_137 = arith.constant 0 : i32
    %sign3A_138 = arith.cmpi sgt, %jit3A_125, %sign3A_137 : i32
    %sign3A_139 = arith.extui %sign3A_138 : i1 to i32
    %sign3A_140 = arith.constant 0 : i32
    %sign3A_141 = arith.cmpi slt, %jit3A_125, %sign3A_140 : i32
    %sign3A_142 = arith.extui %sign3A_141 : i1 to i32
    %sign3A_143 = arith.subi %sign3A_139, %sign3A_142 : i32
    %ne3A_144 = vector.broadcast %sign3A_143 : i32 to vector<320x320xi32>
    %ne3A_145 = arith.cmpi ne, %sign3A_136, %ne3A_144 : vector<320x320xi32>
    %rem3A_146 = vector.broadcast %jit3A_125 : i32 to vector<320x320xi32>
    %rem3A_147 = arith.remsi %iota3A_124, %rem3A_146 : vector<320x320xi32>
    %ne3A_148 = arith.constant 0 : i32
    %ne3A_149 = vector.broadcast %ne3A_148 : i32 to vector<320x320xi32>
    %ne3A_150 = arith.cmpi ne, %rem3A_147, %ne3A_149 : vector<320x320xi32>
    %and3A_151 = arith.andi %ne3A_145, %ne3A_150 : vector<320x320xi1>
    %sub3A_152 = arith.constant 1 : i32
    %sub3A_153 = vector.broadcast %sub3A_152 : i32 to vector<320x320xi32>
    %sub3A_154 = arith.subi %div3A_127, %sub3A_153 : vector<320x320xi32>
    %select_n3A_155 = arith.select %and3A_151, %sub3A_154, %div3A_127 : vector<320x320xi1>, vector<320x320xi32>
    %eq3A = arith.cmpi eq, %select_n3A, %select_n3A_155 : vector<320x320xi32>
    %convert_element_type3A_156 = arith.extui %eq3A : vector<320x320xi1> to vector<320x320xi32>
    %convert_element_type3A_157 = arith.sitofp %convert_element_type3A_156 : vector<320x320xi32> to vector<320x320xf32>
    %iota3A_158 = tpu.iota {dimensions = array<i32: 0>} : vector<20x320xi32>
    %iota3A_159 = tpu.iota {dimensions = array<i32: 1>} : vector<20x320xi32>
    %jit3A_160 = arith.constant 20 : i32
    %eq3A_161 = arith.constant 0 : i32
    %eq3A_162 = arith.cmpi eq, %jit3A_160, %eq3A_161 : i32
    %jit3A_163 = arith.constant 1 : i32
    %select_n3A_164 = arith.select %eq3A_162, %jit3A_163, %jit3A_160 : i32
    %rem3A_165 = vector.broadcast %select_n3A_164 : i32 to vector<20x320xi32>
    %rem3A_166 = arith.remsi %iota3A_159, %rem3A_165 : vector<20x320xi32>
    %ne3A_167 = arith.constant 0 : i32
    %ne3A_168 = vector.broadcast %ne3A_167 : i32 to vector<20x320xi32>
    %ne3A_169 = arith.cmpi ne, %rem3A_166, %ne3A_168 : vector<20x320xi32>
    %lt3A = arith.constant 0 : i32
    %lt3A_170 = vector.broadcast %lt3A : i32 to vector<20x320xi32>
    %lt3A_171 = arith.cmpi slt, %rem3A_166, %lt3A_170 : vector<20x320xi32>
    %lt3A_172 = arith.constant 0 : i32
    %lt3A_173 = arith.cmpi slt, %select_n3A_164, %lt3A_172 : i32
    %ne3A_174 = vector.broadcast %lt3A_173 : i1 to vector<20x320xi1>
    %ne3A_175 = vector.broadcast %ne3A_174 : vector<20x320xi1> to vector<20x320xi1>
    %ne3A_176 = arith.xori %lt3A_171, %ne3A_175 : vector<20x320xi1>
    %and3A_177 = arith.andi %ne3A_176, %ne3A_169 : vector<20x320xi1>
    %add3A = vector.broadcast %select_n3A_164 : i32 to vector<20x320xi32>
    %add3A_178 = arith.addi %rem3A_166, %add3A : vector<20x320xi32>
    %select_n3A_179 = arith.select %and3A_177, %add3A_178, %rem3A_166 : vector<20x320xi1>, vector<20x320xi32>
    %eq3A_180 = arith.cmpi eq, %select_n3A_179, %iota3A_158 : vector<20x320xi32>
    %convert_element_type3A_181 = arith.extui %eq3A_180 : vector<20x320xi1> to vector<20x320xi32>
    %convert_element_type3A_182 = arith.sitofp %convert_element_type3A_181 : vector<20x320xi32> to vector<20x320xf32>
    %dot_general3A = arith.constant dense<0.000000e+00> : vector<320x320xf32>
    %dot_general3A_183 = tpu.matmul %convert_element_type3A, %convert_element_type3A_182, %dot_general3A {dimension_numbers = #tpu.dot_dimension_numbers<[1], [0], [0], [1], [0, 0, 1, 1], [], []>, transpose_lhs_hint = false} : vector<320x20xf32>, vector<20x320xf32>, vector<320x320xf32> -> vector<320x320xf32>
    %mul3A = arith.mulf %convert_element_type3A_157, %dot_general3A_183 : vector<320x320xf32>
    %dot_general3A_184 = arith.constant dense<0.000000e+00> : vector<320x320xf32>
    %dot_general3A_185 = tpu.matmul %concatenate3A_100, %convert_element_type3A_182, %dot_general3A_184 {dimension_numbers = #tpu.dot_dimension_numbers<[1], [0], [0], [1], [0, 0, 1, 1], [], []>, transpose_lhs_hint = false} : vector<320x20xf32>, vector<20x320xf32>, vector<320x320xf32> -> vector<320x320xf32>
    %mul3A_186 = arith.mulf %convert_element_type3A_157, %dot_general3A_185 : vector<320x320xf32>
    %iota3A_187 = tpu.iota {dimensions = array<i32: 0>} : vector<320x16xi32>
    %jit3A_188 = arith.constant 20 : i32
    %div3A_189 = vector.broadcast %jit3A_188 : i32 to vector<320x16xi32>
    %div3A_190 = arith.divsi %iota3A_187, %div3A_189 : vector<320x16xi32>
    %sign3A_191 = arith.constant 0 : i32
    %sign3A_192 = vector.broadcast %sign3A_191 : i32 to vector<320x16xi32>
    %sign3A_193 = arith.cmpi sgt, %iota3A_187, %sign3A_192 : vector<320x16xi32>
    %sign3A_194 = arith.extui %sign3A_193 : vector<320x16xi1> to vector<320x16xi32>
    %sign3A_195 = arith.constant 0 : i32
    %sign3A_196 = vector.broadcast %sign3A_195 : i32 to vector<320x16xi32>
    %sign3A_197 = arith.cmpi slt, %iota3A_187, %sign3A_196 : vector<320x16xi32>
    %sign3A_198 = arith.extui %sign3A_197 : vector<320x16xi1> to vector<320x16xi32>
    %sign3A_199 = arith.subi %sign3A_194, %sign3A_198 : vector<320x16xi32>
    %sign3A_200 = arith.constant 0 : i32
    %sign3A_201 = arith.cmpi sgt, %jit3A_188, %sign3A_200 : i32
    %sign3A_202 = arith.extui %sign3A_201 : i1 to i32
    %sign3A_203 = arith.constant 0 : i32
    %sign3A_204 = arith.cmpi slt, %jit3A_188, %sign3A_203 : i32
    %sign3A_205 = arith.extui %sign3A_204 : i1 to i32
    %sign3A_206 = arith.subi %sign3A_202, %sign3A_205 : i32
    %ne3A_207 = vector.broadcast %sign3A_206 : i32 to vector<320x16xi32>
    %ne3A_208 = arith.cmpi ne, %sign3A_199, %ne3A_207 : vector<320x16xi32>
    %rem3A_209 = vector.broadcast %jit3A_188 : i32 to vector<320x16xi32>
    %rem3A_210 = arith.remsi %iota3A_187, %rem3A_209 : vector<320x16xi32>
    %ne3A_211 = arith.constant 0 : i32
    %ne3A_212 = vector.broadcast %ne3A_211 : i32 to vector<320x16xi32>
    %ne3A_213 = arith.cmpi ne, %rem3A_210, %ne3A_212 : vector<320x16xi32>
    %and3A_214 = arith.andi %ne3A_208, %ne3A_213 : vector<320x16xi1>
    %sub3A_215 = arith.constant 1 : i32
    %sub3A_216 = vector.broadcast %sub3A_215 : i32 to vector<320x16xi32>
    %sub3A_217 = arith.subi %div3A_190, %sub3A_216 : vector<320x16xi32>
    %select_n3A_218 = arith.select %and3A_214, %sub3A_217, %div3A_190 : vector<320x16xi1>, vector<320x16xi32>
    %iota3A_219 = tpu.iota {dimensions = array<i32: 1>} : vector<320x16xi32>
    %eq3A_220 = arith.cmpi eq, %select_n3A_218, %iota3A_219 : vector<320x16xi32>
    %convert_element_type3A_221 = arith.extui %eq3A_220 : vector<320x16xi1> to vector<320x16xi32>
    %convert_element_type3A_222 = arith.sitofp %convert_element_type3A_221 : vector<320x16xi32> to vector<320x16xf32>
    %mul3A_223 = arith.constant 5.000000e-02 : f32
    %mul3A_224 = vector.broadcast %mul3A_223 : f32 to vector<16x64xf32>
    %mul3A_225 = arith.mulf %slice3A_5, %mul3A_224 : vector<16x64xf32>
    %dot_general3A_226 = arith.constant dense<0.000000e+00> : vector<320x64xf32>
    %dot_general3A_227 = tpu.matmul %convert_element_type3A_222, %mul3A_225, %dot_general3A_226 {dimension_numbers = #tpu.dot_dimension_numbers<[1], [0], [0], [1], [0, 0, 1, 1], [], []>, transpose_lhs_hint = false} : vector<320x16xf32>, vector<16x64xf32>, vector<320x64xf32> -> vector<320x64xf32>
    %eq3A_228 = arith.constant 1.000000e+00 : f32
    %eq3A_229 = vector.broadcast %eq3A_228 : f32 to vector<320x320xf32>
    %eq3A_230 = arith.cmpf oeq, %mul3A, %eq3A_229 : vector<320x320xf32>
    %eq3A_231 = arith.constant 2.000000e+00 : f32
    %eq3A_232 = vector.broadcast %eq3A_231 : f32 to vector<320x320xf32>
    %eq3A_233 = arith.cmpf oeq, %mul3A, %eq3A_232 : vector<320x320xf32>
    %eq3A_234 = arith.constant 3.000000e+00 : f32
    %eq3A_235 = vector.broadcast %eq3A_234 : f32 to vector<320x320xf32>
    %eq3A_236 = arith.cmpf oeq, %mul3A, %eq3A_235 : vector<320x320xf32>
    %eq3A_237 = arith.constant 4.000000e+00 : f32
    %eq3A_238 = vector.broadcast %eq3A_237 : f32 to vector<320x320xf32>
    %eq3A_239 = arith.cmpf oeq, %mul3A, %eq3A_238 : vector<320x320xf32>
    %slice3A_240 = vector.extract_strided_slice %get3A_8 {offsets = [0, 0], sizes = [1, 64], strides = [1, 1]} : vector<64x64xf32> to vector<1x64xf32>
    %mul3A_241 = vector.broadcast %slice3A_240 : vector<1x64xf32> to vector<320x64xf32>
    %mul3A_242 = arith.mulf %slice3A, %mul3A_241 : vector<320x64xf32>
    %slice3A_243 = vector.extract_strided_slice %get3A_8 {offsets = [8, 0], sizes = [1, 64], strides = [1, 1]} : vector<64x64xf32> to vector<1x64xf32>
    %mul3A_244 = vector.broadcast %slice3A_243 : vector<1x64xf32> to vector<320x64xf32>
    %mul3A_245 = arith.mulf %slice3A, %mul3A_244 : vector<320x64xf32>
    %slice3A_246 = vector.extract_strided_slice %get3A_8 {offsets = [16, 0], sizes = [1, 64], strides = [1, 1]} : vector<64x64xf32> to vector<1x64xf32>
    %mul3A_247 = vector.broadcast %slice3A_246 : vector<1x64xf32> to vector<320x64xf32>
    %mul3A_248 = arith.mulf %slice3A, %mul3A_247 : vector<320x64xf32>
    %slice3A_249 = vector.extract_strided_slice %get3A_8 {offsets = [24, 0], sizes = [1, 64], strides = [1, 1]} : vector<64x64xf32> to vector<1x64xf32>
    %mul3A_250 = vector.broadcast %slice3A_249 : vector<1x64xf32> to vector<320x64xf32>
    %mul3A_251 = arith.mulf %slice3A, %mul3A_250 : vector<320x64xf32>
    %concatenate3A_252 = tpu.concatenate %mul3A_242, %mul3A_245, %mul3A_248, %mul3A_251 in 0 : vector<320x64xf32>, vector<320x64xf32>, vector<320x64xf32>, vector<320x64xf32> -> vector<1280x64xf32>
    %dot_general3A_253 = arith.constant dense<0.000000e+00> : vector<1280x320xf32>
    %dot_general3A_254 = tpu.matmul %concatenate3A_252, %slice3A, %dot_general3A_253 {dimension_numbers = #tpu.dot_dimension_numbers<[1], [1], [0], [0], [0, 0, 1, 0], [], []>, transpose_lhs_hint = false} : vector<1280x64xf32>, vector<320x64xf32>, vector<1280x320xf32> -> vector<1280x320xf32>
    %broadcast_in_dim3A = arith.constant -9.000000e+15 : f32
    %broadcast_in_dim3A_255 = vector.broadcast %broadcast_in_dim3A : f32 to vector<320x320xf32>
    %slice3A_256 = vector.extract_strided_slice %dot_general3A_254 {offsets = [0, 0], sizes = [320, 320], strides = [1, 1]} : vector<1280x320xf32> to vector<320x320xf32>
    %select_n3A_257 = arith.select %eq3A_230, %slice3A_256, %broadcast_in_dim3A_255 : vector<320x320xi1>, vector<320x320xf32>
    %slice3A_258 = vector.extract_strided_slice %dot_general3A_254 {offsets = [320, 0], sizes = [320, 320], strides = [1, 1]} : vector<1280x320xf32> to vector<320x320xf32>
    %select_n3A_259 = arith.select %eq3A_233, %slice3A_258, %select_n3A_257 : vector<320x320xi1>, vector<320x320xf32>
    %slice3A_260 = vector.extract_strided_slice %dot_general3A_254 {offsets = [640, 0], sizes = [320, 320], strides = [1, 1]} : vector<1280x320xf32> to vector<320x320xf32>
    %select_n3A_261 = arith.select %eq3A_236, %slice3A_260, %select_n3A_259 : vector<320x320xi1>, vector<320x320xf32>
    %slice3A_262 = vector.extract_strided_slice %dot_general3A_254 {offsets = [960, 0], sizes = [320, 320], strides = [1, 1]} : vector<1280x320xf32> to vector<320x320xf32>
    %select_n3A_263 = arith.select %eq3A_239, %slice3A_262, %select_n3A_261 : vector<320x320xi1>, vector<320x320xf32>
    %mul3A_264 = arith.constant 2.000000e-01 : f32
    %mul3A_265 = vector.broadcast %mul3A_264 : f32 to vector<320x320xf32>
    %mul3A_266 = arith.mulf %mul3A_265, %select_n3A_263 : vector<320x320xf32>
    %max3A = arith.maximumf %select_n3A_263, %mul3A_266 : vector<320x320xf32>
    %jit3A_267 = arith.constant -3.000000e+38 : f32
    %broadcast_in_dim3A_268 = vector.broadcast %jit3A_267 : f32 to vector<320x320xf32>
    %select_n3A_269 = arith.select %eq3A, %max3A, %broadcast_in_dim3A_268 : vector<320x320xi1>, vector<320x320xf32>
    %reduce_max3A = arith.constant dense<0xFF800000> : vector<320xf32>
    %reduce_max3A_270 = vector.multi_reduction <maximumf>, %select_n3A_269, %reduce_max3A [1] : vector<320x320xf32> to vector<320xf32>
    %broadcast_in_dim3A_271 = vector.shape_cast %reduce_max3A_270 : vector<320xf32> to vector<320x1xf32>
    %sub3A_272 = vector.broadcast %broadcast_in_dim3A_271 : vector<320x1xf32> to vector<320x320xf32>
    %sub3A_273 = arith.subf %select_n3A_269, %sub3A_272 : vector<320x320xf32>
    %exp3A = math.exp %sub3A_273 : vector<320x320xf32>
    %reduce_sum3A = arith.constant dense<0.000000e+00> : vector<320xf32>
    %reduce_sum3A_274 = vector.multi_reduction <add>, %exp3A, %reduce_sum3A [1] : vector<320x320xf32> to vector<320xf32>
    %broadcast_in_dim3A_275 = vector.shape_cast %reduce_sum3A_274 : vector<320xf32> to vector<320x1xf32>
    %div3A_276 = arith.constant 1.000000e+00 : f32
    %div3A_277 = vector.broadcast %div3A_276 : f32 to vector<320x1xf32>
    %div3A_278 = arith.divf %div3A_277, %broadcast_in_dim3A_275 : vector<320x1xf32>
    %mul3A_279 = vector.broadcast %div3A_278 : vector<320x1xf32> to vector<320x320xf32>
    %mul3A_280 = arith.mulf %exp3A, %mul3A_279 : vector<320x320xf32>
    %concatenate3A_281 = tpu.concatenate %mul3A_280, %mul3A_186 in 0 : vector<320x320xf32>, vector<320x320xf32> -> vector<640x320xf32>
    %dot_general3A_282 = arith.constant dense<0.000000e+00> : vector<640x64xf32>
    %dot_general3A_283 = tpu.matmul %concatenate3A_281, %slice3A, %dot_general3A_282 {dimension_numbers = #tpu.dot_dimension_numbers<[1], [0], [0], [1], [0, 0, 1, 1], [], []>, transpose_lhs_hint = false} : vector<640x320xf32>, vector<320x64xf32>, vector<640x64xf32> -> vector<640x64xf32>
    %slice3A_284 = vector.extract_strided_slice %dot_general3A_283 {offsets = [0, 0], sizes = [320, 64], strides = [1, 1]} : vector<640x64xf32> to vector<320x64xf32>
    %slice3A_285 = vector.extract_strided_slice %dot_general3A_283 {offsets = [320, 0], sizes = [320, 64], strides = [1, 1]} : vector<640x64xf32> to vector<320x64xf32>
    %concatenate3A_286 = tpu.concatenate %slice3A_285, %dot_general3A_227 in 1 : vector<320x64xf32>, vector<320x64xf32> -> vector<320x128xf32>
    %slice3A_287 = vector.extract_strided_slice %get3A_12 {offsets = [0, 0, 0], sizes = [1, 128, 64], strides = [1, 1, 1]} : vector<2x128x64xf32> to vector<1x128x64xf32>
    %squeeze3A_288 = vector.shape_cast %slice3A_287 : vector<1x128x64xf32> to vector<128x64xf32>
    %dot_general3A_289 = arith.constant dense<0.000000e+00> : vector<320x64xf32>
    %dot_general3A_290 = tpu.matmul %concatenate3A_286, %squeeze3A_288, %dot_general3A_289 {dimension_numbers = #tpu.dot_dimension_numbers<[1], [0], [0], [1], [0, 0, 1, 1], [], []>, transpose_lhs_hint = false} : vector<320x128xf32>, vector<128x64xf32>, vector<320x64xf32> -> vector<320x64xf32>
    %mul3A_291 = arith.constant 5.000000e-01 : f32
    %mul3A_292 = vector.broadcast %mul3A_291 : f32 to vector<320x64xf32>
    %mul3A_293 = arith.mulf %mul3A_292, %dot_general3A_290 : vector<320x64xf32>
    %tanh3A = math.tanh %mul3A_293 : vector<320x64xf32>
    %add3A_294 = arith.constant 1.000000e+00 : f32
    %add3A_295 = vector.broadcast %add3A_294 : f32 to vector<320x64xf32>
    %add3A_296 = arith.addf %tanh3A, %add3A_295 : vector<320x64xf32>
    %mul3A_297 = arith.constant 5.000000e-01 : f32
    %mul3A_298 = vector.broadcast %mul3A_297 : f32 to vector<320x64xf32>
    %mul3A_299 = arith.mulf %mul3A_298, %add3A_296 : vector<320x64xf32>
    %mul3A_300 = arith.mulf %mul3A_299, %slice3A_285 : vector<320x64xf32>
    %sub3A_301 = arith.constant 1.000000e+00 : f32
    %sub3A_302 = vector.broadcast %sub3A_301 : f32 to vector<320x64xf32>
    %sub3A_303 = arith.subf %sub3A_302, %mul3A_299 : vector<320x64xf32>
    %mul3A_304 = arith.mulf %sub3A_303, %slice3A : vector<320x64xf32>
    %add3A_305 = arith.addf %mul3A_300, %mul3A_304 : vector<320x64xf32>
    %slice3A_306 = vector.extract_strided_slice %get3A_16 {offsets = [0, 0, 0], sizes = [1, 64, 64], strides = [1, 1, 1]} : vector<2x64x64xf32> to vector<1x64x64xf32>
    %squeeze3A_307 = vector.shape_cast %slice3A_306 : vector<1x64x64xf32> to vector<64x64xf32>
    %dot_general3A_308 = arith.constant dense<0.000000e+00> : vector<320x64xf32>
    %dot_general3A_309 = tpu.matmul %add3A_305, %squeeze3A_307, %dot_general3A_308 {dimension_numbers = #tpu.dot_dimension_numbers<[1], [0], [0], [1], [0, 0, 1, 1], [], []>, transpose_lhs_hint = false} : vector<320x64xf32>, vector<64x64xf32>, vector<320x64xf32> -> vector<320x64xf32>
    %slice3A_310 = vector.extract_strided_slice %get3A_19 {offsets = [0, 0], sizes = [1, 64], strides = [1, 1]} : vector<16x64xf32> to vector<1x64xf32>
    %add3A_311 = vector.broadcast %slice3A_310 : vector<1x64xf32> to vector<320x64xf32>
    %add3A_312 = arith.addf %dot_general3A_309, %add3A_311 : vector<320x64xf32>
    %max3A_313 = arith.constant 0.000000e+00 : f32
    %max3A_314 = vector.broadcast %max3A_313 : f32 to vector<320x64xf32>
    %max3A_315 = arith.maximumf %add3A_312, %max3A_314 : vector<320x64xf32>
    %slice3A_316 = vector.extract_strided_slice %get3A_8 {offsets = [32, 0], sizes = [1, 64], strides = [1, 1]} : vector<64x64xf32> to vector<1x64xf32>
    %mul3A_317 = vector.broadcast %slice3A_316 : vector<1x64xf32> to vector<320x64xf32>
    %mul3A_318 = arith.mulf %slice3A_284, %mul3A_317 : vector<320x64xf32>
    %slice3A_319 = vector.extract_strided_slice %get3A_8 {offsets = [40, 0], sizes = [1, 64], strides = [1, 1]} : vector<64x64xf32> to vector<1x64xf32>
    %mul3A_320 = vector.broadcast %slice3A_319 : vector<1x64xf32> to vector<320x64xf32>
    %mul3A_321 = arith.mulf %slice3A_284, %mul3A_320 : vector<320x64xf32>
    %slice3A_322 = vector.extract_strided_slice %get3A_8 {offsets = [48, 0], sizes = [1, 64], strides = [1, 1]} : vector<64x64xf32> to vector<1x64xf32>
    %mul3A_323 = vector.broadcast %slice3A_322 : vector<1x64xf32> to vector<320x64xf32>
    %mul3A_324 = arith.mulf %slice3A_284, %mul3A_323 : vector<320x64xf32>
    %slice3A_325 = vector.extract_strided_slice %get3A_8 {offsets = [56, 0], sizes = [1, 64], strides = [1, 1]} : vector<64x64xf32> to vector<1x64xf32>
    %mul3A_326 = vector.broadcast %slice3A_325 : vector<1x64xf32> to vector<320x64xf32>
    %mul3A_327 = arith.mulf %slice3A_284, %mul3A_326 : vector<320x64xf32>
    %concatenate3A_328 = tpu.concatenate %mul3A_318, %mul3A_321, %mul3A_324, %mul3A_327 in 0 : vector<320x64xf32>, vector<320x64xf32>, vector<320x64xf32>, vector<320x64xf32> -> vector<1280x64xf32>
    %dot_general3A_329 = arith.constant dense<0.000000e+00> : vector<1280x320xf32>
    %dot_general3A_330 = tpu.matmul %concatenate3A_328, %slice3A_284, %dot_general3A_329 {dimension_numbers = #tpu.dot_dimension_numbers<[1], [1], [0], [0], [0, 0, 1, 0], [], []>, transpose_lhs_hint = false} : vector<1280x64xf32>, vector<320x64xf32>, vector<1280x320xf32> -> vector<1280x320xf32>
    %broadcast_in_dim3A_331 = arith.constant -9.000000e+15 : f32
    %broadcast_in_dim3A_332 = vector.broadcast %broadcast_in_dim3A_331 : f32 to vector<320x320xf32>
    %slice3A_333 = vector.extract_strided_slice %dot_general3A_330 {offsets = [0, 0], sizes = [320, 320], strides = [1, 1]} : vector<1280x320xf32> to vector<320x320xf32>
    %select_n3A_334 = arith.select %eq3A_230, %slice3A_333, %broadcast_in_dim3A_332 : vector<320x320xi1>, vector<320x320xf32>
    %slice3A_335 = vector.extract_strided_slice %dot_general3A_330 {offsets = [320, 0], sizes = [320, 320], strides = [1, 1]} : vector<1280x320xf32> to vector<320x320xf32>
    %select_n3A_336 = arith.select %eq3A_233, %slice3A_335, %select_n3A_334 : vector<320x320xi1>, vector<320x320xf32>
    %slice3A_337 = vector.extract_strided_slice %dot_general3A_330 {offsets = [640, 0], sizes = [320, 320], strides = [1, 1]} : vector<1280x320xf32> to vector<320x320xf32>
    %select_n3A_338 = arith.select %eq3A_236, %slice3A_337, %select_n3A_336 : vector<320x320xi1>, vector<320x320xf32>
    %slice3A_339 = vector.extract_strided_slice %dot_general3A_330 {offsets = [960, 0], sizes = [320, 320], strides = [1, 1]} : vector<1280x320xf32> to vector<320x320xf32>
    %select_n3A_340 = arith.select %eq3A_239, %slice3A_339, %select_n3A_338 : vector<320x320xi1>, vector<320x320xf32>
    %mul3A_341 = arith.constant 2.000000e-01 : f32
    %mul3A_342 = vector.broadcast %mul3A_341 : f32 to vector<320x320xf32>
    %mul3A_343 = arith.mulf %mul3A_342, %select_n3A_340 : vector<320x320xf32>
    %max3A_344 = arith.maximumf %select_n3A_340, %mul3A_343 : vector<320x320xf32>
    %jit3A_345 = arith.constant -3.000000e+38 : f32
    %broadcast_in_dim3A_346 = vector.broadcast %jit3A_345 : f32 to vector<320x320xf32>
    %select_n3A_347 = arith.select %eq3A, %max3A_344, %broadcast_in_dim3A_346 : vector<320x320xi1>, vector<320x320xf32>
    %reduce_max3A_348 = arith.constant dense<0xFF800000> : vector<320xf32>
    %reduce_max3A_349 = vector.multi_reduction <maximumf>, %select_n3A_347, %reduce_max3A_348 [1] : vector<320x320xf32> to vector<320xf32>
    %broadcast_in_dim3A_350 = vector.shape_cast %reduce_max3A_349 : vector<320xf32> to vector<320x1xf32>
    %sub3A_351 = vector.broadcast %broadcast_in_dim3A_350 : vector<320x1xf32> to vector<320x320xf32>
    %sub3A_352 = arith.subf %select_n3A_347, %sub3A_351 : vector<320x320xf32>
    %exp3A_353 = math.exp %sub3A_352 : vector<320x320xf32>
    %reduce_sum3A_354 = arith.constant dense<0.000000e+00> : vector<320xf32>
    %reduce_sum3A_355 = vector.multi_reduction <add>, %exp3A_353, %reduce_sum3A_354 [1] : vector<320x320xf32> to vector<320xf32>
    %broadcast_in_dim3A_356 = vector.shape_cast %reduce_sum3A_355 : vector<320xf32> to vector<320x1xf32>
    %div3A_357 = arith.constant 1.000000e+00 : f32
    %div3A_358 = vector.broadcast %div3A_357 : f32 to vector<320x1xf32>
    %div3A_359 = arith.divf %div3A_358, %broadcast_in_dim3A_356 : vector<320x1xf32>
    %mul3A_360 = vector.broadcast %div3A_359 : vector<320x1xf32> to vector<320x320xf32>
    %mul3A_361 = arith.mulf %exp3A_353, %mul3A_360 : vector<320x320xf32>
    %dot_general3A_362 = arith.constant dense<0.000000e+00> : vector<320x64xf32>
    %dot_general3A_363 = tpu.matmul %mul3A_361, %slice3A_284, %dot_general3A_362 {dimension_numbers = #tpu.dot_dimension_numbers<[1], [0], [0], [1], [0, 0, 1, 1], [], []>, transpose_lhs_hint = false} : vector<320x320xf32>, vector<320x64xf32>, vector<320x64xf32> -> vector<320x64xf32>
    %dot_general3A_364 = arith.constant dense<0.000000e+00> : vector<320x64xf32>
    %dot_general3A_365 = tpu.matmul %mul3A_186, %max3A_315, %dot_general3A_364 {dimension_numbers = #tpu.dot_dimension_numbers<[1], [0], [0], [1], [0, 0, 1, 1], [], []>, transpose_lhs_hint = false} : vector<320x320xf32>, vector<320x64xf32>, vector<320x64xf32> -> vector<320x64xf32>
    %concatenate3A_366 = tpu.concatenate %dot_general3A_365, %dot_general3A_227 in 1 : vector<320x64xf32>, vector<320x64xf32> -> vector<320x128xf32>
    %slice3A_367 = vector.extract_strided_slice %get3A_12 {offsets = [1, 0, 0], sizes = [1, 128, 64], strides = [1, 1, 1]} : vector<2x128x64xf32> to vector<1x128x64xf32>
    %squeeze3A_368 = vector.shape_cast %slice3A_367 : vector<1x128x64xf32> to vector<128x64xf32>
    %dot_general3A_369 = arith.constant dense<0.000000e+00> : vector<320x64xf32>
    %dot_general3A_370 = tpu.matmul %concatenate3A_366, %squeeze3A_368, %dot_general3A_369 {dimension_numbers = #tpu.dot_dimension_numbers<[1], [0], [0], [1], [0, 0, 1, 1], [], []>, transpose_lhs_hint = false} : vector<320x128xf32>, vector<128x64xf32>, vector<320x64xf32> -> vector<320x64xf32>
    %mul3A_371 = arith.constant 5.000000e-01 : f32
    %mul3A_372 = vector.broadcast %mul3A_371 : f32 to vector<320x64xf32>
    %mul3A_373 = arith.mulf %mul3A_372, %dot_general3A_370 : vector<320x64xf32>
    %tanh3A_374 = math.tanh %mul3A_373 : vector<320x64xf32>
    %add3A_375 = arith.constant 1.000000e+00 : f32
    %add3A_376 = vector.broadcast %add3A_375 : f32 to vector<320x64xf32>
    %add3A_377 = arith.addf %tanh3A_374, %add3A_376 : vector<320x64xf32>
    %mul3A_378 = arith.constant 5.000000e-01 : f32
    %mul3A_379 = vector.broadcast %mul3A_378 : f32 to vector<320x64xf32>
    %mul3A_380 = arith.mulf %mul3A_379, %add3A_377 : vector<320x64xf32>
    %mul3A_381 = arith.mulf %mul3A_380, %dot_general3A_365 : vector<320x64xf32>
    %sub3A_382 = arith.constant 1.000000e+00 : f32
    %sub3A_383 = vector.broadcast %sub3A_382 : f32 to vector<320x64xf32>
    %sub3A_384 = arith.subf %sub3A_383, %mul3A_380 : vector<320x64xf32>
    %mul3A_385 = arith.mulf %sub3A_384, %max3A_315 : vector<320x64xf32>
    %add3A_386 = arith.addf %mul3A_381, %mul3A_385 : vector<320x64xf32>
    %slice3A_387 = vector.extract_strided_slice %get3A_16 {offsets = [1, 0, 0], sizes = [1, 64, 64], strides = [1, 1, 1]} : vector<2x64x64xf32> to vector<1x64x64xf32>
    %squeeze3A_388 = vector.shape_cast %slice3A_387 : vector<1x64x64xf32> to vector<64x64xf32>
    %dot_general3A_389 = arith.constant dense<0.000000e+00> : vector<320x64xf32>
    %dot_general3A_390 = tpu.matmul %add3A_386, %squeeze3A_388, %dot_general3A_389 {dimension_numbers = #tpu.dot_dimension_numbers<[1], [0], [0], [1], [0, 0, 1, 1], [], []>, transpose_lhs_hint = false} : vector<320x64xf32>, vector<64x64xf32>, vector<320x64xf32> -> vector<320x64xf32>
    %slice3A_391 = vector.extract_strided_slice %get3A_19 {offsets = [8, 0], sizes = [1, 64], strides = [1, 1]} : vector<16x64xf32> to vector<1x64xf32>
    %add3A_392 = vector.broadcast %slice3A_391 : vector<1x64xf32> to vector<320x64xf32>
    %add3A_393 = arith.addf %dot_general3A_390, %add3A_392 : vector<320x64xf32>
    %max3A_394 = arith.constant 0.000000e+00 : f32
    %max3A_395 = vector.broadcast %max3A_394 : f32 to vector<320x64xf32>
    %max3A_396 = arith.maximumf %add3A_393, %max3A_395 : vector<320x64xf32>
    %slice3A_397 = vector.extract_strided_slice %get3A_28 {offsets = [0, 0], sizes = [1, 64], strides = [1, 1]} : vector<32x64xf32> to vector<1x64xf32>
    %slice3A_398 = vector.extract_strided_slice %get3A_28 {offsets = [8, 0], sizes = [1, 64], strides = [1, 1]} : vector<32x64xf32> to vector<1x64xf32>
    %slice3A_399 = vector.extract_strided_slice %get3A_28 {offsets = [16, 0], sizes = [1, 64], strides = [1, 1]} : vector<32x64xf32> to vector<1x64xf32>
    %slice3A_400 = vector.extract_strided_slice %get3A_28 {offsets = [24, 0], sizes = [1, 64], strides = [1, 1]} : vector<32x64xf32> to vector<1x64xf32>
    %convert_element_type3A_401 = arith.truncf %get3A_22 : vector<64x192xf32> to vector<64x192xbf16>
    %convert_element_type3A_402 = arith.truncf %get3A_25 : vector<64x192xf32> to vector<64x192xbf16>
    %concatenate3A_403 = tpu.concatenate %max3A_315, %slice3A_284 in 0 : vector<320x64xf32>, vector<320x64xf32> -> vector<640x64xf32>
    %concatenate3A_404 = tpu.concatenate %slice3A_284, %max3A_315 in 0 : vector<320x64xf32>, vector<320x64xf32> -> vector<640x64xf32>
    %convert_element_type3A_405 = arith.truncf %concatenate3A_403 : vector<640x64xf32> to vector<640x64xbf16>
    %dot_general3A_406 = arith.constant dense<0.000000e+00> : vector<640x192xf32>
    %dot_general3A_407 = tpu.matmul %convert_element_type3A_405, %convert_element_type3A_401, %dot_general3A_406 {dimension_numbers = #tpu.dot_dimension_numbers<[1], [0], [0], [1], [0, 0, 1, 1], [], []>, transpose_lhs_hint = false} : vector<640x64xbf16>, vector<64x192xbf16>, vector<640x192xf32> -> vector<640x192xf32>
    %convert_element_type3A_408 = arith.truncf %concatenate3A_404 : vector<640x64xf32> to vector<640x64xbf16>
    %dot_general3A_409 = arith.constant dense<0.000000e+00> : vector<640x192xf32>
    %dot_general3A_410 = tpu.matmul %convert_element_type3A_408, %convert_element_type3A_402, %dot_general3A_409 {dimension_numbers = #tpu.dot_dimension_numbers<[1], [0], [0], [1], [0, 0, 1, 1], [], []>, transpose_lhs_hint = false} : vector<640x64xbf16>, vector<64x192xbf16>, vector<640x192xf32> -> vector<640x192xf32>
    %add3A_411 = arith.addf %dot_general3A_407, %dot_general3A_410 : vector<640x192xf32>
    %slice3A_412 = vector.extract_strided_slice %add3A_411 {offsets = [0, 0], sizes = [640, 64], strides = [1, 1]} : vector<640x192xf32> to vector<640x64xf32>
    %add3A_413 = vector.broadcast %slice3A_397 : vector<1x64xf32> to vector<640x64xf32>
    %add3A_414 = arith.addf %slice3A_412, %add3A_413 : vector<640x64xf32>
    %mul3A_415 = arith.constant 5.000000e-01 : f32
    %mul3A_416 = vector.broadcast %mul3A_415 : f32 to vector<640x64xf32>
    %mul3A_417 = arith.mulf %mul3A_416, %add3A_414 : vector<640x64xf32>
    %tanh3A_418 = math.tanh %mul3A_417 : vector<640x64xf32>
    %add3A_419 = arith.constant 1.000000e+00 : f32
    %add3A_420 = vector.broadcast %add3A_419 : f32 to vector<640x64xf32>
    %add3A_421 = arith.addf %tanh3A_418, %add3A_420 : vector<640x64xf32>
    %mul3A_422 = arith.constant 5.000000e-01 : f32
    %mul3A_423 = vector.broadcast %mul3A_422 : f32 to vector<640x64xf32>
    %mul3A_424 = arith.mulf %mul3A_423, %add3A_421 : vector<640x64xf32>
    %slice3A_425 = vector.extract_strided_slice %add3A_411 {offsets = [0, 64], sizes = [640, 64], strides = [1, 1]} : vector<640x192xf32> to vector<640x64xf32>
    %add3A_426 = vector.broadcast %slice3A_398 : vector<1x64xf32> to vector<640x64xf32>
    %add3A_427 = arith.addf %slice3A_425, %add3A_426 : vector<640x64xf32>
    %mul3A_428 = arith.constant 5.000000e-01 : f32
    %mul3A_429 = vector.broadcast %mul3A_428 : f32 to vector<640x64xf32>
    %mul3A_430 = arith.mulf %mul3A_429, %add3A_427 : vector<640x64xf32>
    %tanh3A_431 = math.tanh %mul3A_430 : vector<640x64xf32>
    %add3A_432 = arith.constant 1.000000e+00 : f32
    %add3A_433 = vector.broadcast %add3A_432 : f32 to vector<640x64xf32>
    %add3A_434 = arith.addf %tanh3A_431, %add3A_433 : vector<640x64xf32>
    %mul3A_435 = arith.constant 5.000000e-01 : f32
    %mul3A_436 = vector.broadcast %mul3A_435 : f32 to vector<640x64xf32>
    %mul3A_437 = arith.mulf %mul3A_436, %add3A_434 : vector<640x64xf32>
    %slice3A_438 = vector.extract_strided_slice %dot_general3A_407 {offsets = [0, 128], sizes = [640, 64], strides = [1, 1]} : vector<640x192xf32> to vector<640x64xf32>
    %add3A_439 = vector.broadcast %slice3A_399 : vector<1x64xf32> to vector<640x64xf32>
    %add3A_440 = arith.addf %slice3A_438, %add3A_439 : vector<640x64xf32>
    %slice3A_441 = vector.extract_strided_slice %dot_general3A_410 {offsets = [0, 128], sizes = [640, 64], strides = [1, 1]} : vector<640x192xf32> to vector<640x64xf32>
    %add3A_442 = vector.broadcast %slice3A_400 : vector<1x64xf32> to vector<640x64xf32>
    %add3A_443 = arith.addf %slice3A_441, %add3A_442 : vector<640x64xf32>
    %mul3A_444 = arith.mulf %mul3A_424, %add3A_443 : vector<640x64xf32>
    %add3A_445 = arith.addf %add3A_440, %mul3A_444 : vector<640x64xf32>
    %tanh3A_446 = math.tanh %add3A_445 : vector<640x64xf32>
    %sub3A_447 = arith.constant 1.000000e+00 : f32
    %sub3A_448 = vector.broadcast %sub3A_447 : f32 to vector<640x64xf32>
    %sub3A_449 = arith.subf %sub3A_448, %mul3A_437 : vector<640x64xf32>
    %mul3A_450 = arith.mulf %sub3A_449, %tanh3A_446 : vector<640x64xf32>
    %mul3A_451 = arith.mulf %mul3A_437, %concatenate3A_404 : vector<640x64xf32>
    %add3A_452 = arith.addf %mul3A_450, %mul3A_451 : vector<640x64xf32>
    %slice3A_453 = vector.extract_strided_slice %add3A_452 {offsets = [0, 0], sizes = [320, 64], strides = [1, 1]} : vector<640x64xf32> to vector<320x64xf32>
    %slice3A_454 = vector.extract_strided_slice %add3A_452 {offsets = [320, 0], sizes = [320, 64], strides = [1, 1]} : vector<640x64xf32> to vector<320x64xf32>
    %concatenate3A_455 = tpu.concatenate %slice3A_453, %slice3A_454 in 0 : vector<320x64xf32>, vector<320x64xf32> -> vector<640x64xf32>
    %concatenate3A_456 = tpu.concatenate %dot_general3A_363, %max3A_396 in 0 : vector<320x64xf32>, vector<320x64xf32> -> vector<640x64xf32>
    %convert_element_type3A_457 = arith.truncf %concatenate3A_455 : vector<640x64xf32> to vector<640x64xbf16>
    %dot_general3A_458 = arith.constant dense<0.000000e+00> : vector<640x192xf32>
    %dot_general3A_459 = tpu.matmul %convert_element_type3A_457, %convert_element_type3A_401, %dot_general3A_458 {dimension_numbers = #tpu.dot_dimension_numbers<[1], [0], [0], [1], [0, 0, 1, 1], [], []>, transpose_lhs_hint = false} : vector<640x64xbf16>, vector<64x192xbf16>, vector<640x192xf32> -> vector<640x192xf32>
    %convert_element_type3A_460 = arith.truncf %concatenate3A_456 : vector<640x64xf32> to vector<640x64xbf16>
    %dot_general3A_461 = arith.constant dense<0.000000e+00> : vector<640x192xf32>
    %dot_general3A_462 = tpu.matmul %convert_element_type3A_460, %convert_element_type3A_402, %dot_general3A_461 {dimension_numbers = #tpu.dot_dimension_numbers<[1], [0], [0], [1], [0, 0, 1, 1], [], []>, transpose_lhs_hint = false} : vector<640x64xbf16>, vector<64x192xbf16>, vector<640x192xf32> -> vector<640x192xf32>
    %add3A_463 = arith.addf %dot_general3A_459, %dot_general3A_462 : vector<640x192xf32>
    %slice3A_464 = vector.extract_strided_slice %add3A_463 {offsets = [0, 0], sizes = [640, 64], strides = [1, 1]} : vector<640x192xf32> to vector<640x64xf32>
    %add3A_465 = vector.broadcast %slice3A_397 : vector<1x64xf32> to vector<640x64xf32>
    %add3A_466 = arith.addf %slice3A_464, %add3A_465 : vector<640x64xf32>
    %mul3A_467 = arith.constant 5.000000e-01 : f32
    %mul3A_468 = vector.broadcast %mul3A_467 : f32 to vector<640x64xf32>
    %mul3A_469 = arith.mulf %mul3A_468, %add3A_466 : vector<640x64xf32>
    %tanh3A_470 = math.tanh %mul3A_469 : vector<640x64xf32>
    %add3A_471 = arith.constant 1.000000e+00 : f32
    %add3A_472 = vector.broadcast %add3A_471 : f32 to vector<640x64xf32>
    %add3A_473 = arith.addf %tanh3A_470, %add3A_472 : vector<640x64xf32>
    %mul3A_474 = arith.constant 5.000000e-01 : f32
    %mul3A_475 = vector.broadcast %mul3A_474 : f32 to vector<640x64xf32>
    %mul3A_476 = arith.mulf %mul3A_475, %add3A_473 : vector<640x64xf32>
    %slice3A_477 = vector.extract_strided_slice %add3A_463 {offsets = [0, 64], sizes = [640, 64], strides = [1, 1]} : vector<640x192xf32> to vector<640x64xf32>
    %add3A_478 = vector.broadcast %slice3A_398 : vector<1x64xf32> to vector<640x64xf32>
    %add3A_479 = arith.addf %slice3A_477, %add3A_478 : vector<640x64xf32>
    %mul3A_480 = arith.constant 5.000000e-01 : f32
    %mul3A_481 = vector.broadcast %mul3A_480 : f32 to vector<640x64xf32>
    %mul3A_482 = arith.mulf %mul3A_481, %add3A_479 : vector<640x64xf32>
    %tanh3A_483 = math.tanh %mul3A_482 : vector<640x64xf32>
    %add3A_484 = arith.constant 1.000000e+00 : f32
    %add3A_485 = vector.broadcast %add3A_484 : f32 to vector<640x64xf32>
    %add3A_486 = arith.addf %tanh3A_483, %add3A_485 : vector<640x64xf32>
    %mul3A_487 = arith.constant 5.000000e-01 : f32
    %mul3A_488 = vector.broadcast %mul3A_487 : f32 to vector<640x64xf32>
    %mul3A_489 = arith.mulf %mul3A_488, %add3A_486 : vector<640x64xf32>
    %slice3A_490 = vector.extract_strided_slice %dot_general3A_459 {offsets = [0, 128], sizes = [640, 64], strides = [1, 1]} : vector<640x192xf32> to vector<640x64xf32>
    %add3A_491 = vector.broadcast %slice3A_399 : vector<1x64xf32> to vector<640x64xf32>
    %add3A_492 = arith.addf %slice3A_490, %add3A_491 : vector<640x64xf32>
    %slice3A_493 = vector.extract_strided_slice %dot_general3A_462 {offsets = [0, 128], sizes = [640, 64], strides = [1, 1]} : vector<640x192xf32> to vector<640x64xf32>
    %add3A_494 = vector.broadcast %slice3A_400 : vector<1x64xf32> to vector<640x64xf32>
    %add3A_495 = arith.addf %slice3A_493, %add3A_494 : vector<640x64xf32>
    %mul3A_496 = arith.mulf %mul3A_476, %add3A_495 : vector<640x64xf32>
    %add3A_497 = arith.addf %add3A_492, %mul3A_496 : vector<640x64xf32>
    %tanh3A_498 = math.tanh %add3A_497 : vector<640x64xf32>
    %sub3A_499 = arith.constant 1.000000e+00 : f32
    %sub3A_500 = vector.broadcast %sub3A_499 : f32 to vector<640x64xf32>
    %sub3A_501 = arith.subf %sub3A_500, %mul3A_489 : vector<640x64xf32>
    %mul3A_502 = arith.mulf %sub3A_501, %tanh3A_498 : vector<640x64xf32>
    %mul3A_503 = arith.mulf %mul3A_489, %concatenate3A_456 : vector<640x64xf32>
    %add3A_504 = arith.addf %mul3A_502, %mul3A_503 : vector<640x64xf32>
    %slice3A_505 = vector.extract_strided_slice %add3A_504 {offsets = [0, 0], sizes = [320, 64], strides = [1, 1]} : vector<640x64xf32> to vector<320x64xf32>
    %slice3A_506 = vector.extract_strided_slice %add3A_504 {offsets = [320, 0], sizes = [320, 64], strides = [1, 1]} : vector<640x64xf32> to vector<320x64xf32>
    %mul3A_507 = arith.constant 5.000000e-01 : f32
    %mul3A_508 = vector.broadcast %mul3A_507 : f32 to vector<320x64xf32>
    %mul3A_509 = arith.mulf %mul3A_508, %slice3A_506 : vector<320x64xf32>
    %add3A_510 = arith.addf %mul3A_509, %slice3A_284 : vector<320x64xf32>
    %mul3A_511 = arith.constant 5.000000e-01 : f32
    %mul3A_512 = vector.broadcast %mul3A_511 : f32 to vector<320x64xf32>
    %mul3A_513 = arith.mulf %mul3A_512, %slice3A_505 : vector<320x64xf32>
    %add3A_514 = arith.addf %mul3A_513, %max3A_396 : vector<320x64xf32>
    %add3A_515 = arith.addf %add3A_510, %add3A_514 : vector<320x64xf32>
    %slice3A_516 = vector.extract_strided_slice %add3A_515 {offsets = [0, 0], sizes = [20, 64], strides = [1, 1]} : vector<320x64xf32> to vector<20x64xf32>
    %swap3A = arith.constant 0 : index
    %swap3A_517 = arith.constant 0 : index
    %swap3A_518 = arith.constant 0 : index
    %swap3A_519 = vector.load %arg12[%swap3A, %swap3A_517, %swap3A_518] : memref<16x20x64xf32, #tpu.memory_space<vmem>>, vector<1x20x64xf32>
    %swap3A_520 = vector.shape_cast %swap3A_519 : vector<1x20x64xf32> to vector<20x64xf32>
    %swap3A_521 = vector.shape_cast %slice3A_516 : vector<20x64xf32> to vector<1x20x64xf32>
    tpu.vector_store %arg12[%swap3A, %swap3A_517, %swap3A_518], %swap3A_521 {strides = array<i32>} : memref<16x20x64xf32, #tpu.memory_space<vmem>>, vector<1x20x64xf32>,
    %slice3A_522 = vector.extract_strided_slice %add3A_510 {offsets = [0, 0], sizes = [20, 64], strides = [1, 1]} : vector<320x64xf32> to vector<20x64xf32>
    %swap3A_523 = arith.constant 0 : index
    %swap3A_524 = arith.constant 0 : index
    %swap3A_525 = arith.constant 0 : index
    %swap3A_526 = vector.load %arg13[%swap3A_523, %swap3A_524, %swap3A_525] : memref<16x20x64xf32, #tpu.memory_space<vmem>>, vector<1x20x64xf32>
    %swap3A_527 = vector.shape_cast %swap3A_526 : vector<1x20x64xf32> to vector<20x64xf32>
    %swap3A_528 = vector.shape_cast %slice3A_522 : vector<20x64xf32> to vector<1x20x64xf32>
    tpu.vector_store %arg13[%swap3A_523, %swap3A_524, %swap3A_525], %swap3A_528 {strides = array<i32>} : memref<16x20x64xf32, #tpu.memory_space<vmem>>, vector<1x20x64xf32>,
    %slice3A_529 = vector.extract_strided_slice %add3A_514 {offsets = [0, 0], sizes = [20, 64], strides = [1, 1]} : vector<320x64xf32> to vector<20x64xf32>
    %swap3A_530 = arith.constant 0 : index
    %swap3A_531 = arith.constant 0 : index
    %swap3A_532 = arith.constant 0 : index
    %swap3A_533 = vector.load %arg14[%swap3A_530, %swap3A_531, %swap3A_532] : memref<16x20x64xf32, #tpu.memory_space<vmem>>, vector<1x20x64xf32>
    %swap3A_534 = vector.shape_cast %swap3A_533 : vector<1x20x64xf32> to vector<20x64xf32>
    %swap3A_535 = vector.shape_cast %slice3A_529 : vector<20x64xf32> to vector<1x20x64xf32>
    tpu.vector_store %arg14[%swap3A_530, %swap3A_531, %swap3A_532], %swap3A_535 {strides = array<i32>} : memref<16x20x64xf32, #tpu.memory_space<vmem>>, vector<1x20x64xf32>,
    %slice3A_536 = vector.extract_strided_slice %add3A_515 {offsets = [20, 0], sizes = [20, 64], strides = [1, 1]} : vector<320x64xf32> to vector<20x64xf32>
    %swap3A_537 = arith.constant 1 : index
    %swap3A_538 = arith.constant 0 : index
    %swap3A_539 = arith.constant 0 : index
    %swap3A_540 = vector.load %arg12[%swap3A_537, %swap3A_538, %swap3A_539] : memref<16x20x64xf32, #tpu.memory_space<vmem>>, vector<1x20x64xf32>
    %swap3A_541 = vector.shape_cast %swap3A_540 : vector<1x20x64xf32> to vector<20x64xf32>
    %swap3A_542 = vector.shape_cast %slice3A_536 : vector<20x64xf32> to vector<1x20x64xf32>
    tpu.vector_store %arg12[%swap3A_537, %swap3A_538, %swap3A_539], %swap3A_542 {strides = array<i32>} : memref<16x20x64xf32, #tpu.memory_space<vmem>>, vector<1x20x64xf32>,
    %slice3A_543 = vector.extract_strided_slice %add3A_510 {offsets = [20, 0], sizes = [20, 64], strides = [1, 1]} : vector<320x64xf32> to vector<20x64xf32>
    %swap3A_544 = arith.constant 1 : index
    %swap3A_545 = arith.constant 0 : index
    %swap3A_546 = arith.constant 0 : index
    %swap3A_547 = vector.load %arg13[%swap3A_544, %swap3A_545, %swap3A_546] : memref<16x20x64xf32, #tpu.memory_space<vmem>>, vector<1x20x64xf32>
    %swap3A_548 = vector.shape_cast %swap3A_547 : vector<1x20x64xf32> to vector<20x64xf32>
    %swap3A_549 = vector.shape_cast %slice3A_543 : vector<20x64xf32> to vector<1x20x64xf32>
    tpu.vector_store %arg13[%swap3A_544, %swap3A_545, %swap3A_546], %swap3A_549 {strides = array<i32>} : memref<16x20x64xf32, #tpu.memory_space<vmem>>, vector<1x20x64xf32>,
    %slice3A_550 = vector.extract_strided_slice %add3A_514 {offsets = [20, 0], sizes = [20, 64], strides = [1, 1]} : vector<320x64xf32> to vector<20x64xf32>
    %swap3A_551 = arith.constant 1 : index
    %swap3A_552 = arith.constant 0 : index
    %swap3A_553 = arith.constant 0 : index
    %swap3A_554 = vector.load %arg14[%swap3A_551, %swap3A_552, %swap3A_553] : memref<16x20x64xf32, #tpu.memory_space<vmem>>, vector<1x20x64xf32>
    %swap3A_555 = vector.shape_cast %swap3A_554 : vector<1x20x64xf32> to vector<20x64xf32>
    %swap3A_556 = vector.shape_cast %slice3A_550 : vector<20x64xf32> to vector<1x20x64xf32>
    tpu.vector_store %arg14[%swap3A_551, %swap3A_552, %swap3A_553], %swap3A_556 {strides = array<i32>} : memref<16x20x64xf32, #tpu.memory_space<vmem>>, vector<1x20x64xf32>,
    %slice3A_557 = vector.extract_strided_slice %add3A_515 {offsets = [40, 0], sizes = [20, 64], strides = [1, 1]} : vector<320x64xf32> to vector<20x64xf32>
    %swap3A_558 = arith.constant 2 : index
    %swap3A_559 = arith.constant 0 : index
    %swap3A_560 = arith.constant 0 : index
    %swap3A_561 = vector.load %arg12[%swap3A_558, %swap3A_559, %swap3A_560] : memref<16x20x64xf32, #tpu.memory_space<vmem>>, vector<1x20x64xf32>
    %swap3A_562 = vector.shape_cast %swap3A_561 : vector<1x20x64xf32> to vector<20x64xf32>
    %swap3A_563 = vector.shape_cast %slice3A_557 : vector<20x64xf32> to vector<1x20x64xf32>
    tpu.vector_store %arg12[%swap3A_558, %swap3A_559, %swap3A_560], %swap3A_563 {strides = array<i32>} : memref<16x20x64xf32, #tpu.memory_space<vmem>>, vector<1x20x64xf32>,
    %slice3A_564 = vector.extract_strided_slice %add3A_510 {offsets = [40, 0], sizes = [20, 64], strides = [1, 1]} : vector<320x64xf32> to vector<20x64xf32>
    %swap3A_565 = arith.constant 2 : index
    %swap3A_566 = arith.constant 0 : index
    %swap3A_567 = arith.constant 0 : index
    %swap3A_568 = vector.load %arg13[%swap3A_565, %swap3A_566, %swap3A_567] : memref<16x20x64xf32, #tpu.memory_space<vmem>>, vector<1x20x64xf32>
    %swap3A_569 = vector.shape_cast %swap3A_568 : vector<1x20x64xf32> to vector<20x64xf32>
    %swap3A_570 = vector.shape_cast %slice3A_564 : vector<20x64xf32> to vector<1x20x64xf32>
    tpu.vector_store %arg13[%swap3A_565, %swap3A_566, %swap3A_567], %swap3A_570 {strides = array<i32>} : memref<16x20x64xf32, #tpu.memory_space<vmem>>, vector<1x20x64xf32>,
    %slice3A_571 = vector.extract_strided_slice %add3A_514 {offsets = [40, 0], sizes = [20, 64], strides = [1, 1]} : vector<320x64xf32> to vector<20x64xf32>
    %swap3A_572 = arith.constant 2 : index
    %swap3A_573 = arith.constant 0 : index
    %swap3A_574 = arith.constant 0 : index
    %swap3A_575 = vector.load %arg14[%swap3A_572, %swap3A_573, %swap3A_574] : memref<16x20x64xf32, #tpu.memory_space<vmem>>, vector<1x20x64xf32>
    %swap3A_576 = vector.shape_cast %swap3A_575 : vector<1x20x64xf32> to vector<20x64xf32>
    %swap3A_577 = vector.shape_cast %slice3A_571 : vector<20x64xf32> to vector<1x20x64xf32>
    tpu.vector_store %arg14[%swap3A_572, %swap3A_573, %swap3A_574], %swap3A_577 {strides = array<i32>} : memref<16x20x64xf32, #tpu.memory_space<vmem>>, vector<1x20x64xf32>,
    %slice3A_578 = vector.extract_strided_slice %add3A_515 {offsets = [60, 0], sizes = [20, 64], strides = [1, 1]} : vector<320x64xf32> to vector<20x64xf32>
    %swap3A_579 = arith.constant 3 : index
    %swap3A_580 = arith.constant 0 : index
    %swap3A_581 = arith.constant 0 : index
    %swap3A_582 = vector.load %arg12[%swap3A_579, %swap3A_580, %swap3A_581] : memref<16x20x64xf32, #tpu.memory_space<vmem>>, vector<1x20x64xf32>
    %swap3A_583 = vector.shape_cast %swap3A_582 : vector<1x20x64xf32> to vector<20x64xf32>
    %swap3A_584 = vector.shape_cast %slice3A_578 : vector<20x64xf32> to vector<1x20x64xf32>
    tpu.vector_store %arg12[%swap3A_579, %swap3A_580, %swap3A_581], %swap3A_584 {strides = array<i32>} : memref<16x20x64xf32, #tpu.memory_space<vmem>>, vector<1x20x64xf32>,
    %slice3A_585 = vector.extract_strided_slice %add3A_510 {offsets = [60, 0], sizes = [20, 64], strides = [1, 1]} : vector<320x64xf32> to vector<20x64xf32>
    %swap3A_586 = arith.constant 3 : index
    %swap3A_587 = arith.constant 0 : index
    %swap3A_588 = arith.constant 0 : index
    %swap3A_589 = vector.load %arg13[%swap3A_586, %swap3A_587, %swap3A_588] : memref<16x20x64xf32, #tpu.memory_space<vmem>>, vector<1x20x64xf32>
    %swap3A_590 = vector.shape_cast %swap3A_589 : vector<1x20x64xf32> to vector<20x64xf32>
    %swap3A_591 = vector.shape_cast %slice3A_585 : vector<20x64xf32> to vector<1x20x64xf32>
    tpu.vector_store %arg13[%swap3A_586, %swap3A_587, %swap3A_588], %swap3A_591 {strides = array<i32>} : memref<16x20x64xf32, #tpu.memory_space<vmem>>, vector<1x20x64xf32>,
    %slice3A_592 = vector.extract_strided_slice %add3A_514 {offsets = [60, 0], sizes = [20, 64], strides = [1, 1]} : vector<320x64xf32> to vector<20x64xf32>
    %swap3A_593 = arith.constant 3 : index
    %swap3A_594 = arith.constant 0 : index
    %swap3A_595 = arith.constant 0 : index
    %swap3A_596 = vector.load %arg14[%swap3A_593, %swap3A_594, %swap3A_595] : memref<16x20x64xf32, #tpu.memory_space<vmem>>, vector<1x20x64xf32>
    %swap3A_597 = vector.shape_cast %swap3A_596 : vector<1x20x64xf32> to vector<20x64xf32>
    %swap3A_598 = vector.shape_cast %slice3A_592 : vector<20x64xf32> to vector<1x20x64xf32>
    tpu.vector_store %arg14[%swap3A_593, %swap3A_594, %swap3A_595], %swap3A_598 {strides = array<i32>} : memref<16x20x64xf32, #tpu.memory_space<vmem>>, vector<1x20x64xf32>,
    %slice3A_599 = vector.extract_strided_slice %add3A_515 {offsets = [80, 0], sizes = [20, 64], strides = [1, 1]} : vector<320x64xf32> to vector<20x64xf32>
    %swap3A_600 = arith.constant 4 : index
    %swap3A_601 = arith.constant 0 : index
    %swap3A_602 = arith.constant 0 : index
    %swap3A_603 = vector.load %arg12[%swap3A_600, %swap3A_601, %swap3A_602] : memref<16x20x64xf32, #tpu.memory_space<vmem>>, vector<1x20x64xf32>
    %swap3A_604 = vector.shape_cast %swap3A_603 : vector<1x20x64xf32> to vector<20x64xf32>
    %swap3A_605 = vector.shape_cast %slice3A_599 : vector<20x64xf32> to vector<1x20x64xf32>
    tpu.vector_store %arg12[%swap3A_600, %swap3A_601, %swap3A_602], %swap3A_605 {strides = array<i32>} : memref<16x20x64xf32, #tpu.memory_space<vmem>>, vector<1x20x64xf32>,
    %slice3A_606 = vector.extract_strided_slice %add3A_510 {offsets = [80, 0], sizes = [20, 64], strides = [1, 1]} : vector<320x64xf32> to vector<20x64xf32>
    %swap3A_607 = arith.constant 4 : index
    %swap3A_608 = arith.constant 0 : index
    %swap3A_609 = arith.constant 0 : index
    %swap3A_610 = vector.load %arg13[%swap3A_607, %swap3A_608, %swap3A_609] : memref<16x20x64xf32, #tpu.memory_space<vmem>>, vector<1x20x64xf32>
    %swap3A_611 = vector.shape_cast %swap3A_610 : vector<1x20x64xf32> to vector<20x64xf32>
    %swap3A_612 = vector.shape_cast %slice3A_606 : vector<20x64xf32> to vector<1x20x64xf32>
    tpu.vector_store %arg13[%swap3A_607, %swap3A_608, %swap3A_609], %swap3A_612 {strides = array<i32>} : memref<16x20x64xf32, #tpu.memory_space<vmem>>, vector<1x20x64xf32>,
    %slice3A_613 = vector.extract_strided_slice %add3A_514 {offsets = [80, 0], sizes = [20, 64], strides = [1, 1]} : vector<320x64xf32> to vector<20x64xf32>
    %swap3A_614 = arith.constant 4 : index
    %swap3A_615 = arith.constant 0 : index
    %swap3A_616 = arith.constant 0 : index
    %swap3A_617 = vector.load %arg14[%swap3A_614, %swap3A_615, %swap3A_616] : memref<16x20x64xf32, #tpu.memory_space<vmem>>, vector<1x20x64xf32>
    %swap3A_618 = vector.shape_cast %swap3A_617 : vector<1x20x64xf32> to vector<20x64xf32>
    %swap3A_619 = vector.shape_cast %slice3A_613 : vector<20x64xf32> to vector<1x20x64xf32>
    tpu.vector_store %arg14[%swap3A_614, %swap3A_615, %swap3A_616], %swap3A_619 {strides = array<i32>} : memref<16x20x64xf32, #tpu.memory_space<vmem>>, vector<1x20x64xf32>,
    %slice3A_620 = vector.extract_strided_slice %add3A_515 {offsets = [100, 0], sizes = [20, 64], strides = [1, 1]} : vector<320x64xf32> to vector<20x64xf32>
    %swap3A_621 = arith.constant 5 : index
    %swap3A_622 = arith.constant 0 : index
    %swap3A_623 = arith.constant 0 : index
    %swap3A_624 = vector.load %arg12[%swap3A_621, %swap3A_622, %swap3A_623] : memref<16x20x64xf32, #tpu.memory_space<vmem>>, vector<1x20x64xf32>
    %swap3A_625 = vector.shape_cast %swap3A_624 : vector<1x20x64xf32> to vector<20x64xf32>
    %swap3A_626 = vector.shape_cast %slice3A_620 : vector<20x64xf32> to vector<1x20x64xf32>
    tpu.vector_store %arg12[%swap3A_621, %swap3A_622, %swap3A_623], %swap3A_626 {strides = array<i32>} : memref<16x20x64xf32, #tpu.memory_space<vmem>>, vector<1x20x64xf32>,
    %slice3A_627 = vector.extract_strided_slice %add3A_510 {offsets = [100, 0], sizes = [20, 64], strides = [1, 1]} : vector<320x64xf32> to vector<20x64xf32>
    %swap3A_628 = arith.constant 5 : index
    %swap3A_629 = arith.constant 0 : index
    %swap3A_630 = arith.constant 0 : index
    %swap3A_631 = vector.load %arg13[%swap3A_628, %swap3A_629, %swap3A_630] : memref<16x20x64xf32, #tpu.memory_space<vmem>>, vector<1x20x64xf32>
    %swap3A_632 = vector.shape_cast %swap3A_631 : vector<1x20x64xf32> to vector<20x64xf32>
    %swap3A_633 = vector.shape_cast %slice3A_627 : vector<20x64xf32> to vector<1x20x64xf32>
    tpu.vector_store %arg13[%swap3A_628, %swap3A_629, %swap3A_630], %swap3A_633 {strides = array<i32>} : memref<16x20x64xf32, #tpu.memory_space<vmem>>, vector<1x20x64xf32>,
    %slice3A_634 = vector.extract_strided_slice %add3A_514 {offsets = [100, 0], sizes = [20, 64], strides = [1, 1]} : vector<320x64xf32> to vector<20x64xf32>
    %swap3A_635 = arith.constant 5 : index
    %swap3A_636 = arith.constant 0 : index
    %swap3A_637 = arith.constant 0 : index
    %swap3A_638 = vector.load %arg14[%swap3A_635, %swap3A_636, %swap3A_637] : memref<16x20x64xf32, #tpu.memory_space<vmem>>, vector<1x20x64xf32>
    %swap3A_639 = vector.shape_cast %swap3A_638 : vector<1x20x64xf32> to vector<20x64xf32>
    %swap3A_640 = vector.shape_cast %slice3A_634 : vector<20x64xf32> to vector<1x20x64xf32>
    tpu.vector_store %arg14[%swap3A_635, %swap3A_636, %swap3A_637], %swap3A_640 {strides = array<i32>} : memref<16x20x64xf32, #tpu.memory_space<vmem>>, vector<1x20x64xf32>,
    %slice3A_641 = vector.extract_strided_slice %add3A_515 {offsets = [120, 0], sizes = [20, 64], strides = [1, 1]} : vector<320x64xf32> to vector<20x64xf32>
    %swap3A_642 = arith.constant 6 : index
    %swap3A_643 = arith.constant 0 : index
    %swap3A_644 = arith.constant 0 : index
    %swap3A_645 = vector.load %arg12[%swap3A_642, %swap3A_643, %swap3A_644] : memref<16x20x64xf32, #tpu.memory_space<vmem>>, vector<1x20x64xf32>
    %swap3A_646 = vector.shape_cast %swap3A_645 : vector<1x20x64xf32> to vector<20x64xf32>
    %swap3A_647 = vector.shape_cast %slice3A_641 : vector<20x64xf32> to vector<1x20x64xf32>
    tpu.vector_store %arg12[%swap3A_642, %swap3A_643, %swap3A_644], %swap3A_647 {strides = array<i32>} : memref<16x20x64xf32, #tpu.memory_space<vmem>>, vector<1x20x64xf32>,
    %slice3A_648 = vector.extract_strided_slice %add3A_510 {offsets = [120, 0], sizes = [20, 64], strides = [1, 1]} : vector<320x64xf32> to vector<20x64xf32>
    %swap3A_649 = arith.constant 6 : index
    %swap3A_650 = arith.constant 0 : index
    %swap3A_651 = arith.constant 0 : index
    %swap3A_652 = vector.load %arg13[%swap3A_649, %swap3A_650, %swap3A_651] : memref<16x20x64xf32, #tpu.memory_space<vmem>>, vector<1x20x64xf32>
    %swap3A_653 = vector.shape_cast %swap3A_652 : vector<1x20x64xf32> to vector<20x64xf32>
    %swap3A_654 = vector.shape_cast %slice3A_648 : vector<20x64xf32> to vector<1x20x64xf32>
    tpu.vector_store %arg13[%swap3A_649, %swap3A_650, %swap3A_651], %swap3A_654 {strides = array<i32>} : memref<16x20x64xf32, #tpu.memory_space<vmem>>, vector<1x20x64xf32>,
    %slice3A_655 = vector.extract_strided_slice %add3A_514 {offsets = [120, 0], sizes = [20, 64], strides = [1, 1]} : vector<320x64xf32> to vector<20x64xf32>
    %swap3A_656 = arith.constant 6 : index
    %swap3A_657 = arith.constant 0 : index
    %swap3A_658 = arith.constant 0 : index
    %swap3A_659 = vector.load %arg14[%swap3A_656, %swap3A_657, %swap3A_658] : memref<16x20x64xf32, #tpu.memory_space<vmem>>, vector<1x20x64xf32>
    %swap3A_660 = vector.shape_cast %swap3A_659 : vector<1x20x64xf32> to vector<20x64xf32>
    %swap3A_661 = vector.shape_cast %slice3A_655 : vector<20x64xf32> to vector<1x20x64xf32>
    tpu.vector_store %arg14[%swap3A_656, %swap3A_657, %swap3A_658], %swap3A_661 {strides = array<i32>} : memref<16x20x64xf32, #tpu.memory_space<vmem>>, vector<1x20x64xf32>,
    %slice3A_662 = vector.extract_strided_slice %add3A_515 {offsets = [140, 0], sizes = [20, 64], strides = [1, 1]} : vector<320x64xf32> to vector<20x64xf32>
    %swap3A_663 = arith.constant 7 : index
    %swap3A_664 = arith.constant 0 : index
    %swap3A_665 = arith.constant 0 : index
    %swap3A_666 = vector.load %arg12[%swap3A_663, %swap3A_664, %swap3A_665] : memref<16x20x64xf32, #tpu.memory_space<vmem>>, vector<1x20x64xf32>
    %swap3A_667 = vector.shape_cast %swap3A_666 : vector<1x20x64xf32> to vector<20x64xf32>
    %swap3A_668 = vector.shape_cast %slice3A_662 : vector<20x64xf32> to vector<1x20x64xf32>
    tpu.vector_store %arg12[%swap3A_663, %swap3A_664, %swap3A_665], %swap3A_668 {strides = array<i32>} : memref<16x20x64xf32, #tpu.memory_space<vmem>>, vector<1x20x64xf32>,
    %slice3A_669 = vector.extract_strided_slice %add3A_510 {offsets = [140, 0], sizes = [20, 64], strides = [1, 1]} : vector<320x64xf32> to vector<20x64xf32>
    %swap3A_670 = arith.constant 7 : index
    %swap3A_671 = arith.constant 0 : index
    %swap3A_672 = arith.constant 0 : index
    %swap3A_673 = vector.load %arg13[%swap3A_670, %swap3A_671, %swap3A_672] : memref<16x20x64xf32, #tpu.memory_space<vmem>>, vector<1x20x64xf32>
    %swap3A_674 = vector.shape_cast %swap3A_673 : vector<1x20x64xf32> to vector<20x64xf32>
    %swap3A_675 = vector.shape_cast %slice3A_669 : vector<20x64xf32> to vector<1x20x64xf32>
    tpu.vector_store %arg13[%swap3A_670, %swap3A_671, %swap3A_672], %swap3A_675 {strides = array<i32>} : memref<16x20x64xf32, #tpu.memory_space<vmem>>, vector<1x20x64xf32>,
    %slice3A_676 = vector.extract_strided_slice %add3A_514 {offsets = [140, 0], sizes = [20, 64], strides = [1, 1]} : vector<320x64xf32> to vector<20x64xf32>
    %swap3A_677 = arith.constant 7 : index
    %swap3A_678 = arith.constant 0 : index
    %swap3A_679 = arith.constant 0 : index
    %swap3A_680 = vector.load %arg14[%swap3A_677, %swap3A_678, %swap3A_679] : memref<16x20x64xf32, #tpu.memory_space<vmem>>, vector<1x20x64xf32>
    %swap3A_681 = vector.shape_cast %swap3A_680 : vector<1x20x64xf32> to vector<20x64xf32>
    %swap3A_682 = vector.shape_cast %slice3A_676 : vector<20x64xf32> to vector<1x20x64xf32>
    tpu.vector_store %arg14[%swap3A_677, %swap3A_678, %swap3A_679], %swap3A_682 {strides = array<i32>} : memref<16x20x64xf32, #tpu.memory_space<vmem>>, vector<1x20x64xf32>,
    %slice3A_683 = vector.extract_strided_slice %add3A_515 {offsets = [160, 0], sizes = [20, 64], strides = [1, 1]} : vector<320x64xf32> to vector<20x64xf32>
    %swap3A_684 = arith.constant 8 : index
    %swap3A_685 = arith.constant 0 : index
    %swap3A_686 = arith.constant 0 : index
    %swap3A_687 = vector.load %arg12[%swap3A_684, %swap3A_685, %swap3A_686] : memref<16x20x64xf32, #tpu.memory_space<vmem>>, vector<1x20x64xf32>
    %swap3A_688 = vector.shape_cast %swap3A_687 : vector<1x20x64xf32> to vector<20x64xf32>
    %swap3A_689 = vector.shape_cast %slice3A_683 : vector<20x64xf32> to vector<1x20x64xf32>
    tpu.vector_store %arg12[%swap3A_684, %swap3A_685, %swap3A_686], %swap3A_689 {strides = array<i32>} : memref<16x20x64xf32, #tpu.memory_space<vmem>>, vector<1x20x64xf32>,
    %slice3A_690 = vector.extract_strided_slice %add3A_510 {offsets = [160, 0], sizes = [20, 64], strides = [1, 1]} : vector<320x64xf32> to vector<20x64xf32>
    %swap3A_691 = arith.constant 8 : index
    %swap3A_692 = arith.constant 0 : index
    %swap3A_693 = arith.constant 0 : index
    %swap3A_694 = vector.load %arg13[%swap3A_691, %swap3A_692, %swap3A_693] : memref<16x20x64xf32, #tpu.memory_space<vmem>>, vector<1x20x64xf32>
    %swap3A_695 = vector.shape_cast %swap3A_694 : vector<1x20x64xf32> to vector<20x64xf32>
    %swap3A_696 = vector.shape_cast %slice3A_690 : vector<20x64xf32> to vector<1x20x64xf32>
    tpu.vector_store %arg13[%swap3A_691, %swap3A_692, %swap3A_693], %swap3A_696 {strides = array<i32>} : memref<16x20x64xf32, #tpu.memory_space<vmem>>, vector<1x20x64xf32>,
    %slice3A_697 = vector.extract_strided_slice %add3A_514 {offsets = [160, 0], sizes = [20, 64], strides = [1, 1]} : vector<320x64xf32> to vector<20x64xf32>
    %swap3A_698 = arith.constant 8 : index
    %swap3A_699 = arith.constant 0 : index
    %swap3A_700 = arith.constant 0 : index
    %swap3A_701 = vector.load %arg14[%swap3A_698, %swap3A_699, %swap3A_700] : memref<16x20x64xf32, #tpu.memory_space<vmem>>, vector<1x20x64xf32>
    %swap3A_702 = vector.shape_cast %swap3A_701 : vector<1x20x64xf32> to vector<20x64xf32>
    %swap3A_703 = vector.shape_cast %slice3A_697 : vector<20x64xf32> to vector<1x20x64xf32>
    tpu.vector_store %arg14[%swap3A_698, %swap3A_699, %swap3A_700], %swap3A_703 {strides = array<i32>} : memref<16x20x64xf32, #tpu.memory_space<vmem>>, vector<1x20x64xf32>,
    %slice3A_704 = vector.extract_strided_slice %add3A_515 {offsets = [180, 0], sizes = [20, 64], strides = [1, 1]} : vector<320x64xf32> to vector<20x64xf32>
    %swap3A_705 = arith.constant 9 : index
    %swap3A_706 = arith.constant 0 : index
    %swap3A_707 = arith.constant 0 : index
    %swap3A_708 = vector.load %arg12[%swap3A_705, %swap3A_706, %swap3A_707] : memref<16x20x64xf32, #tpu.memory_space<vmem>>, vector<1x20x64xf32>
    %swap3A_709 = vector.shape_cast %swap3A_708 : vector<1x20x64xf32> to vector<20x64xf32>
    %swap3A_710 = vector.shape_cast %slice3A_704 : vector<20x64xf32> to vector<1x20x64xf32>
    tpu.vector_store %arg12[%swap3A_705, %swap3A_706, %swap3A_707], %swap3A_710 {strides = array<i32>} : memref<16x20x64xf32, #tpu.memory_space<vmem>>, vector<1x20x64xf32>,
    %slice3A_711 = vector.extract_strided_slice %add3A_510 {offsets = [180, 0], sizes = [20, 64], strides = [1, 1]} : vector<320x64xf32> to vector<20x64xf32>
    %swap3A_712 = arith.constant 9 : index
    %swap3A_713 = arith.constant 0 : index
    %swap3A_714 = arith.constant 0 : index
    %swap3A_715 = vector.load %arg13[%swap3A_712, %swap3A_713, %swap3A_714] : memref<16x20x64xf32, #tpu.memory_space<vmem>>, vector<1x20x64xf32>
    %swap3A_716 = vector.shape_cast %swap3A_715 : vector<1x20x64xf32> to vector<20x64xf32>
    %swap3A_717 = vector.shape_cast %slice3A_711 : vector<20x64xf32> to vector<1x20x64xf32>
    tpu.vector_store %arg13[%swap3A_712, %swap3A_713, %swap3A_714], %swap3A_717 {strides = array<i32>} : memref<16x20x64xf32, #tpu.memory_space<vmem>>, vector<1x20x64xf32>,
    %slice3A_718 = vector.extract_strided_slice %add3A_514 {offsets = [180, 0], sizes = [20, 64], strides = [1, 1]} : vector<320x64xf32> to vector<20x64xf32>
    %swap3A_719 = arith.constant 9 : index
    %swap3A_720 = arith.constant 0 : index
    %swap3A_721 = arith.constant 0 : index
    %swap3A_722 = vector.load %arg14[%swap3A_719, %swap3A_720, %swap3A_721] : memref<16x20x64xf32, #tpu.memory_space<vmem>>, vector<1x20x64xf32>
    %swap3A_723 = vector.shape_cast %swap3A_722 : vector<1x20x64xf32> to vector<20x64xf32>
    %swap3A_724 = vector.shape_cast %slice3A_718 : vector<20x64xf32> to vector<1x20x64xf32>
    tpu.vector_store %arg14[%swap3A_719, %swap3A_720, %swap3A_721], %swap3A_724 {strides = array<i32>} : memref<16x20x64xf32, #tpu.memory_space<vmem>>, vector<1x20x64xf32>,
    %slice3A_725 = vector.extract_strided_slice %add3A_515 {offsets = [200, 0], sizes = [20, 64], strides = [1, 1]} : vector<320x64xf32> to vector<20x64xf32>
    %swap3A_726 = arith.constant 10 : index
    %swap3A_727 = arith.constant 0 : index
    %swap3A_728 = arith.constant 0 : index
    %swap3A_729 = vector.load %arg12[%swap3A_726, %swap3A_727, %swap3A_728] : memref<16x20x64xf32, #tpu.memory_space<vmem>>, vector<1x20x64xf32>
    %swap3A_730 = vector.shape_cast %swap3A_729 : vector<1x20x64xf32> to vector<20x64xf32>
    %swap3A_731 = vector.shape_cast %slice3A_725 : vector<20x64xf32> to vector<1x20x64xf32>
    tpu.vector_store %arg12[%swap3A_726, %swap3A_727, %swap3A_728], %swap3A_731 {strides = array<i32>} : memref<16x20x64xf32, #tpu.memory_space<vmem>>, vector<1x20x64xf32>,
    %slice3A_732 = vector.extract_strided_slice %add3A_510 {offsets = [200, 0], sizes = [20, 64], strides = [1, 1]} : vector<320x64xf32> to vector<20x64xf32>
    %swap3A_733 = arith.constant 10 : index
    %swap3A_734 = arith.constant 0 : index
    %swap3A_735 = arith.constant 0 : index
    %swap3A_736 = vector.load %arg13[%swap3A_733, %swap3A_734, %swap3A_735] : memref<16x20x64xf32, #tpu.memory_space<vmem>>, vector<1x20x64xf32>
    %swap3A_737 = vector.shape_cast %swap3A_736 : vector<1x20x64xf32> to vector<20x64xf32>
    %swap3A_738 = vector.shape_cast %slice3A_732 : vector<20x64xf32> to vector<1x20x64xf32>
    tpu.vector_store %arg13[%swap3A_733, %swap3A_734, %swap3A_735], %swap3A_738 {strides = array<i32>} : memref<16x20x64xf32, #tpu.memory_space<vmem>>, vector<1x20x64xf32>,
    %slice3A_739 = vector.extract_strided_slice %add3A_514 {offsets = [200, 0], sizes = [20, 64], strides = [1, 1]} : vector<320x64xf32> to vector<20x64xf32>
    %swap3A_740 = arith.constant 10 : index
    %swap3A_741 = arith.constant 0 : index
    %swap3A_742 = arith.constant 0 : index
    %swap3A_743 = vector.load %arg14[%swap3A_740, %swap3A_741, %swap3A_742] : memref<16x20x64xf32, #tpu.memory_space<vmem>>, vector<1x20x64xf32>
    %swap3A_744 = vector.shape_cast %swap3A_743 : vector<1x20x64xf32> to vector<20x64xf32>
    %swap3A_745 = vector.shape_cast %slice3A_739 : vector<20x64xf32> to vector<1x20x64xf32>
    tpu.vector_store %arg14[%swap3A_740, %swap3A_741, %swap3A_742], %swap3A_745 {strides = array<i32>} : memref<16x20x64xf32, #tpu.memory_space<vmem>>, vector<1x20x64xf32>,
    %slice3A_746 = vector.extract_strided_slice %add3A_515 {offsets = [220, 0], sizes = [20, 64], strides = [1, 1]} : vector<320x64xf32> to vector<20x64xf32>
    %swap3A_747 = arith.constant 11 : index
    %swap3A_748 = arith.constant 0 : index
    %swap3A_749 = arith.constant 0 : index
    %swap3A_750 = vector.load %arg12[%swap3A_747, %swap3A_748, %swap3A_749] : memref<16x20x64xf32, #tpu.memory_space<vmem>>, vector<1x20x64xf32>
    %swap3A_751 = vector.shape_cast %swap3A_750 : vector<1x20x64xf32> to vector<20x64xf32>
    %swap3A_752 = vector.shape_cast %slice3A_746 : vector<20x64xf32> to vector<1x20x64xf32>
    tpu.vector_store %arg12[%swap3A_747, %swap3A_748, %swap3A_749], %swap3A_752 {strides = array<i32>} : memref<16x20x64xf32, #tpu.memory_space<vmem>>, vector<1x20x64xf32>,
    %slice3A_753 = vector.extract_strided_slice %add3A_510 {offsets = [220, 0], sizes = [20, 64], strides = [1, 1]} : vector<320x64xf32> to vector<20x64xf32>
    %swap3A_754 = arith.constant 11 : index
    %swap3A_755 = arith.constant 0 : index
    %swap3A_756 = arith.constant 0 : index
    %swap3A_757 = vector.load %arg13[%swap3A_754, %swap3A_755, %swap3A_756] : memref<16x20x64xf32, #tpu.memory_space<vmem>>, vector<1x20x64xf32>
    %swap3A_758 = vector.shape_cast %swap3A_757 : vector<1x20x64xf32> to vector<20x64xf32>
    %swap3A_759 = vector.shape_cast %slice3A_753 : vector<20x64xf32> to vector<1x20x64xf32>
    tpu.vector_store %arg13[%swap3A_754, %swap3A_755, %swap3A_756], %swap3A_759 {strides = array<i32>} : memref<16x20x64xf32, #tpu.memory_space<vmem>>, vector<1x20x64xf32>,
    %slice3A_760 = vector.extract_strided_slice %add3A_514 {offsets = [220, 0], sizes = [20, 64], strides = [1, 1]} : vector<320x64xf32> to vector<20x64xf32>
    %swap3A_761 = arith.constant 11 : index
    %swap3A_762 = arith.constant 0 : index
    %swap3A_763 = arith.constant 0 : index
    %swap3A_764 = vector.load %arg14[%swap3A_761, %swap3A_762, %swap3A_763] : memref<16x20x64xf32, #tpu.memory_space<vmem>>, vector<1x20x64xf32>
    %swap3A_765 = vector.shape_cast %swap3A_764 : vector<1x20x64xf32> to vector<20x64xf32>
    %swap3A_766 = vector.shape_cast %slice3A_760 : vector<20x64xf32> to vector<1x20x64xf32>
    tpu.vector_store %arg14[%swap3A_761, %swap3A_762, %swap3A_763], %swap3A_766 {strides = array<i32>} : memref<16x20x64xf32, #tpu.memory_space<vmem>>, vector<1x20x64xf32>,
    %slice3A_767 = vector.extract_strided_slice %add3A_515 {offsets = [240, 0], sizes = [20, 64], strides = [1, 1]} : vector<320x64xf32> to vector<20x64xf32>
    %swap3A_768 = arith.constant 12 : index
    %swap3A_769 = arith.constant 0 : index
    %swap3A_770 = arith.constant 0 : index
    %swap3A_771 = vector.load %arg12[%swap3A_768, %swap3A_769, %swap3A_770] : memref<16x20x64xf32, #tpu.memory_space<vmem>>, vector<1x20x64xf32>
    %swap3A_772 = vector.shape_cast %swap3A_771 : vector<1x20x64xf32> to vector<20x64xf32>
    %swap3A_773 = vector.shape_cast %slice3A_767 : vector<20x64xf32> to vector<1x20x64xf32>
    tpu.vector_store %arg12[%swap3A_768, %swap3A_769, %swap3A_770], %swap3A_773 {strides = array<i32>} : memref<16x20x64xf32, #tpu.memory_space<vmem>>, vector<1x20x64xf32>,
    %slice3A_774 = vector.extract_strided_slice %add3A_510 {offsets = [240, 0], sizes = [20, 64], strides = [1, 1]} : vector<320x64xf32> to vector<20x64xf32>
    %swap3A_775 = arith.constant 12 : index
    %swap3A_776 = arith.constant 0 : index
    %swap3A_777 = arith.constant 0 : index
    %swap3A_778 = vector.load %arg13[%swap3A_775, %swap3A_776, %swap3A_777] : memref<16x20x64xf32, #tpu.memory_space<vmem>>, vector<1x20x64xf32>
    %swap3A_779 = vector.shape_cast %swap3A_778 : vector<1x20x64xf32> to vector<20x64xf32>
    %swap3A_780 = vector.shape_cast %slice3A_774 : vector<20x64xf32> to vector<1x20x64xf32>
    tpu.vector_store %arg13[%swap3A_775, %swap3A_776, %swap3A_777], %swap3A_780 {strides = array<i32>} : memref<16x20x64xf32, #tpu.memory_space<vmem>>, vector<1x20x64xf32>,
    %slice3A_781 = vector.extract_strided_slice %add3A_514 {offsets = [240, 0], sizes = [20, 64], strides = [1, 1]} : vector<320x64xf32> to vector<20x64xf32>
    %swap3A_782 = arith.constant 12 : index
    %swap3A_783 = arith.constant 0 : index
    %swap3A_784 = arith.constant 0 : index
    %swap3A_785 = vector.load %arg14[%swap3A_782, %swap3A_783, %swap3A_784] : memref<16x20x64xf32, #tpu.memory_space<vmem>>, vector<1x20x64xf32>
    %swap3A_786 = vector.shape_cast %swap3A_785 : vector<1x20x64xf32> to vector<20x64xf32>
    %swap3A_787 = vector.shape_cast %slice3A_781 : vector<20x64xf32> to vector<1x20x64xf32>
    tpu.vector_store %arg14[%swap3A_782, %swap3A_783, %swap3A_784], %swap3A_787 {strides = array<i32>} : memref<16x20x64xf32, #tpu.memory_space<vmem>>, vector<1x20x64xf32>,
    %slice3A_788 = vector.extract_strided_slice %add3A_515 {offsets = [260, 0], sizes = [20, 64], strides = [1, 1]} : vector<320x64xf32> to vector<20x64xf32>
    %swap3A_789 = arith.constant 13 : index
    %swap3A_790 = arith.constant 0 : index
    %swap3A_791 = arith.constant 0 : index
    %swap3A_792 = vector.load %arg12[%swap3A_789, %swap3A_790, %swap3A_791] : memref<16x20x64xf32, #tpu.memory_space<vmem>>, vector<1x20x64xf32>
    %swap3A_793 = vector.shape_cast %swap3A_792 : vector<1x20x64xf32> to vector<20x64xf32>
    %swap3A_794 = vector.shape_cast %slice3A_788 : vector<20x64xf32> to vector<1x20x64xf32>
    tpu.vector_store %arg12[%swap3A_789, %swap3A_790, %swap3A_791], %swap3A_794 {strides = array<i32>} : memref<16x20x64xf32, #tpu.memory_space<vmem>>, vector<1x20x64xf32>,
    %slice3A_795 = vector.extract_strided_slice %add3A_510 {offsets = [260, 0], sizes = [20, 64], strides = [1, 1]} : vector<320x64xf32> to vector<20x64xf32>
    %swap3A_796 = arith.constant 13 : index
    %swap3A_797 = arith.constant 0 : index
    %swap3A_798 = arith.constant 0 : index
    %swap3A_799 = vector.load %arg13[%swap3A_796, %swap3A_797, %swap3A_798] : memref<16x20x64xf32, #tpu.memory_space<vmem>>, vector<1x20x64xf32>
    %swap3A_800 = vector.shape_cast %swap3A_799 : vector<1x20x64xf32> to vector<20x64xf32>
    %swap3A_801 = vector.shape_cast %slice3A_795 : vector<20x64xf32> to vector<1x20x64xf32>
    tpu.vector_store %arg13[%swap3A_796, %swap3A_797, %swap3A_798], %swap3A_801 {strides = array<i32>} : memref<16x20x64xf32, #tpu.memory_space<vmem>>, vector<1x20x64xf32>,
    %slice3A_802 = vector.extract_strided_slice %add3A_514 {offsets = [260, 0], sizes = [20, 64], strides = [1, 1]} : vector<320x64xf32> to vector<20x64xf32>
    %swap3A_803 = arith.constant 13 : index
    %swap3A_804 = arith.constant 0 : index
    %swap3A_805 = arith.constant 0 : index
    %swap3A_806 = vector.load %arg14[%swap3A_803, %swap3A_804, %swap3A_805] : memref<16x20x64xf32, #tpu.memory_space<vmem>>, vector<1x20x64xf32>
    %swap3A_807 = vector.shape_cast %swap3A_806 : vector<1x20x64xf32> to vector<20x64xf32>
    %swap3A_808 = vector.shape_cast %slice3A_802 : vector<20x64xf32> to vector<1x20x64xf32>
    tpu.vector_store %arg14[%swap3A_803, %swap3A_804, %swap3A_805], %swap3A_808 {strides = array<i32>} : memref<16x20x64xf32, #tpu.memory_space<vmem>>, vector<1x20x64xf32>,
    %slice3A_809 = vector.extract_strided_slice %add3A_515 {offsets = [280, 0], sizes = [20, 64], strides = [1, 1]} : vector<320x64xf32> to vector<20x64xf32>
    %swap3A_810 = arith.constant 14 : index
    %swap3A_811 = arith.constant 0 : index
    %swap3A_812 = arith.constant 0 : index
    %swap3A_813 = vector.load %arg12[%swap3A_810, %swap3A_811, %swap3A_812] : memref<16x20x64xf32, #tpu.memory_space<vmem>>, vector<1x20x64xf32>
    %swap3A_814 = vector.shape_cast %swap3A_813 : vector<1x20x64xf32> to vector<20x64xf32>
    %swap3A_815 = vector.shape_cast %slice3A_809 : vector<20x64xf32> to vector<1x20x64xf32>
    tpu.vector_store %arg12[%swap3A_810, %swap3A_811, %swap3A_812], %swap3A_815 {strides = array<i32>} : memref<16x20x64xf32, #tpu.memory_space<vmem>>, vector<1x20x64xf32>,
    %slice3A_816 = vector.extract_strided_slice %add3A_510 {offsets = [280, 0], sizes = [20, 64], strides = [1, 1]} : vector<320x64xf32> to vector<20x64xf32>
    %swap3A_817 = arith.constant 14 : index
    %swap3A_818 = arith.constant 0 : index
    %swap3A_819 = arith.constant 0 : index
    %swap3A_820 = vector.load %arg13[%swap3A_817, %swap3A_818, %swap3A_819] : memref<16x20x64xf32, #tpu.memory_space<vmem>>, vector<1x20x64xf32>
    %swap3A_821 = vector.shape_cast %swap3A_820 : vector<1x20x64xf32> to vector<20x64xf32>
    %swap3A_822 = vector.shape_cast %slice3A_816 : vector<20x64xf32> to vector<1x20x64xf32>
    tpu.vector_store %arg13[%swap3A_817, %swap3A_818, %swap3A_819], %swap3A_822 {strides = array<i32>} : memref<16x20x64xf32, #tpu.memory_space<vmem>>, vector<1x20x64xf32>,
    %slice3A_823 = vector.extract_strided_slice %add3A_514 {offsets = [280, 0], sizes = [20, 64], strides = [1, 1]} : vector<320x64xf32> to vector<20x64xf32>
    %swap3A_824 = arith.constant 14 : index
    %swap3A_825 = arith.constant 0 : index
    %swap3A_826 = arith.constant 0 : index
    %swap3A_827 = vector.load %arg14[%swap3A_824, %swap3A_825, %swap3A_826] : memref<16x20x64xf32, #tpu.memory_space<vmem>>, vector<1x20x64xf32>
    %swap3A_828 = vector.shape_cast %swap3A_827 : vector<1x20x64xf32> to vector<20x64xf32>
    %swap3A_829 = vector.shape_cast %slice3A_823 : vector<20x64xf32> to vector<1x20x64xf32>
    tpu.vector_store %arg14[%swap3A_824, %swap3A_825, %swap3A_826], %swap3A_829 {strides = array<i32>} : memref<16x20x64xf32, #tpu.memory_space<vmem>>, vector<1x20x64xf32>,
    %slice3A_830 = vector.extract_strided_slice %add3A_515 {offsets = [300, 0], sizes = [20, 64], strides = [1, 1]} : vector<320x64xf32> to vector<20x64xf32>
    %swap3A_831 = arith.constant 15 : index
    %swap3A_832 = arith.constant 0 : index
    %swap3A_833 = arith.constant 0 : index
    %swap3A_834 = vector.load %arg12[%swap3A_831, %swap3A_832, %swap3A_833] : memref<16x20x64xf32, #tpu.memory_space<vmem>>, vector<1x20x64xf32>
    %swap3A_835 = vector.shape_cast %swap3A_834 : vector<1x20x64xf32> to vector<20x64xf32>
    %swap3A_836 = vector.shape_cast %slice3A_830 : vector<20x64xf32> to vector<1x20x64xf32>
    tpu.vector_store %arg12[%swap3A_831, %swap3A_832, %swap3A_833], %swap3A_836 {strides = array<i32>} : memref<16x20x64xf32, #tpu.memory_space<vmem>>, vector<1x20x64xf32>,
    %slice3A_837 = vector.extract_strided_slice %add3A_510 {offsets = [300, 0], sizes = [20, 64], strides = [1, 1]} : vector<320x64xf32> to vector<20x64xf32>
    %swap3A_838 = arith.constant 15 : index
    %swap3A_839 = arith.constant 0 : index
    %swap3A_840 = arith.constant 0 : index
    %swap3A_841 = vector.load %arg13[%swap3A_838, %swap3A_839, %swap3A_840] : memref<16x20x64xf32, #tpu.memory_space<vmem>>, vector<1x20x64xf32>
    %swap3A_842 = vector.shape_cast %swap3A_841 : vector<1x20x64xf32> to vector<20x64xf32>
    %swap3A_843 = vector.shape_cast %slice3A_837 : vector<20x64xf32> to vector<1x20x64xf32>
    tpu.vector_store %arg13[%swap3A_838, %swap3A_839, %swap3A_840], %swap3A_843 {strides = array<i32>} : memref<16x20x64xf32, #tpu.memory_space<vmem>>, vector<1x20x64xf32>,
    %slice3A_844 = vector.extract_strided_slice %add3A_514 {offsets = [300, 0], sizes = [20, 64], strides = [1, 1]} : vector<320x64xf32> to vector<20x64xf32>
    %swap3A_845 = arith.constant 15 : index
    %swap3A_846 = arith.constant 0 : index
    %swap3A_847 = arith.constant 0 : index
    %swap3A_848 = vector.load %arg14[%swap3A_845, %swap3A_846, %swap3A_847] : memref<16x20x64xf32, #tpu.memory_space<vmem>>, vector<1x20x64xf32>
    %swap3A_849 = vector.shape_cast %swap3A_848 : vector<1x20x64xf32> to vector<20x64xf32>
    %swap3A_850 = vector.shape_cast %slice3A_844 : vector<20x64xf32> to vector<1x20x64xf32>
    tpu.vector_store %arg14[%swap3A_845, %swap3A_846, %swap3A_847], %swap3A_850 {strides = array<i32>} : memref<16x20x64xf32, #tpu.memory_space<vmem>>, vector<1x20x64xf32>,
    return
  }
  func.func @transform_0(%arg0: i32) -> (i32, i32) {
    %c0_i32 = arith.constant 0 : i32
    %c0_i32_0 = arith.constant 0 : i32
    return %arg0, %c0_i32 : i32, i32
  }
  func.func @transform_1(%arg0: i32) -> (i32, i32) {
    %c0_i32 = arith.constant 0 : i32
    %c0_i32_0 = arith.constant 0 : i32
    return %arg0, %c0_i32 : i32, i32
  }
  func.func @transform_2(%arg0: i32) -> (i32, i32, i32) {
    %c0_i32 = arith.constant 0 : i32
    %c0_i32_0 = arith.constant 0 : i32
    %c0_i32_1 = arith.constant 0 : i32
    return %arg0, %c0_i32, %c0_i32_0 : i32, i32, i32
  }
  func.func @transform_3(%arg0: i32) -> (i32, i32, i32) {
    %c0_i32 = arith.constant 0 : i32
    %c0_i32_0 = arith.constant 0 : i32
    %c0_i32_1 = arith.constant 0 : i32
    return %arg0, %c0_i32, %c0_i32_0 : i32, i32, i32
  }
  func.func @transform_4(%arg0: i32) -> (i32, i32) {
    %c0_i32 = arith.constant 0 : i32
    %c0_i32_0 = arith.constant 0 : i32
    %c0_i32_1 = arith.constant 0 : i32
    return %c0_i32, %c0_i32_0 : i32, i32
  }
  func.func @transform_5(%arg0: i32) -> (i32, i32, i32) {
    %c0_i32 = arith.constant 0 : i32
    %c0_i32_0 = arith.constant 0 : i32
    %c0_i32_1 = arith.constant 0 : i32
    %c0_i32_2 = arith.constant 0 : i32
    return %c0_i32, %c0_i32_0, %c0_i32_1 : i32, i32, i32
  }
  func.func @transform_6(%arg0: i32) -> (i32, i32, i32) {
    %c0_i32 = arith.constant 0 : i32
    %c0_i32_0 = arith.constant 0 : i32
    %c0_i32_1 = arith.constant 0 : i32
    %c0_i32_2 = arith.constant 0 : i32
    return %c0_i32, %c0_i32_0, %c0_i32_1 : i32, i32, i32
  }
  func.func @transform_7(%arg0: i32) -> (i32, i32) {
    %c0_i32 = arith.constant 0 : i32
    %c0_i32_0 = arith.constant 0 : i32
    %c0_i32_1 = arith.constant 0 : i32
    return %c0_i32, %c0_i32_0 : i32, i32
  }
  func.func @transform_8(%arg0: i32) -> (i32, i32) {
    %c0_i32 = arith.constant 0 : i32
    %c0_i32_0 = arith.constant 0 : i32
    %c0_i32_1 = arith.constant 0 : i32
    return %c0_i32, %c0_i32_0 : i32, i32
  }
  func.func @transform_9(%arg0: i32) -> (i32, i32) {
    %c0_i32 = arith.constant 0 : i32
    %c0_i32_0 = arith.constant 0 : i32
    %c0_i32_1 = arith.constant 0 : i32
    return %c0_i32, %c0_i32_0 : i32, i32
  }
  func.func @transform_10(%arg0: i32) -> (i32, i32) {
    %c0_i32 = arith.constant 0 : i32
    %c0_i32_0 = arith.constant 0 : i32
    %c0_i32_1 = arith.constant 0 : i32
    return %c0_i32, %c0_i32_0 : i32, i32
  }
  func.func @transform_11(%arg0: i32) -> (i32, i32, i32) {
    %c0_i32 = arith.constant 0 : i32
    %c0_i32_0 = arith.constant 0 : i32
    %c0_i32_1 = arith.constant 0 : i32
    return %arg0, %c0_i32, %c0_i32_0 : i32, i32, i32
  }
  func.func @transform_12(%arg0: i32) -> (i32, i32, i32) {
    %c0_i32 = arith.constant 0 : i32
    %c0_i32_0 = arith.constant 0 : i32
    %c0_i32_1 = arith.constant 0 : i32
    return %arg0, %c0_i32, %c0_i32_0 : i32, i32, i32
  }
  func.func @transform_13(%arg0: i32) -> (i32, i32, i32) {
    %c0_i32 = arith.constant 0 : i32
    %c0_i32_0 = arith.constant 0 : i32
    %c0_i32_1 = arith.constant 0 : i32
    return %arg0, %c0_i32, %c0_i32_0 : i32, i32, i32
  }
}

</mosaic_0001>

<sc_bundles>
// kernel: kernel.4.cloned.1.call-start
scs
__scs_entry_jumppad:
0x0: {  	(pc) =	sbr.rel $0x88, $3  }
0x1: {  	(tag) =	ssettag $0x0;
	lr =	simm.s32 $0x1  }
0x2: {  	[smem:$0x3F91] =	sst lr;
	_ =	strace $0xD0000000  }
0x3: {  	_ = 	snop  }
0x4: {  	_ = 	snop  }
0x5: {  	_ = 	snop  }
0x6: {  	_ = 	snop  }
0x7: {  	_ = 	snop  }
__scs_overlays_trampoline_lowered:
0x8: {  	[smem:$0x3FA0] =	sst s0  }
0x9: {  	[smem:$0x3FA1] =	sst s1  }
0xa: {  	[smem:$0x3FA2] =	sst s2  }
0xb: {  	[smem:$0x3FA3] =	sst s3  }
0xc: {  	[smem:$0x3FA4] =	sst s4  }
0xd: {  	[smem:$0x3FA5] =	sst s5  }
0xe: {  	[smem:$0x3FA6] =	sst s6  }
0xf: {  	[smem:$0x3FA7] =	sst s7  }
0x10: {  	[smem:$0x3FA8] =	sst s8  }
0x11: {  	[smem:$0x3FA9] =	sst s9;
	s0 =	simm.s32 @!p0 $0x0  }
0x12: {  	s1 =	sld [smem:$0x3F8F];
	s0 =	simm.s32 @p0 $0x1  }
0x13: {  	[smem:$0x3FAA] =	sst s0;
	s0 =	simm.s32 @!p1 $0x0  }
0x14: {  	s2 =	sld [smem:$0x3F8E];
	s0 =	simm.s32 @p1 $0x1  }
0x15: {  	[smem:$0x3FAB] =	sst s0;
	s0 =	simm.s32 @!p2 $0x0  }
0x16: {  	s3 =	sld [smem:$0x3FDB];
	s0 =	simm.s32 @p2 $0x1  }
0x17: {  	s4 =	simm.s32 $0x1BF5;
	[smem:$0x3FAD] =	sst s0  }
0x18: {  	s0 =	sld [smem:$0x3F90];
	_ =	swait.ge [sflag:s4], $0x0  }
0x19: {  	s7 =	sld [smem:$0x3F91]  }
0x1a: {  	s8 =	sadd.s32 $0xFFFFE003, lr  }
0x1b: {  	s9 =	sadd.s32 $0xFFFFFEF7, lr;
	s5 =	simm.s32 $0xFFFFFFFF;
	p2 =	slt.u32 s8, $0xFFFFF086  }
0x1c: {  	p1 =	slt.u32 s9, $0xF7A;
	s5 =	simm.s32 @!p2 $0x0  }
0x1d: {  	s5 =	simm.s32 @p1 $0x1;
	p0 =	seq.s32 s7, s2  }
0x1e: {  	s7 =	smul.u32 @!p0 $0xF7A, s2;
	p2 =	seq.s32 @!p0 s5, $0x0  }
0x1f: {  	s9 =	smul.u32 $0xF7A, s1;
	s8 =	simm.s32 @!p0 $0x1BF5;
	p2 =	por !p2, p0  }
0x20: {  	[sflag:s8] =	ssyncset.s32 @!p0 $0xFFFFF086;
	s6 =	sadd.s32 @!p0 s3, s7;
	s7 =	simm.s32 @!p0 $0x108  }
0x21: {  	s3 =	sadd.s32 s3, s9;
	s6 =	sadd.s32 @!p0 $0x88, s6;
	s7 =	simm.s32 @p2 $0x1082  }
0x22: {  	[simem:s7], [sflag:s8] =	dma.local @!p0 [hbm:s6], $0xF7A  }
0x23: {  	s9 =	sor.u32 $0xD0000000, s2;
	s6 =	simm.s32 $0x108;
	_ =	swait.ge @!p0 [sflag:s8], $0x0  }
0x24: {  	s3 =	sadd.s32 $0x88, s3;
	s6 =	simm.s32 @!p1 $0x1082;
	[sflag:s4] =	ssyncset.s32 $0xFFFFF086  }
0x25: {  	[simem:s6], [sflag:s4] =	dma.local [hbm:s3], $0xF7A  }
0x26: {  	[smem:$0x3F91] =	sst s1;
	(tag) =	ssettag s2;
	_ =	strace s9  }
0x27: {  	s1 =	sld [smem:$0x3FA1]  }
0x28: {  	s2 =	sld [smem:$0x3FA2]  }
0x29: {  	s4 =	sld [smem:$0x3FA4]  }
0x2a: {  	p0 =	seq.s32 s5, $0x0;
	s5 =	sld [smem:$0x3FA5]  }
0x2b: {  	s6 =	sld [smem:$0x3FA6]  }
0x2c: {  	s7 =	sld [smem:$0x3FA7]  }
0x2d: {  	s3 =	simm.s32 $0x108;
	s8 =	sld [smem:$0x3FA8]  }
0x2e: {  	s3 =	simm.s32 @!p0 $0x1082;
	s9 =	sld [smem:$0x3FA9]  }
0x2f: {  	lr =	sadd.s32 s0, s3;
	s0 =	sld [smem:$0x3FA0]  }
0x30: {  	s3 =	sld [smem:$0x3FA3]  }
0x31: {  	[smem:$0x3FAC] =	sst s10  }
0x32: {  	s10 =	sld [smem:$0x3FAA];
	_ =	sdelay $0x3  }
0x33: {  	p0 =	seq.s32 s10, $0x1;
	s10 =	sld [smem:$0x3FAC];
	_ =	sdelay $0x3  }
0x34: {  	[smem:$0x3FAC] =	sst s10  }
0x35: {  	s10 =	sld [smem:$0x3FAB];
	_ =	sdelay $0x3  }
0x36: {  	p1 =	seq.s32 s10, $0x1;
	s10 =	sld [smem:$0x3FAC];
	_ =	sdelay $0x3  }
0x37: {  	[smem:$0x3FAC] =	sst s10  }
0x38: {  	s10 =	sld [smem:$0x3FAD]  }
0x39: {  	_ = 	snop;
	(pc) =	sbr.ind lr, $3  }
0x3a: {  	_ = 	snop  }
0x3b: {  	_ = 	snop  }
0x3c: {  	p2 =	seq.s32 s10, $0x1;
	s10 =	sld [smem:$0x3FAC]  }
0x3d: {  	_ =	shalt  }
0x3e: {  	_ =	shalt  }
0x3f: {  	_ =	shalt  }
0x40: {  	_ =	shalt  }
0x41: {  	_ =	shalt  }
0x42: {  	_ =	shalt  }
0x43: {  	_ =	shalt  }
0x44: {  	_ =	shalt  }
0x45: {  	_ =	shalt  }
0x46: {  	_ =	shalt  }
0x47: {  	_ =	shalt  }
0x48: {  	_ =	shalt  }
0x49: {  	_ =	shalt  }
0x4a: {  	_ =	shalt  }
0x4b: {  	_ =	shalt  }
0x4c: {  	_ =	shalt  }
0x4d: {  	_ =	shalt  }
0x4e: {  	_ =	shalt  }
0x4f: {  	_ =	shalt  }
0x50: {  	_ =	shalt  }
0x51: {  	_ =	shalt  }
0x52: {  	_ =	shalt  }
0x53: {  	_ =	shalt  }
0x54: {  	_ =	shalt  }
0x55: {  	_ =	shalt  }
0x56: {  	_ =	shalt  }
0x57: {  	_ =	shalt  }
0x58: {  	_ =	shalt  }
0x59: {  	_ =	shalt  }
0x5a: {  	_ =	shalt  }
0x5b: {  	_ =	shalt  }
0x5c: {  	_ =	shalt  }
0x5d: {  	_ =	shalt  }
0x5e: {  	_ =	shalt  }
0x5f: {  	_ =	shalt  }
0x60: {  	_ =	shalt  }
0x61: {  	_ =	shalt  }
0x62: {  	_ =	shalt  }
0x63: {  	_ =	shalt  }
0x64: {  	_ =	shalt  }
0x65: {  	_ =	shalt  }
0x66: {  	_ =	shalt  }
0x67: {  	_ =	shalt  }
0x68: {  	_ =	shalt  }
0x69: {  	_ =	shalt  }
0x6a: {  	_ =	shalt  }
0x6b: {  	_ =	shalt  }
0x6c: {  	_ =	shalt  }
0x6d: {  	_ =	shalt  }
0x6e: {  	_ =	shalt  }
0x6f: {  	_ =	shalt  }
0x70: {  	_ =	shalt  }
0x71: {  	_ =	shalt  }
0x72: {  	_ =	shalt  }
0x73: {  	_ =	shalt  }
0x74: {  	_ =	shalt  }
0x75: {  	_ =	shalt  }
0x76: {  	_ =	shalt  }
0x77: {  	_ =	shalt  }
0x78: {  	_ =	shalt  }
0x79: {  	_ =	shalt  }
0x7a: {  	_ =	shalt  }
0x7b: {  	_ =	shalt  }
0x7c: {  	_ =	shalt  }
0x7d: {  	_ =	shalt  }
0x7e: {  	_ =	shalt  }
0x7f: {  	_ =	shalt  }
0x80: {  	_ =	shalt  }
0x81: {  	_ =	shalt  }
0x82: {  	_ =	shalt  }
0x83: {  	_ =	shalt  }
0x84: {  	_ =	shalt  }
0x85: {  	_ =	shalt  }
0x86: {  	_ =	shalt  }
0x87: {  	_ =	shalt  }
.Lfunc_end0:
.L_simem_size_0:
called_computation_lowered:
.L_overlay_start_0:
0x88: {  	s2 =	sld [smem:$0x3FD9]  }
0x89: {  	s3 =	sld [smem:$0x3FFE];
	_ =	sdelay $0x1  }
0x8a: {  	s1 =	srdreg.scid  }
0x8b: {  	s0 =	sand.u32 $0x1, s1  }
0x8c: {  	s14 =	sshll.u32 s0, $0xA;
	s2 =	sadd.s32 s3, s2  }
0x8d: {  	s2 =	sadd.s32 s2, s14  }
0x8e: {  	[smem:$0x3FB8] =	sst s2  }
0x8f: {  	_ = 	snop  }
0x90: {  	s2 =	sld [smem:$0x3FD0];
	_ =	sdelay $0x2  }
0x91: {  	s15 =	simm.s32 $0xA;
	s4 =	simm.s32 $0x10  }
0x92: {  	[smem:s4], [sflag:s15] =	dma.local [hbm:s2], $0x1  }
0x93: {  	_ =	swait.eq [sflag:s15], $0x1  }
0x94: {  	s16 =	sld [smem:$0x10];
	[sflag:s15] =	ssyncset.done $0x0  }
0x95: {  	s17 =	sld [smem:$0x11];
	[sflag:s15] =	ssyncadd.s32 $0xFFFFFFFF  }
0x96: {  	s18 =	sld [smem:$0x12];
	(tm) =	ssettm $0x1  }
0x97: {  	s5 =	sld [smem:$0x3FFB];
	_ =	sdelay $0x3  }
0x98: {  	_ =	strace s5  }
0x99: {  	s5 =	sld [smem:$0x3FFC];
	_ =	sdelay $0x3  }
0x9a: {  	_ =	strace s5  }
0x9b: {  	s5 =	sld [smem:$0x3FFD];
	_ =	sdelay $0x3  }
0x9c: {  	_ =	strace s5  }
0x9d: {  	_ =	strace $0x8FFFFFFF  }
0x9e: {  	s19 =	sld [smem:$0x3FDB];
	_ =	sdelay $0x1  }
0x9f: {  	s6 =	simm.s32 $_scs_section_size  }
0xa0: {  	s7 =	simm.s32 $_size__tile_overlayer_lowered;
	s8 =	simm.s32 $_tile_overlayer_lowered  }
0xa1: {  	s22 =	simm.s32 $0x1BFF;
	s21 =	sshll.u32 s8, $0x1;
	s5 =	sadd.s32 s6, s19  }
0xa2: {  	s9 =	simm.s32 $0x0;
	s20 =	sshll.u32 s7, $0x1;
	s7 =	sadd.s32 s21, s5  }
0xa3: {  	[timem:s9], [sflag:s22] =	dma.local [hbm:s7], s20  }
0xa4: {  	_ =	swait.ge [sflag:s22], s20  }
0xa5: {  	s6 =	ssub.s32 $0x0, s20;
	[sflag:s22] =	ssyncset.done $0x0  }
0xa6: {  	[sflag:s22] =	ssyncadd.s32 s6;
	_ =	sdelay $0x1  }
0xa7: {  	s23 =	simm.s32 $0x1B8B  }
0xa8: {  	_ =	swait.ge [sflag:s23], $0x1  }
0xa9: {  	[sflag:s23] =	ssyncset.done $0x0  }
0xaa: {  	s25 =	simm.s32 $0x1B8E;
	s24 =	sld [smem:$0x3FFE];
	[sflag:s23] =	ssyncadd.s32 $0xFFFFFFFF  }
0xab: {  	s26 =	simm.s32 $execute0_lowered;
	[smem:$0x3FD2] =	sst s25  }
0xac: {  	s7 =	sshll.u32 s26, $0x1;
	_ =	strace $0x80000046;
	[dreg:$0x1] =	wrdreg $0xFFFFFFFF  }
0xad: {  	s28 =	simm.s32 $_size_execute0_lowered;
	s5 =	sadd.s32 s5, s7;
	[dreg:$0x0] =	wrdreg $0x0  }
0xae: {  	s7 =	sshll.u32 s28, $0x1;
	[dreg:$0x2] =	wrdreg s5  }
0xaf: {  	[dreg:$0x3] =	wrdreg s7  }
0xb0: {  	[dreg:$0x4] =	wrdreg $0xC0  }
0xb1: {  	_ =	task [dreg:s9], $0x5FFFF  }
0xb2: {  	[dreg:$0x1] =	wrdreg $0xFFFFFFFF  }
0xb3: {  	[dreg:$0x0] =	wrdreg $0x60  }
0xb4: {  	[dreg:$0x2] =	wrdreg s24  }
0xb5: {  	[dreg:$0x3] =	wrdreg s17  }
0xb6: {  	[dreg:$0x4] =	wrdreg s16  }
0xb7: {  	[dreg:$0x5] =	wrdreg s18  }
0xb8: {  	[dreg:$0x6] =	wrdreg $0x9  }
0xb9: {  	_ =	task.clear_ibuf [dreg:s9], $0x7FFFF;
	_ =	strace $0x90000046  }
0xba: {  	s29 =	simm.s32 $0x9;
	_ =	strace $0x80000048  }
0xbb: {  	_ =	swait.ge [sflag:s29], $0x1  }
0xbc: {  	[sflag:s29] =	ssyncadd.s32 $0xFFFFFFFF  }
0xbd: {  	_ =	strace $0x90000048  }
0xbe: {  	_ =	sfence  }
0xbf: {  	s30 =	sld [smem:$0x0];
	_ =	sdelay $0x2  }
0xc0: {  	s31 =	sshll.u32 s1, $0xD;
	s1 =	sshrl.u32 s1, $0x2  }
0xc1: {  	s3 =	sand.u32 $0x4000, s31;
	s1 =	sadd.s32 s1, s30  }
0xc2: {  	s0 =	sor.u32 s3, s0;
	s1 =	sshll.u32 s1, $0x11  }
0xc3: {  	s0 =	sor.u32 s1, s0  }
0xc4: {  	s0 =	sadd.s32 $0x8F2B, s0  }
0xc5: {  	[sflag:s0] =	ssyncadd.remote.s32 $0x1  }
0xc6: {  	_ =	sfence.sel $0xFFFF  }
0xc7: {  	[dreg:$0x0] =	wrdreg $0xFFFFFFFF;
	(pc) =	sbr.abs _section_cstart, $3  }
0xc8: {  	[dreg:$0x1] =	wrdreg $0xFFFFFFFF  }
0xc9: {  	_ =	task.clear_ibuf [dreg:s9], $0x2FFFF;
	_ =	strace $0x9FFFFFFF  }
0xca: {  	(tm) =	ssettm $0x7FFFFFFF  }
0xcb: {  	_ =	shalt  }
tec
execute0_lowered:
.L_overlay_start_1:
0x0: {  	(tag) =	ssettag $0x1  }
0x1: {  	s0 =	rddreg [dreg:$0x0]  }
0x2: {  	s1 =	rddreg [dreg:$0x1]  }
0x3: {  	s5 =	rddreg [dreg:$0x2];
	s2 =	srdreg.scid  }
0x4: {  	s4 =	stileid.u32;
	s7 =	rddreg [dreg:$0x3]  }
0x5: {  	s11 =	simm.s32 $0x80;
	s12 =	simm.s32 $0x500;
	s17 =	simm.s32 $0x100  }
0x6: {  	s18 =	simm.s32 $0x4500;
	s19 =	simm.s32 $0x380;
	s20 =	simm.s32 $0xE500  }
0x7: {  	s21 =	simm.s32 $0x180;
	s22 =	simm.s32 $0x6500;
	s23 =	simm.s32 $0x400  }
0x8: {  	s24 =	simm.s32 $0x10500;
	s25 =	simm.s32 $0x200;
	s28 =	simm.s32 $0x480  }
0x9: {  	s29 =	simm.s32 $0x12500;
	s3 =	sand.u32 $0x1, s2;
	s4 =	sshll.u32 s4, $0x1  }
0xa: {  	s30 =	simm.s32 $0x1;
	s2 =	simm.s32 $0x0;
	s6 =	sor.u32 s3, s4  }
0xb: {  	[smem:$0x7FF] =	sst s2;
	s8 =	ssub.s32 $0x2, s3;
	s3 =	sadd.s32 $0x18A600, s0  }
0xc: {  	s31 =	simm.s32 $0x40;
	s4 =	smul.u32 $0x2800, s6;
	_ =	strace $0x80000047  }
0xd: {  	s9 =	sshrl.u32 s8, $0x1;
	s10 =	smul.u32 $0x50, s6;
	s26 =	sshll.u32 s6, $0x9  }
0xe: {  	s8 =	ssub.s32 s8, s9;
	s7 =	sadd.s32 s7, s26;
	s9 =	simm.s32 $0x2  }
0xf: {  	s26 =	simm.s32 $0x8500;
	s0 =	sadd.s32 s4, s0;
	s4 =	sadd.s32 s1, s10  }
0x10: {  	s5 =	sadd.s32 s5, s10;
	s8 =	smax.u32 s8, $0x1;
	s10 =	simm.s32 $0x280  }
0x11: {  	s1 =	simm.s32 $0x14500;
	s6 =	sadd.s32 $0x3C00, s0;
	s0 =	simm.s32 $0x0  }
.LBB2_1:
0x12: {  	[tilespmem:s2], [sflag:$0x2] =	stream.linear.gather [hbm4b:s4+s2], $0x280, $0x38;
	[tilespmem:$0x14D00] =	vst v63  }
0x13: {  	_ =	swait.ge [sflag:s9], $0x280  }
0x14: {  	[sflag:s9] =	ssyncset.done $0x0  }
0x15: {  	[sflag:s9] =	ssyncadd.s32 $0xFFFFFD80  }
0x16: {  	[tilespmem:s10], [sflag:$0x2] =	stream.linear.gather [hbm4b:s5+s2], $0x280, $0x38;
	[tilespmem:$0x14D00] =	vst v63  }
0x17: {  	_ =	swait.ge [sflag:s9], $0x280  }
0x18: {  	[sflag:s9] =	ssyncset.done $0x0  }
0x19: {  	[sflag:s9] =	ssyncadd.s32 $0xFFFFFD80  }
0x1a: {  	[tilespmem:s12], [sflag:$0x1] =	stream.indirect.gather [hbm4b:s3+s11], $0x40, s2, s11, $0xb8;
	[tilespmem:$0x14D00] =	vst v63  }
0x1b: {  	s13 =	simm.s32 $0xA500  }
0x1c: {  	[tilespmem:s13], [sflag:$0x1] =	stream.indirect.gather [hbm4b:s3+s11], $0x40, s10, s11, $0xb8;
	[tilespmem:$0x14D00] =	vst v63  }
0x1d: {  	s15 =	simm.s32 $0x2500  }
0x1e: {  	[tilespmem:s15], [sflag:$0x1] =	stream.indirect.gather [hbm4b:s3+s11], $0x40, s11, s11, $0xb8;
	[tilespmem:$0x14D00] =	vst v63  }
0x1f: {  	s16 =	simm.s32 $0x300;
	s14 =	simm.s32 $0xC500  }
0x20: {  	[tilespmem:s14], [sflag:$0x1] =	stream.indirect.gather [hbm4b:s3+s11], $0x40, s16, s11, $0xb8;
	[tilespmem:$0x14D00] =	vst v63  }
0x21: {  	_ = 	snop  }
0x22: {  	[tilespmem:s18], [sflag:$0x1] =	stream.indirect.gather [hbm4b:s3+s11], $0x40, s17, s11, $0xb8;
	[tilespmem:$0x14D00] =	vst v63  }
0x23: {  	_ = 	snop  }
0x24: {  	[tilespmem:s20], [sflag:$0x1] =	stream.indirect.gather [hbm4b:s3+s11], $0x40, s19, s11, $0xb8;
	[tilespmem:$0x14D00] =	vst v63  }
0x25: {  	_ = 	snop  }
0x26: {  	[tilespmem:s22], [sflag:$0x1] =	stream.indirect.gather [hbm4b:s3+s11], $0x40, s21, s11, $0xb8;
	[tilespmem:$0x14D00] =	vst v63  }
0x27: {  	_ = 	snop  }
0x28: {  	[tilespmem:s24], [sflag:$0x1] =	stream.indirect.gather [hbm4b:s3+s11], $0x40, s23, s11, $0xb8;
	[tilespmem:$0x14D00] =	vst v63  }
0x29: {  	_ = 	snop  }
0x2a: {  	[tilespmem:s26], [sflag:$0x1] =	stream.indirect.gather [hbm4b:s3+s11], $0x40, s25, s11, $0xb8;
	[tilespmem:$0x14D00] =	vst v63  }
0x2b: {  	_ = 	snop  }
0x2c: {  	[tilespmem:s29], [sflag:$0x1] =	stream.indirect.gather [hbm4b:s3+s11], $0x40, s28, s11, $0xb8;
	[tilespmem:$0x14D00] =	vst v63  }
0x2d: {  	_ =	swait.ge [sflag:s30], $0x2000  }
0x2e: {  	[sflag:s30] =	ssyncset.done $0x0  }
0x2f: {  	[sflag:s30] =	ssyncadd.s32 $0xFFFFE000  }
0x30: {  	_ =	swait.ge [sflag:s30], $0x2000  }
0x31: {  	[sflag:s30] =	ssyncset.done $0x0  }
0x32: {  	[sflag:s30] =	ssyncadd.s32 $0xFFFFE000  }
0x33: {  	_ =	swait.ge [sflag:s30], $0x2000  }
0x34: {  	[sflag:s30] =	ssyncset.done $0x0  }
0x35: {  	[sflag:s30] =	ssyncadd.s32 $0xFFFFE000  }
0x36: {  	_ =	swait.ge [sflag:s30], $0x2000  }
0x37: {  	[sflag:s30] =	ssyncset.done $0x0  }
0x38: {  	[sflag:s30] =	ssyncadd.s32 $0xFFFFE000  }
0x39: {  	_ =	swait.ge [sflag:s30], $0x2000  }
0x3a: {  	[sflag:s30] =	ssyncset.done $0x0  }
0x3b: {  	[sflag:s30] =	ssyncadd.s32 $0xFFFFE000  }
0x3c: {  	_ =	swait.ge [sflag:s30], $0x2000  }
0x3d: {  	[sflag:s30] =	ssyncset.done $0x0  }
0x3e: {  	[sflag:s30] =	ssyncadd.s32 $0xFFFFE000  }
0x3f: {  	_ =	swait.ge [sflag:s30], $0x2000  }
0x40: {  	[sflag:s30] =	ssyncset.done $0x0  }
0x41: {  	[sflag:s30] =	ssyncadd.s32 $0xFFFFE000  }
0x42: {  	_ =	swait.ge [sflag:s30], $0x2000  }
0x43: {  	[sflag:s30] =	ssyncset.done $0x0  }
0x44: {  	[sflag:s30] =	ssyncadd.s32 $0xFFFFE000  }
0x45: {  	_ =	swait.ge [sflag:s30], $0x2000  }
0x46: {  	[sflag:s30] =	ssyncset.done $0x0  }
0x47: {  	[sflag:s30] =	ssyncadd.s32 $0xFFFFE000  }
0x48: {  	_ =	swait.ge [sflag:s30], $0x2000  }
0x49: {  	[sflag:s30] =	ssyncset.done $0x0  }
0x4a: {  	s13 =	simm.s32 $0xA780;
	[sflag:s30] =	ssyncadd.s32 $0xFFFFE000  }
0x4b: {  	[hbm4b:s6+s31] =	stream.strided.scatter [tilespmem:s12], [sflag:$0x1], $0xA000, s11, s31, $0x38;
	[tilespmem:$0x14D00] =	vst v63  }
0x4c: {  	v0 =	vld [tilespmem:s13+$0xFFFFFDC0]  }
0x4d: {  	v1 =	vld [tilespmem:s13+$0xFFFFFD80];
	_ =	sdelay $0x1  }
0x4e: {  	v2 =	vld [tilespmem:s13+$0xFFFFFE00];
	_ =	sdelay $0x1  }
0x4f: {  	v3 =	vld [tilespmem:s13+$0xFFFFFE40]  }
0x50: {  	v0 =	vadd.f32 v0, v1  }
0x51: {  	v1 =	vld [tilespmem:s13+$0xFFFFFE80]  }
0x52: {  	v0 =	vadd.f32 v2, v0  }
0x53: {  	v2 =	vld [tilespmem:s13+$0xFFFFFEC0]  }
0x54: {  	v0 =	vadd.f32 v3, v0  }
0x55: {  	v3 =	vld [tilespmem:s13+$0xFFFFFF00]  }
0x56: {  	v0 =	vadd.f32 v1, v0  }
0x57: {  	v1 =	vld [tilespmem:s13+$0xFFFFFF40]  }
0x58: {  	v0 =	vadd.f32 v2, v0  }
0x59: {  	v2 =	vld [tilespmem:s13+$0xFFFFFF80]  }
0x5a: {  	v0 =	vadd.f32 v3, v0  }
0x5b: {  	v3 =	vld [tilespmem:s13+$0xFFFFFFC0]  }
0x5c: {  	v0 =	vadd.f32 v1, v0  }
0x5d: {  	v1 =	vld [tilespmem:s13+$0x0]  }
0x5e: {  	v0 =	vadd.f32 v2, v0  }
0x5f: {  	v2 =	vld [tilespmem:s13+$0x40]  }
0x60: {  	v0 =	vadd.f32 v3, v0  }
0x61: {  	v3 =	vld [tilespmem:s13+$0x80]  }
0x62: {  	v0 =	vadd.f32 v1, v0  }
0x63: {  	v1 =	vld [tilespmem:s13+$0xC0]  }
0x64: {  	v0 =	vadd.f32 v2, v0  }
0x65: {  	v2 =	vld [tilespmem:s13+$0x100]  }
0x66: {  	v0 =	vadd.f32 v3, v0  }
0x67: {  	v3 =	vld [tilespmem:s13+$0x140]  }
0x68: {  	v0 =	vadd.f32 v1, v0  }
0x69: {  	v1 =	vld [tilespmem:s13+$0x180]  }
0x6a: {  	v0 =	vadd.f32 v2, v0  }
0x6b: {  	v2 =	vld [tilespmem:s13+$0x1C0]  }
0x6c: {  	v0 =	vadd.f32 v3, v0  }
0x6d: {  	v3 =	vld [tilespmem:s13+$0x200]  }
0x6e: {  	v0 =	vadd.f32 v1, v0  }
0x6f: {  	v1 =	vld [tilespmem:s13+$0x240]  }
0x70: {  	v0 =	vadd.f32 v2, v0;
	_ =	sdelay $0x1  }
0x71: {  	v0 =	vadd.f32 v3, v0;
	_ =	sdelay $0x1  }
0x72: {  	v0 =	vadd.f32 v1, v0  }
0x73: {  	s14 =	simm.s32 $0x0  }
0x74: {  	[tilespmem:s14+$0x14500] =	vst v0  }
0x75: {  	v0 =	vld [tilespmem:s13+$0xFFFFFD90]  }
0x76: {  	v1 =	vld [tilespmem:s13+$0xFFFFFDD0];
	_ =	sdelay $0x1  }
0x77: {  	v2 =	vld [tilespmem:s13+$0xFFFFFE10];
	_ =	sdelay $0x1  }
0x78: {  	v3 =	vld [tilespmem:s13+$0xFFFFFE50]  }
0x79: {  	v0 =	vadd.f32 v1, v0  }
0x7a: {  	v1 =	vld [tilespmem:s13+$0xFFFFFE90]  }
0x7b: {  	v0 =	vadd.f32 v2, v0  }
0x7c: {  	v2 =	vld [tilespmem:s13+$0xFFFFFED0]  }
0x7d: {  	v0 =	vadd.f32 v3, v0  }
0x7e: {  	v3 =	vld [tilespmem:s13+$0xFFFFFF10]  }
0x7f: {  	v0 =	vadd.f32 v1, v0  }
0x80: {  	v1 =	vld [tilespmem:s13+$0xFFFFFF50]  }
0x81: {  	v0 =	vadd.f32 v2, v0  }
0x82: {  	v2 =	vld [tilespmem:s13+$0xFFFFFF90]  }
0x83: {  	v0 =	vadd.f32 v3, v0  }
0x84: {  	v3 =	vld [tilespmem:s13+$0xFFFFFFD0]  }
0x85: {  	v0 =	vadd.f32 v1, v0  }
0x86: {  	v1 =	vld [tilespmem:s13+$0x10]  }
0x87: {  	v0 =	vadd.f32 v2, v0  }
0x88: {  	v2 =	vld [tilespmem:s13+$0x50]  }
0x89: {  	v0 =	vadd.f32 v3, v0  }
0x8a: {  	v3 =	vld [tilespmem:s13+$0x90]  }
0x8b: {  	v0 =	vadd.f32 v1, v0  }
0x8c: {  	v1 =	vld [tilespmem:s13+$0xD0]  }
0x8d: {  	v0 =	vadd.f32 v2, v0  }
0x8e: {  	v2 =	vld [tilespmem:s13+$0x110]  }
0x8f: {  	v0 =	vadd.f32 v3, v0  }
0x90: {  	v3 =	vld [tilespmem:s13+$0x150]  }
0x91: {  	v0 =	vadd.f32 v1, v0  }
0x92: {  	v1 =	vld [tilespmem:s13+$0x190]  }
0x93: {  	v0 =	vadd.f32 v2, v0  }
0x94: {  	v2 =	vld [tilespmem:s13+$0x1D0]  }
0x95: {  	v0 =	vadd.f32 v3, v0  }
0x96: {  	v3 =	vld [tilespmem:s13+$0x210]  }
0x97: {  	v0 =	vadd.f32 v1, v0  }
0x98: {  	v1 =	vld [tilespmem:s13+$0x250]  }
0x99: {  	v0 =	vadd.f32 v2, v0;
	_ =	sdelay $0x1  }
0x9a: {  	v0 =	vadd.f32 v3, v0;
	_ =	sdelay $0x1  }
0x9b: {  	v0 =	vadd.f32 v1, v0;
	_ =	sdelay $0x1  }
0x9c: {  	[tilespmem:s14+$0x14510] =	vst v0  }
0x9d: {  	v0 =	vld [tilespmem:s13+$0xFFFFFDA0]  }
0x9e: {  	v1 =	vld [tilespmem:s13+$0xFFFFFDE0];
	_ =	sdelay $0x1  }
0x9f: {  	v2 =	vld [tilespmem:s13+$0xFFFFFE20];
	_ =	sdelay $0x1  }
0xa0: {  	v3 =	vld [tilespmem:s13+$0xFFFFFE60]  }
0xa1: {  	v0 =	vadd.f32 v1, v0  }
0xa2: {  	v1 =	vld [tilespmem:s13+$0xFFFFFEA0]  }
0xa3: {  	v0 =	vadd.f32 v2, v0  }
0xa4: {  	v2 =	vld [tilespmem:s13+$0xFFFFFEE0]  }
0xa5: {  	v0 =	vadd.f32 v3, v0  }
0xa6: {  	v3 =	vld [tilespmem:s13+$0xFFFFFF20]  }
0xa7: {  	v0 =	vadd.f32 v1, v0  }
0xa8: {  	v1 =	vld [tilespmem:s13+$0xFFFFFF60]  }
0xa9: {  	v0 =	vadd.f32 v2, v0  }
0xaa: {  	v2 =	vld [tilespmem:s13+$0xFFFFFFA0]  }
0xab: {  	v0 =	vadd.f32 v3, v0  }
0xac: {  	v3 =	vld [tilespmem:s13+$0xFFFFFFE0]  }
0xad: {  	v0 =	vadd.f32 v1, v0  }
0xae: {  	v1 =	vld [tilespmem:s13+$0x20]  }
0xaf: {  	v0 =	vadd.f32 v2, v0  }
0xb0: {  	v2 =	vld [tilespmem:s13+$0x60]  }
0xb1: {  	v0 =	vadd.f32 v3, v0  }
0xb2: {  	v3 =	vld [tilespmem:s13+$0xA0]  }
0xb3: {  	v0 =	vadd.f32 v1, v0  }
0xb4: {  	v1 =	vld [tilespmem:s13+$0xE0]  }
0xb5: {  	v0 =	vadd.f32 v2, v0  }
0xb6: {  	v2 =	vld [tilespmem:s13+$0x120]  }
0xb7: {  	v0 =	vadd.f32 v3, v0  }
0xb8: {  	v3 =	vld [tilespmem:s13+$0x160]  }
0xb9: {  	v0 =	vadd.f32 v1, v0  }
0xba: {  	v1 =	vld [tilespmem:s13+$0x1A0]  }
0xbb: {  	v0 =	vadd.f32 v2, v0  }
0xbc: {  	v2 =	vld [tilespmem:s13+$0x1E0]  }
0xbd: {  	v0 =	vadd.f32 v3, v0  }
0xbe: {  	v3 =	vld [tilespmem:s13+$0x220]  }
0xbf: {  	v0 =	vadd.f32 v1, v0  }
0xc0: {  	v1 =	vld [tilespmem:s13+$0x260]  }
0xc1: {  	v0 =	vadd.f32 v2, v0;
	_ =	sdelay $0x1  }
0xc2: {  	v0 =	vadd.f32 v3, v0;
	_ =	sdelay $0x1  }
0xc3: {  	v0 =	vadd.f32 v1, v0;
	_ =	sdelay $0x1  }
0xc4: {  	[tilespmem:s14+$0x14520] =	vst v0  }
0xc5: {  	v0 =	vld [tilespmem:s13+$0xFFFFFDB0]  }
0xc6: {  	v1 =	vld [tilespmem:s13+$0xFFFFFDF0];
	_ =	sdelay $0x1  }
0xc7: {  	v2 =	vld [tilespmem:s13+$0xFFFFFE30];
	_ =	sdelay $0x1  }
0xc8: {  	v3 =	vld [tilespmem:s13+$0xFFFFFE70]  }
0xc9: {  	v0 =	vadd.f32 v1, v0  }
0xca: {  	v1 =	vld [tilespmem:s13+$0xFFFFFEB0]  }
0xcb: {  	v0 =	vadd.f32 v2, v0  }
0xcc: {  	v2 =	vld [tilespmem:s13+$0xFFFFFEF0]  }
0xcd: {  	v0 =	vadd.f32 v3, v0  }
0xce: {  	v3 =	vld [tilespmem:s13+$0xFFFFFF30]  }
0xcf: {  	v0 =	vadd.f32 v1, v0  }
0xd0: {  	v1 =	vld [tilespmem:s13+$0xFFFFFF70]  }
0xd1: {  	v0 =	vadd.f32 v2, v0  }
0xd2: {  	v2 =	vld [tilespmem:s13+$0xFFFFFFB0]  }
0xd3: {  	v0 =	vadd.f32 v3, v0  }
0xd4: {  	v3 =	vld [tilespmem:s13+$0xFFFFFFF0]  }
0xd5: {  	v0 =	vadd.f32 v1, v0  }
0xd6: {  	v1 =	vld [tilespmem:s13+$0x30]  }
0xd7: {  	v0 =	vadd.f32 v2, v0  }
0xd8: {  	v2 =	vld [tilespmem:s13+$0x70]  }
0xd9: {  	v0 =	vadd.f32 v3, v0  }
0xda: {  	v3 =	vld [tilespmem:s13+$0xB0]  }
0xdb: {  	v0 =	vadd.f32 v1, v0  }
0xdc: {  	v1 =	vld [tilespmem:s13+$0xF0]  }
0xdd: {  	v0 =	vadd.f32 v2, v0  }
0xde: {  	v2 =	vld [tilespmem:s13+$0x130]  }
0xdf: {  	v0 =	vadd.f32 v3, v0  }
0xe0: {  	v3 =	vld [tilespmem:s13+$0x170]  }
0xe1: {  	v0 =	vadd.f32 v1, v0  }
0xe2: {  	v1 =	vld [tilespmem:s13+$0x1B0]  }
0xe3: {  	v0 =	vadd.f32 v2, v0;
	_ =	sdelay $0x1  }
0xe4: {  	v2 =	vld [tilespmem:s13+$0x1F0];
	v0 =	vadd.f32 v3, v0;
	_ =	sdelay $0x1  }
0xe5: {  	v3 =	vadd.f32 v1, v0;
	v1 =	vld [tilespmem:s13+$0x230];
	_ =	sdelay $0x1  }
0xe6: {  	v0 =	vld [tilespmem:s13+$0x270]  }
0xe7: {  	s15 =	simm.s32 $0x100;
	v2 =	vadd.f32 v2, v3  }
.LBB2_2:
0xe8: {  	p0 =	sne.s32 s15, $0x1F00  }
0xe9: {  	s13 =	sadd.s32 $0x500, s13;
	s16 =	smov.u32 s15;
	s15 =	sadd.s32 $0x100, s15;
	v1 =	vadd.f32 v1, v2  }
0xea: {  	_ = 	snop  }
0xeb: {  	v0 =	vadd.f32 v0, v1;
	_ =	sdelay $0x1  }
0xec: {  	[tilespmem:s14+$0x14530] =	vst v0  }
0xed: {  	v0 =	vld [tilespmem:s13+$0xFFFFFDC0]  }
0xee: {  	v1 =	vld [tilespmem:s13+$0xFFFFFD80];
	_ =	sdelay $0x1  }
0xef: {  	v2 =	vld [tilespmem:s13+$0xFFFFFE00];
	_ =	sdelay $0x1  }
0xf0: {  	v3 =	vld [tilespmem:s13+$0xFFFFFE40]  }
0xf1: {  	v0 =	vadd.f32 v0, v1  }
0xf2: {  	v1 =	vld [tilespmem:s13+$0xFFFFFE80]  }
0xf3: {  	v0 =	vadd.f32 v2, v0  }
0xf4: {  	v2 =	vld [tilespmem:s13+$0xFFFFFEC0]  }
0xf5: {  	v0 =	vadd.f32 v3, v0  }
0xf6: {  	v3 =	vld [tilespmem:s13+$0xFFFFFF00]  }
0xf7: {  	v0 =	vadd.f32 v1, v0  }
0xf8: {  	v1 =	vld [tilespmem:s13+$0xFFFFFF40]  }
0xf9: {  	v0 =	vadd.f32 v2, v0  }
0xfa: {  	v2 =	vld [tilespmem:s13+$0xFFFFFF80]  }
0xfb: {  	v0 =	vadd.f32 v3, v0  }
0xfc: {  	v3 =	vld [tilespmem:s13+$0xFFFFFFC0]  }
0xfd: {  	v0 =	vadd.f32 v1, v0  }
0xfe: {  	v1 =	vld [tilespmem:s13+$0x0]  }
0xff: {  	v0 =	vadd.f32 v2, v0  }
0x100: {  	v2 =	vld [tilespmem:s13+$0x40]  }
0x101: {  	v0 =	vadd.f32 v3, v0  }
0x102: {  	v3 =	vld [tilespmem:s13+$0x80]  }
0x103: {  	v0 =	vadd.f32 v1, v0  }
0x104: {  	v1 =	vld [tilespmem:s13+$0xC0]  }
0x105: {  	v0 =	vadd.f32 v2, v0  }
0x106: {  	v2 =	vld [tilespmem:s13+$0x100]  }
0x107: {  	v0 =	vadd.f32 v3, v0  }
0x108: {  	v3 =	vld [tilespmem:s13+$0x140]  }
0x109: {  	v0 =	vadd.f32 v1, v0  }
0x10a: {  	v1 =	vld [tilespmem:s13+$0x180]  }
0x10b: {  	v0 =	vadd.f32 v2, v0  }
0x10c: {  	v2 =	vld [tilespmem:s13+$0x1C0]  }
0x10d: {  	v0 =	vadd.f32 v3, v0  }
0x10e: {  	v3 =	vld [tilespmem:s13+$0x200]  }
0x10f: {  	v0 =	vadd.f32 v1, v0  }
0x110: {  	v1 =	vld [tilespmem:s13+$0x240]  }
0x111: {  	v0 =	vadd.f32 v2, v0;
	_ =	sdelay $0x1  }
0x112: {  	v0 =	vadd.f32 v3, v0;
	_ =	sdelay $0x1  }
0x113: {  	v0 =	vadd.f32 v1, v0  }
0x114: {  	s14 =	sshra.s32 s16, $0x2  }
0x115: {  	[tilespmem:s14+$0x14500] =	vst v0  }
0x116: {  	v0 =	vld [tilespmem:s13+$0xFFFFFD90]  }
0x117: {  	v1 =	vld [tilespmem:s13+$0xFFFFFDD0];
	_ =	sdelay $0x1  }
0x118: {  	v2 =	vld [tilespmem:s13+$0xFFFFFE10];
	_ =	sdelay $0x1  }
0x119: {  	v3 =	vld [tilespmem:s13+$0xFFFFFE50]  }
0x11a: {  	v0 =	vadd.f32 v1, v0  }
0x11b: {  	v1 =	vld [tilespmem:s13+$0xFFFFFE90]  }
0x11c: {  	v0 =	vadd.f32 v2, v0  }
0x11d: {  	v2 =	vld [tilespmem:s13+$0xFFFFFED0]  }
0x11e: {  	v0 =	vadd.f32 v3, v0  }
0x11f: {  	v3 =	vld [tilespmem:s13+$0xFFFFFF10]  }
0x120: {  	v0 =	vadd.f32 v1, v0  }
0x121: {  	v1 =	vld [tilespmem:s13+$0xFFFFFF50]  }
0x122: {  	v0 =	vadd.f32 v2, v0  }
0x123: {  	v2 =	vld [tilespmem:s13+$0xFFFFFF90]  }
0x124: {  	v0 =	vadd.f32 v3, v0  }
0x125: {  	v3 =	vld [tilespmem:s13+$0xFFFFFFD0]  }
0x126: {  	v0 =	vadd.f32 v1, v0  }
0x127: {  	v1 =	vld [tilespmem:s13+$0x10]  }
0x128: {  	v0 =	vadd.f32 v2, v0  }
0x129: {  	v2 =	vld [tilespmem:s13+$0x50]  }
0x12a: {  	v0 =	vadd.f32 v3, v0  }
0x12b: {  	v3 =	vld [tilespmem:s13+$0x90]  }
0x12c: {  	v0 =	vadd.f32 v1, v0  }
0x12d: {  	v1 =	vld [tilespmem:s13+$0xD0]  }
0x12e: {  	v0 =	vadd.f32 v2, v0  }
0x12f: {  	v2 =	vld [tilespmem:s13+$0x110]  }
0x130: {  	v0 =	vadd.f32 v3, v0  }
0x131: {  	v3 =	vld [tilespmem:s13+$0x150]  }
0x132: {  	v0 =	vadd.f32 v1, v0  }
0x133: {  	v1 =	vld [tilespmem:s13+$0x190]  }
0x134: {  	v0 =	vadd.f32 v2, v0  }
0x135: {  	v2 =	vld [tilespmem:s13+$0x1D0]  }
0x136: {  	v0 =	vadd.f32 v3, v0  }
0x137: {  	v3 =	vld [tilespmem:s13+$0x210]  }
0x138: {  	v0 =	vadd.f32 v1, v0  }
0x139: {  	v1 =	vld [tilespmem:s13+$0x250]  }
0x13a: {  	v0 =	vadd.f32 v2, v0;
	_ =	sdelay $0x1  }
0x13b: {  	v0 =	vadd.f32 v3, v0;
	_ =	sdelay $0x1  }
0x13c: {  	v0 =	vadd.f32 v1, v0;
	_ =	sdelay $0x1  }
0x13d: {  	[tilespmem:s14+$0x14510] =	vst v0  }
0x13e: {  	v0 =	vld [tilespmem:s13+$0xFFFFFDA0]  }
0x13f: {  	v1 =	vld [tilespmem:s13+$0xFFFFFDE0];
	_ =	sdelay $0x1  }
0x140: {  	v2 =	vld [tilespmem:s13+$0xFFFFFE20];
	_ =	sdelay $0x1  }
0x141: {  	v3 =	vld [tilespmem:s13+$0xFFFFFE60]  }
0x142: {  	v0 =	vadd.f32 v1, v0  }
0x143: {  	v1 =	vld [tilespmem:s13+$0xFFFFFEA0]  }
0x144: {  	v0 =	vadd.f32 v2, v0  }
0x145: {  	v2 =	vld [tilespmem:s13+$0xFFFFFEE0]  }
0x146: {  	v0 =	vadd.f32 v3, v0  }
0x147: {  	v3 =	vld [tilespmem:s13+$0xFFFFFF20]  }
0x148: {  	v0 =	vadd.f32 v1, v0  }
0x149: {  	v1 =	vld [tilespmem:s13+$0xFFFFFF60]  }
0x14a: {  	v0 =	vadd.f32 v2, v0  }
0x14b: {  	v2 =	vld [tilespmem:s13+$0xFFFFFFA0]  }
0x14c: {  	v0 =	vadd.f32 v3, v0  }
0x14d: {  	v3 =	vld [tilespmem:s13+$0xFFFFFFE0]  }
0x14e: {  	v0 =	vadd.f32 v1, v0  }
0x14f: {  	v1 =	vld [tilespmem:s13+$0x20]  }
0x150: {  	v0 =	vadd.f32 v2, v0  }
0x151: {  	v2 =	vld [tilespmem:s13+$0x60]  }
0x152: {  	v0 =	vadd.f32 v3, v0  }
0x153: {  	v3 =	vld [tilespmem:s13+$0xA0]  }
0x154: {  	v0 =	vadd.f32 v1, v0  }
0x155: {  	v1 =	vld [tilespmem:s13+$0xE0]  }
0x156: {  	v0 =	vadd.f32 v2, v0  }
0x157: {  	v2 =	vld [tilespmem:s13+$0x120]  }
0x158: {  	v0 =	vadd.f32 v3, v0  }
0x159: {  	v3 =	vld [tilespmem:s13+$0x160]  }
0x15a: {  	v0 =	vadd.f32 v1, v0  }
0x15b: {  	v1 =	vld [tilespmem:s13+$0x1A0]  }
0x15c: {  	v0 =	vadd.f32 v2, v0  }
0x15d: {  	v2 =	vld [tilespmem:s13+$0x1E0]  }
0x15e: {  	v0 =	vadd.f32 v3, v0  }
0x15f: {  	v3 =	vld [tilespmem:s13+$0x220]  }
0x160: {  	v0 =	vadd.f32 v1, v0  }
0x161: {  	v1 =	vld [tilespmem:s13+$0x260]  }
0x162: {  	v0 =	vadd.f32 v2, v0;
	_ =	sdelay $0x1  }
0x163: {  	v0 =	vadd.f32 v3, v0;
	_ =	sdelay $0x1  }
0x164: {  	v0 =	vadd.f32 v1, v0;
	_ =	sdelay $0x1  }
0x165: {  	[tilespmem:s14+$0x14520] =	vst v0  }
0x166: {  	v0 =	vld [tilespmem:s13+$0xFFFFFDB0]  }
0x167: {  	v1 =	vld [tilespmem:s13+$0xFFFFFDF0]  }
0x168: {  	v2 =	vld [tilespmem:s13+$0xFFFFFE30]  }
0x169: {  	v3 =	vld [tilespmem:s13+$0xFFFFFE70]  }
0x16a: {  	v4 =	vld [tilespmem:s13+$0xFFFFFEB0]  }
0x16b: {  	v5 =	vld [tilespmem:s13+$0xFFFFFEF0]  }
0x16c: {  	v0 =	vadd.f32 v1, v0;
	v1 =	vld [tilespmem:s13+$0xFFFFFF30]  }
0x16d: {  	v6 =	vld [tilespmem:s13+$0xFFFFFF70]  }
0x16e: {  	v0 =	vadd.f32 v2, v0;
	v2 =	vld [tilespmem:s13+$0xFFFFFFB0]  }
0x16f: {  	v7 =	vld [tilespmem:s13+$0xFFFFFFF0]  }
0x170: {  	v0 =	vadd.f32 v3, v0;
	v3 =	vld [tilespmem:s13+$0x30]  }
0x171: {  	v8 =	vld [tilespmem:s13+$0x70]  }
0x172: {  	v0 =	vadd.f32 v4, v0;
	v4 =	vld [tilespmem:s13+$0xB0]  }
0x173: {  	v9 =	vld [tilespmem:s13+$0xF0]  }
0x174: {  	v0 =	vadd.f32 v5, v0;
	v5 =	vld [tilespmem:s13+$0x130]  }
0x175: {  	v10 =	vld [tilespmem:s13+$0x170]  }
0x176: {  	v0 =	vadd.f32 v1, v0;
	v11 =	vld [tilespmem:s13+$0x1B0]  }
0x177: {  	v12 =	vld [tilespmem:s13+$0x1F0]  }
0x178: {  	v6 =	vadd.f32 v6, v0;
	v1 =	vld [tilespmem:s13+$0x230]  }
0x179: {  	v0 =	vld [tilespmem:s13+$0x270]  }
0x17a: {  	v2 =	vadd.f32 v2, v6;
	_ =	sdelay $0x1  }
0x17b: {  	v2 =	vadd.f32 v7, v2;
	_ =	sdelay $0x1  }
0x17c: {  	v2 =	vadd.f32 v3, v2;
	_ =	sdelay $0x1  }
0x17d: {  	v2 =	vadd.f32 v8, v2;
	_ =	sdelay $0x1  }
0x17e: {  	v2 =	vadd.f32 v4, v2;
	_ =	sdelay $0x1  }
0x17f: {  	v2 =	vadd.f32 v9, v2;
	_ =	sdelay $0x1  }
0x180: {  	v2 =	vadd.f32 v5, v2;
	_ =	sdelay $0x1  }
.Ltmp0:
0x181: {  	v2 =	vadd.f32 v10, v2;
	(pc) =	sbr.rel @p0 .LBB2_2-.Ltmp0, $3  }
0x182: {  	_ = 	snop  }
0x183: {  	v2 =	vadd.f32 v11, v2;
	_ =	sdelay $0x1  }
0x184: {  	v2 =	vadd.f32 v12, v2  }
0x185: {  	_ = 	snop  }
0x186: {  	v1 =	vadd.f32 v1, v2;
	_ =	sdelay $0x1  }
0x187: {  	v0 =	vadd.f32 v0, v1;
	_ =	sdelay $0x1  }
0x188: {  	[tilespmem:s14+$0x14530] =	vst v0  }
0x189: {  	s0 =	sadd.s32 $0x1, s0;
	_ =	swait.ge [sflag:s30], $0xA000  }
0x18a: {  	p0 =	sne.s32 s0, s8;
	[sflag:s30] =	ssyncset.done $0x0  }
.Ltmp1:
0x18b: {  	[sflag:s30] =	ssyncadd.s32 $0xFFFF6000;
	(pc) =	sbr.rel @p0 .LBB2_1-.Ltmp1, $4  }
0x18c: {  	[hbm4b:s7+s31] =	stream.strided.scatter [tilespmem:s1], [sflag:$0x2], $0x800, s11, s31, $0x38;
	[tilespmem:$0x14D00] =	vst v63  }
0x18d: {  	_ =	swait.ge [sflag:s9], $0x800  }
0x18e: {  	[sflag:s9] =	ssyncset.done $0x0  }
0x18f: {  	[sflag:s9] =	ssyncadd.s32 $0xFFFFF800  }
0x190: {  	_ =	sfence.sel $0x180000  }
0x191: {  	[bflag:$0x0] =	sbarrier.arrive $0xFFFF  }
0x192: {  	_ =	strace $0x90000047  }
0x193: {  	s0 =	stileid.u32;
	[bflag:$0x2] =	sbarrier.arrive $0xFFFF  }
0x194: {  	p0 =	sne.s32 s0, $0x0;
	s0 =	rddreg [dreg:$0x4]  }
0x195: {  	s0 =	sadd.s32 @!p0 $0x100000, s0  }
0x196: {  	[sflag:s0] =	ssyncadd.tile.s32 @!p0 $0x1;
	_ =	shalt  }
.Lfunc_end2:
_tile_overlayer_lowered:
.L_overlay_start_2:
0x197: {  	(tag) =	ssettag $0x2  }
0x198: {  	s0 =	rddreg [dreg:$0x0];
	s2 =	stileid.u32  }
0x199: {  	s1 =	rddreg [dreg:$0x1];
	p0 =	sne.s32 s2, $0x0  }
0x19a: {  	s3 =	rddreg [dreg:$0x2];
	[bflag:$0x3] =	sbarrier.arrive $0xFFFF;
	s2 =	simm.s32 @!p0 $0x1C02  }
0x19b: {  	[timem:s3], [sflag:s2] =	dma.local @!p0 [hbm:s0], s1  }
0x19c: {  	s0 =	simm.s32 @!p0 $0x2  }
0x19d: {  	_ =	swait.ge @!p0 [sflag:s0], s1  }
0x19e: {  	s1 =	ssub.s32 @!p0 $0x0, s1;
	[sflag:s0] =	ssyncset.done @!p0 $0x0  }
0x19f: {  	[sflag:s0] =	ssyncadd.s32 @!p0 s1  }
0x1a0: {  	[bflag:$0x3] =	sbarrier.arrive $0xFFFF  }
0x1a1: {  	_ =	shalt  }

</sc_bundles>
